<compile_context>
chip_gen: v7x
topology: tpu7x:2x2x1
jax: 0.10.2.dev20260603
libtpu: 0.0.44.dev20260713+nightly
codegen_flags: <defaults>
</compile_context>

<pallas_src>
import functools
import jax
import jax.numpy as jnp
from jax import lax
from jax.experimental import pallas as pl
from jax.experimental.pallas import tpu as pltpu
from jax.experimental.pallas import tpu_sc as plsc

CH, IT, TR, ST = 64, 32, 32, 12
L = 50
NX = 23
OW = CH + 3 * IT + 7 * TR + ST
NROWS = 4096 * L
NW = 32
RPW = NROWS // NW
CR = 128
NCHUNK = RPW // CR
XW = CR * NX
OWW = CR * OW

_ITEM_BASE = CH
_TRAIT_BASE = CH + 3 * IT


def _sc_body(xf, comb, out, xv, ob, vc, offs):
    wid = lax.axis_index("s") * 2 + lax.axis_index("c")
    pltpu.sync_copy(comb, vc)
    champ = [vc[pl.ds(16 * k, 16)] for k in range(CH // 16)]
    item_rows = [(vc[pl.ds(_ITEM_BASE + 32 * k, 16)],
                  vc[pl.ds(_ITEM_BASE + 32 * k + 16, 16)]) for k in range(3)]
    trait_rows = [(vc[pl.ds(_TRAIT_BASE + 32 * k, 16)],
                   vc[pl.ds(_TRAIT_BASE + 32 * k + 16, 16)]) for k in range(7)]
    _dnums = lax.GatherDimensionNumbers(
        offset_dims=(), collapsed_slice_dims=(0,), start_index_map=(0,))

    def _bcast(vec, lane):
        idx = jnp.full((16, 1), lane, jnp.int32)
        return lax.gather(vec, idx, _dnums, (1,),
                          mode=lax.GatherScatterMode.PROMISE_IN_BOUNDS)
    def champ_body(r, _):
        for k in range(1, CH // 16):
            ob[pl.ds(r * OW + 16 * k, 16)] = champ[k]
        return _

    lax.fori_loop(0, CR, champ_body, 0, unroll=4)

    def chunk_body(c, _):
        base_row = wid * RPW + c * CR
        pltpu.sync_copy(xf.at[pl.ds(base_row * NX, XW)], xv.at[pl.ds(0, XW)])

        def row_body(r, _):
            ob_off = r * OW
            ob[pl.ds(ob_off, 16)] = champ[0]
            idvec = xv[pl.ds(r * NX, 16)]
            for s in range(10):
                rows = item_rows if s < 3 else trait_rows
                b = _bcast(idvec, 1 + s)
                lo, hi = rows[0]
                for k in range(1, len(rows)):
                    lo = jnp.where(b >= jnp.float32(k), rows[k][0], lo)
                    hi = jnp.where(b >= jnp.float32(k), rows[k][1], hi)
                dst = ob_off + CH + 32 * s
                ob[pl.ds(dst, 16)] = lo
                ob[pl.ds(dst + 16, 16)] = hi
            ob[pl.ds(ob_off + CH + 320, 16)] = xv[pl.ds(r * NX + 11, 16)]
            return _

        lax.fori_loop(0, CR, row_body, 0, unroll=4)
        pltpu.sync_copy(ob.at[pl.ds(0, OWW)],
                        out.at[pl.ds(base_row * OW, OWW)])
        return _

    lax.fori_loop(0, NCHUNK, chunk_body, 0, unroll=False)


def kernel(x, champion_w, item_w, trait_w):
    xf = x.reshape(-1)
    comb = jnp.concatenate([
        champion_w.reshape(-1), item_w.reshape(-1), trait_w.reshape(-1)])
    mesh = plsc.VectorSubcoreMesh(core_axis_name="c", subcore_axis_name="s")
    out_flat = pl.kernel(
        _sc_body,
        mesh=mesh,
        compiler_params=pltpu.CompilerParams(needs_layout_passes=False),
        out_type=jax.ShapeDtypeStruct((NROWS * OW,), jnp.float32),
        scratch_types=[
            pltpu.VMEM((XW + 16,), jnp.float32),
            pltpu.VMEM((OWW + 16,), jnp.float32),
            pltpu.VMEM((384,), jnp.float32),
            pltpu.VMEM((16 * CR,), jnp.int32),
        ],
    )(xf, comb)
    return out_flat.reshape(4096, L, OW)

# --- scband reference (transcript-rebuilt; emitter-appended) ---
"""Pipeline reference for scband-champion-embedding-53137335386222 (READ-ONLY COPY).

The authoritative reference and input builder live on the scoring server;
editing this copy changes nothing except your own understanding.
"""

import jax, jax.numpy as jnp
import numpy as np

CH, IT, TR, ST = 64, 32, 32, 12
B, L = 4096, 50


def setup_inputs(seed: int = 0) -> dict:
    key = jax.random.key(seed)
    k1, k2, k3, k4 = jax.random.split(key, 4)
    # x: float32[B, L, 23]; first 11 columns are ids (uniform [0,1) -> int16 cast gives 0,
    # which is a valid index for all three tiny tables), last 12 columns are stats.
    x = jax.random.uniform(k1, (B, L, 11 + ST), dtype=jnp.float32)
    champion_w = jax.random.normal(k2, (1, CH), dtype=jnp.float32) * 0.02
    item_w = jax.random.normal(k3, (3, IT), dtype=jnp.float32) * 0.02
    trait_w = jax.random.normal(k4, (7, TR), dtype=jnp.float32) * 0.02
    return {"x": x, "champion_w": champion_w, "item_w": item_w, "trait_w": trait_w}


def reference(x, champion_w, item_w, trait_w):
    ids = x[..., :11].astype(jnp.int16)
    stats_vector = x[..., 11:]
    championID = ids[..., 0].astype(jnp.int32)
    itemIDs = ids[..., 1:4].astype(jnp.int32)
    traitIDs = ids[..., 4:11].astype(jnp.int32)
    champion_embedding = jnp.take(champion_w, championID, axis=0)
    item_embedding = jnp.take(item_w, itemIDs, axis=0)
    trait_embedding = jnp.take(trait_w, traitIDs, axis=0)
    batch_shape = item_embedding.shape[:-2]
    item_embedding = jnp.reshape(item_embedding, (*batch_shape, IT * 3))
    # NOTE: the original module reshapes the trait embedding using
    # item_embedding_size * 7 (a latent bug); we set trait_embedding_size ==
    # item_embedding_size so the reshape is valid, matching the original math.
    trait_embedding = jnp.reshape(trait_embedding, (*batch_shape, IT * 7))
    return jnp.concatenate([champion_embedding, item_embedding, trait_embedding, stats_vector], axis=-1)

if __name__ == "__main__":
    import jax
    _d = setup_inputs()
    print(jax.jit(kernel)(*tuple(_d.values())))

</pallas_src>

<mosaic_0001>
#map = affine_map<(d0, d1) -> (0)>
module attributes {stable_mosaic.version = 14 : i64} {
  func.func @_sc_body(%arg0: i32, %arg1: i32, %arg2: memref<4710400xf32, #tpu.memory_space<hbm>>, %arg3: memref<384xf32, #tpu.memory_space<hbm>>, %arg4: memref<81100800xf32, #tpu.memory_space<hbm>>, %arg5: memref<2960xf32, #tpu.memory_space<vmem>>, %arg6: memref<50704xf32, #tpu.memory_space<vmem>>, %arg7: memref<384xf32, #tpu.memory_space<vmem>>, %arg8: memref<2048xi32, #tpu.memory_space<vmem>>) attributes {dimension_semantics = [#tpu.dimension_semantics<core_parallel>, #tpu.dimension_semantics<subcore_parallel>], iteration_bounds = array<i64: 2, 16>, scalar_prefetch = 0 : i64, scratch_operands = 4 : i64, tpu.core_type = #tpu.core_type<sc_vector_subcore>, window_params = [{transform_indices = #map}, {transform_indices = #map}, {transform_indices = #map}]} {
    %mul3A = arith.constant 2 : i32
    %mul3A_0 = arith.muli %arg1, %mul3A : i32
    %add3A = arith.addi %mul3A_0, %arg0 : i32
    "tpu.region"() ({
      %run_scoped3A = tpu.sem_alloc : memref<!tpu.dma_semaphore, #tpu.memory_space<semaphore_mem>>
      tpu.enqueue_dma source(%arg3 : memref<384xf32, #tpu.memory_space<hbm>>) target(%arg7 : memref<384xf32, #tpu.memory_space<vmem>>) target_semaphore(%run_scoped3A : memref<!tpu.dma_semaphore, #tpu.memory_space<semaphore_mem>>)
      tpu.wait_dma2 semaphore(%run_scoped3A : memref<!tpu.dma_semaphore, #tpu.memory_space<semaphore_mem>>) src(%arg3 : memref<384xf32, #tpu.memory_space<hbm>>) dst(%arg7 : memref<384xf32, #tpu.memory_space<vmem>>)
      tpu.yield
    }) : () -> ()
    %get3A = arith.constant 0 : index
    %get3A_1 = tpu.vector_load %arg7[%get3A] {strides = array<i32>} : memref<384xf32, #tpu.memory_space<vmem>>, vector<16xf32>,
    %get3A_2 = arith.constant 16 : index
    %get3A_3 = tpu.vector_load %arg7[%get3A_2] {strides = array<i32>} : memref<384xf32, #tpu.memory_space<vmem>>, vector<16xf32>,
    %get3A_4 = arith.constant 32 : index
    %get3A_5 = tpu.vector_load %arg7[%get3A_4] {strides = array<i32>} : memref<384xf32, #tpu.memory_space<vmem>>, vector<16xf32>,
    %get3A_6 = arith.constant 48 : index
    %get3A_7 = tpu.vector_load %arg7[%get3A_6] {strides = array<i32>} : memref<384xf32, #tpu.memory_space<vmem>>, vector<16xf32>,
    %get3A_8 = arith.constant 64 : index
    %get3A_9 = tpu.vector_load %arg7[%get3A_8] {strides = array<i32>} : memref<384xf32, #tpu.memory_space<vmem>>, vector<16xf32>,
    %get3A_10 = arith.constant 80 : index
    %get3A_11 = tpu.vector_load %arg7[%get3A_10] {strides = array<i32>} : memref<384xf32, #tpu.memory_space<vmem>>, vector<16xf32>,
    %get3A_12 = arith.constant 96 : index
    %get3A_13 = tpu.vector_load %arg7[%get3A_12] {strides = array<i32>} : memref<384xf32, #tpu.memory_space<vmem>>, vector<16xf32>,
    %get3A_14 = arith.constant 112 : index
    %get3A_15 = tpu.vector_load %arg7[%get3A_14] {strides = array<i32>} : memref<384xf32, #tpu.memory_space<vmem>>, vector<16xf32>,
    %get3A_16 = arith.constant 128 : index
    %get3A_17 = tpu.vector_load %arg7[%get3A_16] {strides = array<i32>} : memref<384xf32, #tpu.memory_space<vmem>>, vector<16xf32>,
    %get3A_18 = arith.constant 144 : index
    %get3A_19 = tpu.vector_load %arg7[%get3A_18] {strides = array<i32>} : memref<384xf32, #tpu.memory_space<vmem>>, vector<16xf32>,
    %get3A_20 = arith.constant 160 : index
    %get3A_21 = tpu.vector_load %arg7[%get3A_20] {strides = array<i32>} : memref<384xf32, #tpu.memory_space<vmem>>, vector<16xf32>,
    %get3A_22 = arith.constant 176 : index
    %get3A_23 = tpu.vector_load %arg7[%get3A_22] {strides = array<i32>} : memref<384xf32, #tpu.memory_space<vmem>>, vector<16xf32>,
    %get3A_24 = arith.constant 192 : index
    %get3A_25 = tpu.vector_load %arg7[%get3A_24] {strides = array<i32>} : memref<384xf32, #tpu.memory_space<vmem>>, vector<16xf32>,
    %get3A_26 = arith.constant 208 : index
    %get3A_27 = tpu.vector_load %arg7[%get3A_26] {strides = array<i32>} : memref<384xf32, #tpu.memory_space<vmem>>, vector<16xf32>,
    %get3A_28 = arith.constant 224 : index
    %get3A_29 = tpu.vector_load %arg7[%get3A_28] {strides = array<i32>} : memref<384xf32, #tpu.memory_space<vmem>>, vector<16xf32>,
    %get3A_30 = arith.constant 240 : index
    %get3A_31 = tpu.vector_load %arg7[%get3A_30] {strides = array<i32>} : memref<384xf32, #tpu.memory_space<vmem>>, vector<16xf32>,
    %get3A_32 = arith.constant 256 : index
    %get3A_33 = tpu.vector_load %arg7[%get3A_32] {strides = array<i32>} : memref<384xf32, #tpu.memory_space<vmem>>, vector<16xf32>,
    %get3A_34 = arith.constant 272 : index
    %get3A_35 = tpu.vector_load %arg7[%get3A_34] {strides = array<i32>} : memref<384xf32, #tpu.memory_space<vmem>>, vector<16xf32>,
    %get3A_36 = arith.constant 288 : index
    %get3A_37 = tpu.vector_load %arg7[%get3A_36] {strides = array<i32>} : memref<384xf32, #tpu.memory_space<vmem>>, vector<16xf32>,
    %get3A_38 = arith.constant 304 : index
    %get3A_39 = tpu.vector_load %arg7[%get3A_38] {strides = array<i32>} : memref<384xf32, #tpu.memory_space<vmem>>, vector<16xf32>,
    %get3A_40 = arith.constant 320 : index
    %get3A_41 = tpu.vector_load %arg7[%get3A_40] {strides = array<i32>} : memref<384xf32, #tpu.memory_space<vmem>>, vector<16xf32>,
    %get3A_42 = arith.constant 336 : index
    %get3A_43 = tpu.vector_load %arg7[%get3A_42] {strides = array<i32>} : memref<384xf32, #tpu.memory_space<vmem>>, vector<16xf32>,
    %get3A_44 = arith.constant 352 : index
    %get3A_45 = tpu.vector_load %arg7[%get3A_44] {strides = array<i32>} : memref<384xf32, #tpu.memory_space<vmem>>, vector<16xf32>,
    %get3A_46 = arith.constant 368 : index
    %get3A_47 = tpu.vector_load %arg7[%get3A_46] {strides = array<i32>} : memref<384xf32, #tpu.memory_space<vmem>>, vector<16xf32>,
    %scan3A = arith.constant 0 : i32
    %scan3A_48 = arith.constant 0 : i32
    %scan3A_49 = arith.constant 128 : i32
    %scan3A_50 = arith.addi %scan3A_48, %scan3A_49 : i32
    %scan3A_51 = arith.constant 4 : i32
    scf.for %scan3A_59 = %scan3A_48 to %scan3A_50 step %scan3A_51  : i32 {
      %mul3A_60 = arith.constant 396 : i32
      %mul3A_61 = arith.muli %scan3A_59, %mul3A_60 : i32
      %add3A_62 = arith.constant 16 : i32
      %add3A_63 = arith.addi %mul3A_61, %add3A_62 : i32
      %swap3A = arith.index_cast %add3A_63 : i32 to index
      %swap3A_64 = tpu.vector_load %arg6[%swap3A] {strides = array<i32>} : memref<50704xf32, #tpu.memory_space<vmem>>, vector<16xf32>,
      tpu.vector_store %arg6[%swap3A], %get3A_3 {strides = array<i32>} : memref<50704xf32, #tpu.memory_space<vmem>>, vector<16xf32>,
      %mul3A_65 = arith.constant 396 : i32
      %mul3A_66 = arith.muli %scan3A_59, %mul3A_65 : i32
      %add3A_67 = arith.constant 32 : i32
      %add3A_68 = arith.addi %mul3A_66, %add3A_67 : i32
      %swap3A_69 = arith.index_cast %add3A_68 : i32 to index
      %swap3A_70 = tpu.vector_load %arg6[%swap3A_69] {strides = array<i32>} : memref<50704xf32, #tpu.memory_space<vmem>>, vector<16xf32>,
      tpu.vector_store %arg6[%swap3A_69], %get3A_5 {strides = array<i32>} : memref<50704xf32, #tpu.memory_space<vmem>>, vector<16xf32>,
      %mul3A_71 = arith.constant 396 : i32
      %mul3A_72 = arith.muli %scan3A_59, %mul3A_71 : i32
      %add3A_73 = arith.constant 48 : i32
      %add3A_74 = arith.addi %mul3A_72, %add3A_73 : i32
      %swap3A_75 = arith.index_cast %add3A_74 : i32 to index
      %swap3A_76 = tpu.vector_load %arg6[%swap3A_75] {strides = array<i32>} : memref<50704xf32, #tpu.memory_space<vmem>>, vector<16xf32>,
      tpu.vector_store %arg6[%swap3A_75], %get3A_7 {strides = array<i32>} : memref<50704xf32, #tpu.memory_space<vmem>>, vector<16xf32>,
      %scan3A_77 = arith.constant 1 : i32
      %scan3A_78 = arith.addi %scan3A_59, %scan3A_77 : i32
      %mul3A_79 = arith.constant 396 : i32
      %mul3A_80 = arith.muli %scan3A_78, %mul3A_79 : i32
      %add3A_81 = arith.constant 16 : i32
      %add3A_82 = arith.addi %mul3A_80, %add3A_81 : i32
      %swap3A_83 = arith.index_cast %add3A_82 : i32 to index
      %swap3A_84 = tpu.vector_load %arg6[%swap3A_83] {strides = array<i32>} : memref<50704xf32, #tpu.memory_space<vmem>>, vector<16xf32>,
      tpu.vector_store %arg6[%swap3A_83], %get3A_3 {strides = array<i32>} : memref<50704xf32, #tpu.memory_space<vmem>>, vector<16xf32>,
      %mul3A_85 = arith.constant 396 : i32
      %mul3A_86 = arith.muli %scan3A_78, %mul3A_85 : i32
      %add3A_87 = arith.constant 32 : i32
      %add3A_88 = arith.addi %mul3A_86, %add3A_87 : i32
      %swap3A_89 = arith.index_cast %add3A_88 : i32 to index
      %swap3A_90 = tpu.vector_load %arg6[%swap3A_89] {strides = array<i32>} : memref<50704xf32, #tpu.memory_space<vmem>>, vector<16xf32>,
      tpu.vector_store %arg6[%swap3A_89], %get3A_5 {strides = array<i32>} : memref<50704xf32, #tpu.memory_space<vmem>>, vector<16xf32>,
      %mul3A_91 = arith.constant 396 : i32
      %mul3A_92 = arith.muli %scan3A_78, %mul3A_91 : i32
      %add3A_93 = arith.constant 48 : i32
      %add3A_94 = arith.addi %mul3A_92, %add3A_93 : i32
      %swap3A_95 = arith.index_cast %add3A_94 : i32 to index
      %swap3A_96 = tpu.vector_load %arg6[%swap3A_95] {strides = array<i32>} : memref<50704xf32, #tpu.memory_space<vmem>>, vector<16xf32>,
      tpu.vector_store %arg6[%swap3A_95], %get3A_7 {strides = array<i32>} : memref<50704xf32, #tpu.memory_space<vmem>>, vector<16xf32>,
      %scan3A_97 = arith.constant 2 : i32
      %scan3A_98 = arith.addi %scan3A_59, %scan3A_97 : i32
      %mul3A_99 = arith.constant 396 : i32
      %mul3A_100 = arith.muli %scan3A_98, %mul3A_99 : i32
      %add3A_101 = arith.constant 16 : i32
      %add3A_102 = arith.addi %mul3A_100, %add3A_101 : i32
      %swap3A_103 = arith.index_cast %add3A_102 : i32 to index
      %swap3A_104 = tpu.vector_load %arg6[%swap3A_103] {strides = array<i32>} : memref<50704xf32, #tpu.memory_space<vmem>>, vector<16xf32>,
      tpu.vector_store %arg6[%swap3A_103], %get3A_3 {strides = array<i32>} : memref<50704xf32, #tpu.memory_space<vmem>>, vector<16xf32>,
      %mul3A_105 = arith.constant 396 : i32
      %mul3A_106 = arith.muli %scan3A_98, %mul3A_105 : i32
      %add3A_107 = arith.constant 32 : i32
      %add3A_108 = arith.addi %mul3A_106, %add3A_107 : i32
      %swap3A_109 = arith.index_cast %add3A_108 : i32 to index
      %swap3A_110 = tpu.vector_load %arg6[%swap3A_109] {strides = array<i32>} : memref<50704xf32, #tpu.memory_space<vmem>>, vector<16xf32>,
      tpu.vector_store %arg6[%swap3A_109], %get3A_5 {strides = array<i32>} : memref<50704xf32, #tpu.memory_space<vmem>>, vector<16xf32>,
      %mul3A_111 = arith.constant 396 : i32
      %mul3A_112 = arith.muli %scan3A_98, %mul3A_111 : i32
      %add3A_113 = arith.constant 48 : i32
      %add3A_114 = arith.addi %mul3A_112, %add3A_113 : i32
      %swap3A_115 = arith.index_cast %add3A_114 : i32 to index
      %swap3A_116 = tpu.vector_load %arg6[%swap3A_115] {strides = array<i32>} : memref<50704xf32, #tpu.memory_space<vmem>>, vector<16xf32>,
      tpu.vector_store %arg6[%swap3A_115], %get3A_7 {strides = array<i32>} : memref<50704xf32, #tpu.memory_space<vmem>>, vector<16xf32>,
      %scan3A_117 = arith.constant 3 : i32
      %scan3A_118 = arith.addi %scan3A_59, %scan3A_117 : i32
      %mul3A_119 = arith.constant 396 : i32
      %mul3A_120 = arith.muli %scan3A_118, %mul3A_119 : i32
      %add3A_121 = arith.constant 16 : i32
      %add3A_122 = arith.addi %mul3A_120, %add3A_121 : i32
      %swap3A_123 = arith.index_cast %add3A_122 : i32 to index
      %swap3A_124 = tpu.vector_load %arg6[%swap3A_123] {strides = array<i32>} : memref<50704xf32, #tpu.memory_space<vmem>>, vector<16xf32>,
      tpu.vector_store %arg6[%swap3A_123], %get3A_3 {strides = array<i32>} : memref<50704xf32, #tpu.memory_space<vmem>>, vector<16xf32>,
      %mul3A_125 = arith.constant 396 : i32
      %mul3A_126 = arith.muli %scan3A_118, %mul3A_125 : i32
      %add3A_127 = arith.constant 32 : i32
      %add3A_128 = arith.addi %mul3A_126, %add3A_127 : i32
      %swap3A_129 = arith.index_cast %add3A_128 : i32 to index
      %swap3A_130 = tpu.vector_load %arg6[%swap3A_129] {strides = array<i32>} : memref<50704xf32, #tpu.memory_space<vmem>>, vector<16xf32>,
      tpu.vector_store %arg6[%swap3A_129], %get3A_5 {strides = array<i32>} : memref<50704xf32, #tpu.memory_space<vmem>>, vector<16xf32>,
      %mul3A_131 = arith.constant 396 : i32
      %mul3A_132 = arith.muli %scan3A_118, %mul3A_131 : i32
      %add3A_133 = arith.constant 48 : i32
      %add3A_134 = arith.addi %mul3A_132, %add3A_133 : i32
      %swap3A_135 = arith.index_cast %add3A_134 : i32 to index
      %swap3A_136 = tpu.vector_load %arg6[%swap3A_135] {strides = array<i32>} : memref<50704xf32, #tpu.memory_space<vmem>>, vector<16xf32>,
      tpu.vector_store %arg6[%swap3A_135], %get3A_7 {strides = array<i32>} : memref<50704xf32, #tpu.memory_space<vmem>>, vector<16xf32>,
    }
    %scan3A_52 = arith.constant 128 : i32
    %scan3A_53 = arith.constant 0 : i32
    %scan3A_54 = arith.constant 0 : i32
    %scan3A_55 = arith.constant 50 : i32
    %scan3A_56 = arith.addi %scan3A_54, %scan3A_55 : i32
    %scan3A_57 = arith.constant 1 : i32
    scf.for %scan3A_59 = %scan3A_54 to %scan3A_56 step %scan3A_57  : i32 {
      %mul3A_60 = arith.constant 6400 : i32
      %mul3A_61 = arith.muli %add3A, %mul3A_60 : i32
      %mul3A_62 = arith.constant 128 : i32
      %mul3A_63 = arith.muli %scan3A_59, %mul3A_62 : i32
      %add3A_64 = arith.addi %mul3A_61, %mul3A_63 : i32
      %mul3A_65 = arith.constant 23 : i32
      %mul3A_66 = arith.muli %add3A_64, %mul3A_65 : i32
      "tpu.region"() ({
        %run_scoped3A = tpu.sem_alloc : memref<!tpu.dma_semaphore, #tpu.memory_space<semaphore_mem>>
        %dma_start3A = arith.constant 0 : i32
        %dma_start3A_75 = tpu.memref_slice %arg5[%dma_start3A] : memref<2960xf32, #tpu.memory_space<vmem>> -> memref<2944xf32, #tpu.memory_space<vmem>>
        %dma_start3A_76 = tpu.memref_slice %arg2[%mul3A_66] : memref<4710400xf32, #tpu.memory_space<hbm>> -> memref<2944xf32, #tpu.memory_space<hbm>>
        %dma_start3A_77 = arith.constant 0 : i32
        %dma_start3A_78 = tpu.memref_slice %arg5[%dma_start3A_77] : memref<2960xf32, #tpu.memory_space<vmem>> -> memref<2944xf32, #tpu.memory_space<vmem>>
        %dma_start3A_79 = tpu.memref_slice %arg2[%mul3A_66] : memref<4710400xf32, #tpu.memory_space<hbm>> -> memref<2944xf32, #tpu.memory_space<hbm>>
        tpu.enqueue_dma source(%dma_start3A_79 : memref<2944xf32, #tpu.memory_space<hbm>>) target(%dma_start3A_78 : memref<2944xf32, #tpu.memory_space<vmem>>) target_semaphore(%run_scoped3A : memref<!tpu.dma_semaphore, #tpu.memory_space<semaphore_mem>>)
        %dma_wait3A = arith.constant 0 : i32
        %dma_wait3A_80 = tpu.memref_slice %arg5[%dma_wait3A] : memref<2960xf32, #tpu.memory_space<vmem>> -> memref<2944xf32, #tpu.memory_space<vmem>>
        %dma_wait3A_81 = tpu.memref_slice %arg2[%mul3A_66] : memref<4710400xf32, #tpu.memory_space<hbm>> -> memref<2944xf32, #tpu.memory_space<hbm>>
        %dma_wait3A_82 = arith.constant 0 : i32
        %dma_wait3A_83 = tpu.memref_slice %arg5[%dma_wait3A_82] : memref<2960xf32, #tpu.memory_space<vmem>> -> memref<2944xf32, #tpu.memory_space<vmem>>
        %dma_wait3A_84 = tpu.memref_slice %arg2[%mul3A_66] : memref<4710400xf32, #tpu.memory_space<hbm>> -> memref<2944xf32, #tpu.memory_space<hbm>>
        tpu.wait_dma2 semaphore(%run_scoped3A : memref<!tpu.dma_semaphore, #tpu.memory_space<semaphore_mem>>) src(%dma_wait3A_84 : memref<2944xf32, #tpu.memory_space<hbm>>) dst(%dma_wait3A_83 : memref<2944xf32, #tpu.memory_space<vmem>>)
        tpu.yield
      }) : () -> ()
      %scan3A_67 = arith.constant 0 : i32
      %scan3A_68 = arith.constant 0 : i32
      %scan3A_69 = arith.constant 128 : i32
      %scan3A_70 = arith.addi %scan3A_68, %scan3A_69 : i32
      %scan3A_71 = arith.constant 4 : i32
      scf.for %scan3A_75 = %scan3A_68 to %scan3A_70 step %scan3A_71  : i32 {
        %mul3A_76 = arith.constant 396 : i32
        %mul3A_77 = arith.muli %scan3A_75, %mul3A_76 : i32
        %swap3A = arith.index_cast %mul3A_77 : i32 to index
        %swap3A_78 = tpu.vector_load %arg6[%swap3A] {strides = array<i32>} : memref<50704xf32, #tpu.memory_space<vmem>>, vector<16xf32>,
        tpu.vector_store %arg6[%swap3A], %get3A_1 {strides = array<i32>} : memref<50704xf32, #tpu.memory_space<vmem>>, vector<16xf32>,
        %mul3A_79 = arith.constant 23 : i32
        %mul3A_80 = arith.muli %scan3A_75, %mul3A_79 : i32
        %get3A_81 = arith.index_cast %mul3A_80 : i32 to index
        %get3A_82 = tpu.vector_load %arg5[%get3A_81] {strides = array<i32>} : memref<2960xf32, #tpu.memory_space<vmem>>, vector<16xf32>,
        %broadcast_in_dim3A = arith.constant 1 : i32
        %broadcast_in_dim3A_83 = vector.broadcast %broadcast_in_dim3A : i32 to vector<16x1xi32>
        %gather3A = vector.shape_cast %broadcast_in_dim3A_83 : vector<16x1xi32> to vector<16xi32>
        %gather3A_84 = tpu.dynamic_gather %get3A_82[%gather3A] in [0] : vector<16xf32>, vector<16xi32> -> vector<16xf32>
        %ge3A = arith.constant 1.000000e+00 : f32
        %ge3A_85 = vector.broadcast %ge3A : f32 to vector<16xf32>
        %ge3A_86 = arith.cmpf oge, %gather3A_84, %ge3A_85 : vector<16xf32>
        %select_n3A = arith.select %ge3A_86, %get3A_13, %get3A_9 : vector<16xi1>, vector<16xf32>
        %ge3A_87 = arith.constant 1.000000e+00 : f32
        %ge3A_88 = vector.broadcast %ge3A_87 : f32 to vector<16xf32>
        %ge3A_89 = arith.cmpf oge, %gather3A_84, %ge3A_88 : vector<16xf32>
        %select_n3A_90 = arith.select %ge3A_89, %get3A_15, %get3A_11 : vector<16xi1>, vector<16xf32>
        %ge3A_91 = arith.constant 2.000000e+00 : f32
        %ge3A_92 = vector.broadcast %ge3A_91 : f32 to vector<16xf32>
        %ge3A_93 = arith.cmpf oge, %gather3A_84, %ge3A_92 : vector<16xf32>
        %select_n3A_94 = arith.select %ge3A_93, %get3A_17, %select_n3A : vector<16xi1>, vector<16xf32>
        %ge3A_95 = arith.constant 2.000000e+00 : f32
        %ge3A_96 = vector.broadcast %ge3A_95 : f32 to vector<16xf32>
        %ge3A_97 = arith.cmpf oge, %gather3A_84, %ge3A_96 : vector<16xf32>
        %select_n3A_98 = arith.select %ge3A_97, %get3A_19, %select_n3A_90 : vector<16xi1>, vector<16xf32>
        %add3A_99 = arith.constant 64 : i32
        %add3A_100 = arith.addi %mul3A_77, %add3A_99 : i32
        %add3A_101 = arith.constant 0 : i32
        %add3A_102 = arith.addi %add3A_100, %add3A_101 : i32
        %swap3A_103 = arith.index_cast %add3A_102 : i32 to index
        %swap3A_104 = tpu.vector_load %arg6[%swap3A_103] {strides = array<i32>} : memref<50704xf32, #tpu.memory_space<vmem>>, vector<16xf32>,
        tpu.vector_store %arg6[%swap3A_103], %select_n3A_94 {strides = array<i32>} : memref<50704xf32, #tpu.memory_space<vmem>>, vector<16xf32>,
        %add3A_105 = arith.constant 16 : i32
        %add3A_106 = arith.addi %add3A_102, %add3A_105 : i32
        %swap3A_107 = arith.index_cast %add3A_106 : i32 to index
        %swap3A_108 = tpu.vector_load %arg6[%swap3A_107] {strides = array<i32>} : memref<50704xf32, #tpu.memory_space<vmem>>, vector<16xf32>,
        tpu.vector_store %arg6[%swap3A_107], %select_n3A_98 {strides = array<i32>} : memref<50704xf32, #tpu.memory_space<vmem>>, vector<16xf32>,
        %broadcast_in_dim3A_109 = arith.constant 2 : i32
        %broadcast_in_dim3A_110 = vector.broadcast %broadcast_in_dim3A_109 : i32 to vector<16x1xi32>
        %gather3A_111 = vector.shape_cast %broadcast_in_dim3A_110 : vector<16x1xi32> to vector<16xi32>
        %gather3A_112 = tpu.dynamic_gather %get3A_82[%gather3A_111] in [0] : vector<16xf32>, vector<16xi32> -> vector<16xf32>
        %ge3A_113 = arith.constant 1.000000e+00 : f32
        %ge3A_114 = vector.broadcast %ge3A_113 : f32 to vector<16xf32>
        %ge3A_115 = arith.cmpf oge, %gather3A_112, %ge3A_114 : vector<16xf32>
        %select_n3A_116 = arith.select %ge3A_115, %get3A_13, %get3A_9 : vector<16xi1>, vector<16xf32>
        %ge3A_117 = arith.constant 1.000000e+00 : f32
        %ge3A_118 = vector.broadcast %ge3A_117 : f32 to vector<16xf32>
        %ge3A_119 = arith.cmpf oge, %gather3A_112, %ge3A_118 : vector<16xf32>
        %select_n3A_120 = arith.select %ge3A_119, %get3A_15, %get3A_11 : vector<16xi1>, vector<16xf32>
        %ge3A_121 = arith.constant 2.000000e+00 : f32
        %ge3A_122 = vector.broadcast %ge3A_121 : f32 to vector<16xf32>
        %ge3A_123 = arith.cmpf oge, %gather3A_112, %ge3A_122 : vector<16xf32>
        %select_n3A_124 = arith.select %ge3A_123, %get3A_17, %select_n3A_116 : vector<16xi1>, vector<16xf32>
        %ge3A_125 = arith.constant 2.000000e+00 : f32
        %ge3A_126 = vector.broadcast %ge3A_125 : f32 to vector<16xf32>
        %ge3A_127 = arith.cmpf oge, %gather3A_112, %ge3A_126 : vector<16xf32>
        %select_n3A_128 = arith.select %ge3A_127, %get3A_19, %select_n3A_120 : vector<16xi1>, vector<16xf32>
        %add3A_129 = arith.constant 64 : i32
        %add3A_130 = arith.addi %mul3A_77, %add3A_129 : i32
        %add3A_131 = arith.constant 32 : i32
        %add3A_132 = arith.addi %add3A_130, %add3A_131 : i32
        %swap3A_133 = arith.index_cast %add3A_132 : i32 to index
        %swap3A_134 = tpu.vector_load %arg6[%swap3A_133] {strides = array<i32>} : memref<50704xf32, #tpu.memory_space<vmem>>, vector<16xf32>,
        tpu.vector_store %arg6[%swap3A_133], %select_n3A_124 {strides = array<i32>} : memref<50704xf32, #tpu.memory_space<vmem>>, vector<16xf32>,
        %add3A_135 = arith.constant 16 : i32
        %add3A_136 = arith.addi %add3A_132, %add3A_135 : i32
        %swap3A_137 = arith.index_cast %add3A_136 : i32 to index
        %swap3A_138 = tpu.vector_load %arg6[%swap3A_137] {strides = array<i32>} : memref<50704xf32, #tpu.memory_space<vmem>>, vector<16xf32>,
        tpu.vector_store %arg6[%swap3A_137], %select_n3A_128 {strides = array<i32>} : memref<50704xf32, #tpu.memory_space<vmem>>, vector<16xf32>,
        %broadcast_in_dim3A_139 = arith.constant 3 : i32
        %broadcast_in_dim3A_140 = vector.broadcast %broadcast_in_dim3A_139 : i32 to vector<16x1xi32>
        %gather3A_141 = vector.shape_cast %broadcast_in_dim3A_140 : vector<16x1xi32> to vector<16xi32>
        %gather3A_142 = tpu.dynamic_gather %get3A_82[%gather3A_141] in [0] : vector<16xf32>, vector<16xi32> -> vector<16xf32>
        %ge3A_143 = arith.constant 1.000000e+00 : f32
        %ge3A_144 = vector.broadcast %ge3A_143 : f32 to vector<16xf32>
        %ge3A_145 = arith.cmpf oge, %gather3A_142, %ge3A_144 : vector<16xf32>
        %select_n3A_146 = arith.select %ge3A_145, %get3A_13, %get3A_9 : vector<16xi1>, vector<16xf32>
        %ge3A_147 = arith.constant 1.000000e+00 : f32
        %ge3A_148 = vector.broadcast %ge3A_147 : f32 to vector<16xf32>
        %ge3A_149 = arith.cmpf oge, %gather3A_142, %ge3A_148 : vector<16xf32>
        %select_n3A_150 = arith.select %ge3A_149, %get3A_15, %get3A_11 : vector<16xi1>, vector<16xf32>
        %ge3A_151 = arith.constant 2.000000e+00 : f32
        %ge3A_152 = vector.broadcast %ge3A_151 : f32 to vector<16xf32>
        %ge3A_153 = arith.cmpf oge, %gather3A_142, %ge3A_152 : vector<16xf32>
        %select_n3A_154 = arith.select %ge3A_153, %get3A_17, %select_n3A_146 : vector<16xi1>, vector<16xf32>
        %ge3A_155 = arith.constant 2.000000e+00 : f32
        %ge3A_156 = vector.broadcast %ge3A_155 : f32 to vector<16xf32>
        %ge3A_157 = arith.cmpf oge, %gather3A_142, %ge3A_156 : vector<16xf32>
        %select_n3A_158 = arith.select %ge3A_157, %get3A_19, %select_n3A_150 : vector<16xi1>, vector<16xf32>
        %add3A_159 = arith.constant 64 : i32
        %add3A_160 = arith.addi %mul3A_77, %add3A_159 : i32
        %add3A_161 = arith.constant 64 : i32
        %add3A_162 = arith.addi %add3A_160, %add3A_161 : i32
        %swap3A_163 = arith.index_cast %add3A_162 : i32 to index
        %swap3A_164 = tpu.vector_load %arg6[%swap3A_163] {strides = array<i32>} : memref<50704xf32, #tpu.memory_space<vmem>>, vector<16xf32>,
        tpu.vector_store %arg6[%swap3A_163], %select_n3A_154 {strides = array<i32>} : memref<50704xf32, #tpu.memory_space<vmem>>, vector<16xf32>,
        %add3A_165 = arith.constant 16 : i32
        %add3A_166 = arith.addi %add3A_162, %add3A_165 : i32
        %swap3A_167 = arith.index_cast %add3A_166 : i32 to index
        %swap3A_168 = tpu.vector_load %arg6[%swap3A_167] {strides = array<i32>} : memref<50704xf32, #tpu.memory_space<vmem>>, vector<16xf32>,
        tpu.vector_store %arg6[%swap3A_167], %select_n3A_158 {strides = array<i32>} : memref<50704xf32, #tpu.memory_space<vmem>>, vector<16xf32>,
        %broadcast_in_dim3A_169 = arith.constant 4 : i32
        %broadcast_in_dim3A_170 = vector.broadcast %broadcast_in_dim3A_169 : i32 to vector<16x1xi32>
        %gather3A_171 = vector.shape_cast %broadcast_in_dim3A_170 : vector<16x1xi32> to vector<16xi32>
        %gather3A_172 = tpu.dynamic_gather %get3A_82[%gather3A_171] in [0] : vector<16xf32>, vector<16xi32> -> vector<16xf32>
        %ge3A_173 = arith.constant 1.000000e+00 : f32
        %ge3A_174 = vector.broadcast %ge3A_173 : f32 to vector<16xf32>
        %ge3A_175 = arith.cmpf oge, %gather3A_172, %ge3A_174 : vector<16xf32>
        %select_n3A_176 = arith.select %ge3A_175, %get3A_25, %get3A_21 : vector<16xi1>, vector<16xf32>
        %ge3A_177 = arith.constant 1.000000e+00 : f32
        %ge3A_178 = vector.broadcast %ge3A_177 : f32 to vector<16xf32>
        %ge3A_179 = arith.cmpf oge, %gather3A_172, %ge3A_178 : vector<16xf32>
        %select_n3A_180 = arith.select %ge3A_179, %get3A_27, %get3A_23 : vector<16xi1>, vector<16xf32>
        %ge3A_181 = arith.constant 2.000000e+00 : f32
        %ge3A_182 = vector.broadcast %ge3A_181 : f32 to vector<16xf32>
        %ge3A_183 = arith.cmpf oge, %gather3A_172, %ge3A_182 : vector<16xf32>
        %select_n3A_184 = arith.select %ge3A_183, %get3A_29, %select_n3A_176 : vector<16xi1>, vector<16xf32>
        %ge3A_185 = arith.constant 2.000000e+00 : f32
        %ge3A_186 = vector.broadcast %ge3A_185 : f32 to vector<16xf32>
        %ge3A_187 = arith.cmpf oge, %gather3A_172, %ge3A_186 : vector<16xf32>
        %select_n3A_188 = arith.select %ge3A_187, %get3A_31, %select_n3A_180 : vector<16xi1>, vector<16xf32>
        %ge3A_189 = arith.constant 3.000000e+00 : f32
        %ge3A_190 = vector.broadcast %ge3A_189 : f32 to vector<16xf32>
        %ge3A_191 = arith.cmpf oge, %gather3A_172, %ge3A_190 : vector<16xf32>
        %select_n3A_192 = arith.select %ge3A_191, %get3A_33, %select_n3A_184 : vector<16xi1>, vector<16xf32>
        %ge3A_193 = arith.constant 3.000000e+00 : f32
        %ge3A_194 = vector.broadcast %ge3A_193 : f32 to vector<16xf32>
        %ge3A_195 = arith.cmpf oge, %gather3A_172, %ge3A_194 : vector<16xf32>
        %select_n3A_196 = arith.select %ge3A_195, %get3A_35, %select_n3A_188 : vector<16xi1>, vector<16xf32>
        %ge3A_197 = arith.constant 4.000000e+00 : f32
        %ge3A_198 = vector.broadcast %ge3A_197 : f32 to vector<16xf32>
        %ge3A_199 = arith.cmpf oge, %gather3A_172, %ge3A_198 : vector<16xf32>
        %select_n3A_200 = arith.select %ge3A_199, %get3A_37, %select_n3A_192 : vector<16xi1>, vector<16xf32>
        %ge3A_201 = arith.constant 4.000000e+00 : f32
        %ge3A_202 = vector.broadcast %ge3A_201 : f32 to vector<16xf32>
        %ge3A_203 = arith.cmpf oge, %gather3A_172, %ge3A_202 : vector<16xf32>
        %select_n3A_204 = arith.select %ge3A_203, %get3A_39, %select_n3A_196 : vector<16xi1>, vector<16xf32>
        %ge3A_205 = arith.constant 5.000000e+00 : f32
        %ge3A_206 = vector.broadcast %ge3A_205 : f32 to vector<16xf32>
        %ge3A_207 = arith.cmpf oge, %gather3A_172, %ge3A_206 : vector<16xf32>
        %select_n3A_208 = arith.select %ge3A_207, %get3A_41, %select_n3A_200 : vector<16xi1>, vector<16xf32>
        %ge3A_209 = arith.constant 5.000000e+00 : f32
        %ge3A_210 = vector.broadcast %ge3A_209 : f32 to vector<16xf32>
        %ge3A_211 = arith.cmpf oge, %gather3A_172, %ge3A_210 : vector<16xf32>
        %select_n3A_212 = arith.select %ge3A_211, %get3A_43, %select_n3A_204 : vector<16xi1>, vector<16xf32>
        %ge3A_213 = arith.constant 6.000000e+00 : f32
        %ge3A_214 = vector.broadcast %ge3A_213 : f32 to vector<16xf32>
        %ge3A_215 = arith.cmpf oge, %gather3A_172, %ge3A_214 : vector<16xf32>
        %select_n3A_216 = arith.select %ge3A_215, %get3A_45, %select_n3A_208 : vector<16xi1>, vector<16xf32>
        %ge3A_217 = arith.constant 6.000000e+00 : f32
        %ge3A_218 = vector.broadcast %ge3A_217 : f32 to vector<16xf32>
        %ge3A_219 = arith.cmpf oge, %gather3A_172, %ge3A_218 : vector<16xf32>
        %select_n3A_220 = arith.select %ge3A_219, %get3A_47, %select_n3A_212 : vector<16xi1>, vector<16xf32>
        %add3A_221 = arith.constant 64 : i32
        %add3A_222 = arith.addi %mul3A_77, %add3A_221 : i32
        %add3A_223 = arith.constant 96 : i32
        %add3A_224 = arith.addi %add3A_222, %add3A_223 : i32
        %swap3A_225 = arith.index_cast %add3A_224 : i32 to index
        %swap3A_226 = tpu.vector_load %arg6[%swap3A_225] {strides = array<i32>} : memref<50704xf32, #tpu.memory_space<vmem>>, vector<16xf32>,
        tpu.vector_store %arg6[%swap3A_225], %select_n3A_216 {strides = array<i32>} : memref<50704xf32, #tpu.memory_space<vmem>>, vector<16xf32>,
        %add3A_227 = arith.constant 16 : i32
        %add3A_228 = arith.addi %add3A_224, %add3A_227 : i32
        %swap3A_229 = arith.index_cast %add3A_228 : i32 to index
        %swap3A_230 = tpu.vector_load %arg6[%swap3A_229] {strides = array<i32>} : memref<50704xf32, #tpu.memory_space<vmem>>, vector<16xf32>,
        tpu.vector_store %arg6[%swap3A_229], %select_n3A_220 {strides = array<i32>} : memref<50704xf32, #tpu.memory_space<vmem>>, vector<16xf32>,
        %broadcast_in_dim3A_231 = arith.constant 5 : i32
        %broadcast_in_dim3A_232 = vector.broadcast %broadcast_in_dim3A_231 : i32 to vector<16x1xi32>
        %gather3A_233 = vector.shape_cast %broadcast_in_dim3A_232 : vector<16x1xi32> to vector<16xi32>
        %gather3A_234 = tpu.dynamic_gather %get3A_82[%gather3A_233] in [0] : vector<16xf32>, vector<16xi32> -> vector<16xf32>
        %ge3A_235 = arith.constant 1.000000e+00 : f32
        %ge3A_236 = vector.broadcast %ge3A_235 : f32 to vector<16xf32>
        %ge3A_237 = arith.cmpf oge, %gather3A_234, %ge3A_236 : vector<16xf32>
        %select_n3A_238 = arith.select %ge3A_237, %get3A_25, %get3A_21 : vector<16xi1>, vector<16xf32>
        %ge3A_239 = arith.constant 1.000000e+00 : f32
        %ge3A_240 = vector.broadcast %ge3A_239 : f32 to vector<16xf32>
        %ge3A_241 = arith.cmpf oge, %gather3A_234, %ge3A_240 : vector<16xf32>
        %select_n3A_242 = arith.select %ge3A_241, %get3A_27, %get3A_23 : vector<16xi1>, vector<16xf32>
        %ge3A_243 = arith.constant 2.000000e+00 : f32
        %ge3A_244 = vector.broadcast %ge3A_243 : f32 to vector<16xf32>
        %ge3A_245 = arith.cmpf oge, %gather3A_234, %ge3A_244 : vector<16xf32>
        %select_n3A_246 = arith.select %ge3A_245, %get3A_29, %select_n3A_238 : vector<16xi1>, vector<16xf32>
        %ge3A_247 = arith.constant 2.000000e+00 : f32
        %ge3A_248 = vector.broadcast %ge3A_247 : f32 to vector<16xf32>
        %ge3A_249 = arith.cmpf oge, %gather3A_234, %ge3A_248 : vector<16xf32>
        %select_n3A_250 = arith.select %ge3A_249, %get3A_31, %select_n3A_242 : vector<16xi1>, vector<16xf32>
        %ge3A_251 = arith.constant 3.000000e+00 : f32
        %ge3A_252 = vector.broadcast %ge3A_251 : f32 to vector<16xf32>
        %ge3A_253 = arith.cmpf oge, %gather3A_234, %ge3A_252 : vector<16xf32>
        %select_n3A_254 = arith.select %ge3A_253, %get3A_33, %select_n3A_246 : vector<16xi1>, vector<16xf32>
        %ge3A_255 = arith.constant 3.000000e+00 : f32
        %ge3A_256 = vector.broadcast %ge3A_255 : f32 to vector<16xf32>
        %ge3A_257 = arith.cmpf oge, %gather3A_234, %ge3A_256 : vector<16xf32>
        %select_n3A_258 = arith.select %ge3A_257, %get3A_35, %select_n3A_250 : vector<16xi1>, vector<16xf32>
        %ge3A_259 = arith.constant 4.000000e+00 : f32
        %ge3A_260 = vector.broadcast %ge3A_259 : f32 to vector<16xf32>
        %ge3A_261 = arith.cmpf oge, %gather3A_234, %ge3A_260 : vector<16xf32>
        %select_n3A_262 = arith.select %ge3A_261, %get3A_37, %select_n3A_254 : vector<16xi1>, vector<16xf32>
        %ge3A_263 = arith.constant 4.000000e+00 : f32
        %ge3A_264 = vector.broadcast %ge3A_263 : f32 to vector<16xf32>
        %ge3A_265 = arith.cmpf oge, %gather3A_234, %ge3A_264 : vector<16xf32>
        %select_n3A_266 = arith.select %ge3A_265, %get3A_39, %select_n3A_258 : vector<16xi1>, vector<16xf32>
        %ge3A_267 = arith.constant 5.000000e+00 : f32
        %ge3A_268 = vector.broadcast %ge3A_267 : f32 to vector<16xf32>
        %ge3A_269 = arith.cmpf oge, %gather3A_234, %ge3A_268 : vector<16xf32>
        %select_n3A_270 = arith.select %ge3A_269, %get3A_41, %select_n3A_262 : vector<16xi1>, vector<16xf32>
        %ge3A_271 = arith.constant 5.000000e+00 : f32
        %ge3A_272 = vector.broadcast %ge3A_271 : f32 to vector<16xf32>
        %ge3A_273 = arith.cmpf oge, %gather3A_234, %ge3A_272 : vector<16xf32>
        %select_n3A_274 = arith.select %ge3A_273, %get3A_43, %select_n3A_266 : vector<16xi1>, vector<16xf32>
        %ge3A_275 = arith.constant 6.000000e+00 : f32
        %ge3A_276 = vector.broadcast %ge3A_275 : f32 to vector<16xf32>
        %ge3A_277 = arith.cmpf oge, %gather3A_234, %ge3A_276 : vector<16xf32>
        %select_n3A_278 = arith.select %ge3A_277, %get3A_45, %select_n3A_270 : vector<16xi1>, vector<16xf32>
        %ge3A_279 = arith.constant 6.000000e+00 : f32
        %ge3A_280 = vector.broadcast %ge3A_279 : f32 to vector<16xf32>
        %ge3A_281 = arith.cmpf oge, %gather3A_234, %ge3A_280 : vector<16xf32>
        %select_n3A_282 = arith.select %ge3A_281, %get3A_47, %select_n3A_274 : vector<16xi1>, vector<16xf32>
        %add3A_283 = arith.constant 64 : i32
        %add3A_284 = arith.addi %mul3A_77, %add3A_283 : i32
        %add3A_285 = arith.constant 128 : i32
        %add3A_286 = arith.addi %add3A_284, %add3A_285 : i32
        %swap3A_287 = arith.index_cast %add3A_286 : i32 to index
        %swap3A_288 = tpu.vector_load %arg6[%swap3A_287] {strides = array<i32>} : memref<50704xf32, #tpu.memory_space<vmem>>, vector<16xf32>,
        tpu.vector_store %arg6[%swap3A_287], %select_n3A_278 {strides = array<i32>} : memref<50704xf32, #tpu.memory_space<vmem>>, vector<16xf32>,
        %add3A_289 = arith.constant 16 : i32
        %add3A_290 = arith.addi %add3A_286, %add3A_289 : i32
        %swap3A_291 = arith.index_cast %add3A_290 : i32 to index
        %swap3A_292 = tpu.vector_load %arg6[%swap3A_291] {strides = array<i32>} : memref<50704xf32, #tpu.memory_space<vmem>>, vector<16xf32>,
        tpu.vector_store %arg6[%swap3A_291], %select_n3A_282 {strides = array<i32>} : memref<50704xf32, #tpu.memory_space<vmem>>, vector<16xf32>,
        %broadcast_in_dim3A_293 = arith.constant 6 : i32
        %broadcast_in_dim3A_294 = vector.broadcast %broadcast_in_dim3A_293 : i32 to vector<16x1xi32>
        %gather3A_295 = vector.shape_cast %broadcast_in_dim3A_294 : vector<16x1xi32> to vector<16xi32>
        %gather3A_296 = tpu.dynamic_gather %get3A_82[%gather3A_295] in [0] : vector<16xf32>, vector<16xi32> -> vector<16xf32>
        %ge3A_297 = arith.constant 1.000000e+00 : f32
        %ge3A_298 = vector.broadcast %ge3A_297 : f32 to vector<16xf32>
        %ge3A_299 = arith.cmpf oge, %gather3A_296, %ge3A_298 : vector<16xf32>
        %select_n3A_300 = arith.select %ge3A_299, %get3A_25, %get3A_21 : vector<16xi1>, vector<16xf32>
        %ge3A_301 = arith.constant 1.000000e+00 : f32
        %ge3A_302 = vector.broadcast %ge3A_301 : f32 to vector<16xf32>
        %ge3A_303 = arith.cmpf oge, %gather3A_296, %ge3A_302 : vector<16xf32>
        %select_n3A_304 = arith.select %ge3A_303, %get3A_27, %get3A_23 : vector<16xi1>, vector<16xf32>
        %ge3A_305 = arith.constant 2.000000e+00 : f32
        %ge3A_306 = vector.broadcast %ge3A_305 : f32 to vector<16xf32>
        %ge3A_307 = arith.cmpf oge, %gather3A_296, %ge3A_306 : vector<16xf32>
        %select_n3A_308 = arith.select %ge3A_307, %get3A_29, %select_n3A_300 : vector<16xi1>, vector<16xf32>
        %ge3A_309 = arith.constant 2.000000e+00 : f32
        %ge3A_310 = vector.broadcast %ge3A_309 : f32 to vector<16xf32>
        %ge3A_311 = arith.cmpf oge, %gather3A_296, %ge3A_310 : vector<16xf32>
        %select_n3A_312 = arith.select %ge3A_311, %get3A_31, %select_n3A_304 : vector<16xi1>, vector<16xf32>
        %ge3A_313 = arith.constant 3.000000e+00 : f32
        %ge3A_314 = vector.broadcast %ge3A_313 : f32 to vector<16xf32>
        %ge3A_315 = arith.cmpf oge, %gather3A_296, %ge3A_314 : vector<16xf32>
        %select_n3A_316 = arith.select %ge3A_315, %get3A_33, %select_n3A_308 : vector<16xi1>, vector<16xf32>
        %ge3A_317 = arith.constant 3.000000e+00 : f32
        %ge3A_318 = vector.broadcast %ge3A_317 : f32 to vector<16xf32>
        %ge3A_319 = arith.cmpf oge, %gather3A_296, %ge3A_318 : vector<16xf32>
        %select_n3A_320 = arith.select %ge3A_319, %get3A_35, %select_n3A_312 : vector<16xi1>, vector<16xf32>
        %ge3A_321 = arith.constant 4.000000e+00 : f32
        %ge3A_322 = vector.broadcast %ge3A_321 : f32 to vector<16xf32>
        %ge3A_323 = arith.cmpf oge, %gather3A_296, %ge3A_322 : vector<16xf32>
        %select_n3A_324 = arith.select %ge3A_323, %get3A_37, %select_n3A_316 : vector<16xi1>, vector<16xf32>
        %ge3A_325 = arith.constant 4.000000e+00 : f32
        %ge3A_326 = vector.broadcast %ge3A_325 : f32 to vector<16xf32>
        %ge3A_327 = arith.cmpf oge, %gather3A_296, %ge3A_326 : vector<16xf32>
        %select_n3A_328 = arith.select %ge3A_327, %get3A_39, %select_n3A_320 : vector<16xi1>, vector<16xf32>
        %ge3A_329 = arith.constant 5.000000e+00 : f32
        %ge3A_330 = vector.broadcast %ge3A_329 : f32 to vector<16xf32>
        %ge3A_331 = arith.cmpf oge, %gather3A_296, %ge3A_330 : vector<16xf32>
        %select_n3A_332 = arith.select %ge3A_331, %get3A_41, %select_n3A_324 : vector<16xi1>, vector<16xf32>
        %ge3A_333 = arith.constant 5.000000e+00 : f32
        %ge3A_334 = vector.broadcast %ge3A_333 : f32 to vector<16xf32>
        %ge3A_335 = arith.cmpf oge, %gather3A_296, %ge3A_334 : vector<16xf32>
        %select_n3A_336 = arith.select %ge3A_335, %get3A_43, %select_n3A_328 : vector<16xi1>, vector<16xf32>
        %ge3A_337 = arith.constant 6.000000e+00 : f32
        %ge3A_338 = vector.broadcast %ge3A_337 : f32 to vector<16xf32>
        %ge3A_339 = arith.cmpf oge, %gather3A_296, %ge3A_338 : vector<16xf32>
        %select_n3A_340 = arith.select %ge3A_339, %get3A_45, %select_n3A_332 : vector<16xi1>, vector<16xf32>
        %ge3A_341 = arith.constant 6.000000e+00 : f32
        %ge3A_342 = vector.broadcast %ge3A_341 : f32 to vector<16xf32>
        %ge3A_343 = arith.cmpf oge, %gather3A_296, %ge3A_342 : vector<16xf32>
        %select_n3A_344 = arith.select %ge3A_343, %get3A_47, %select_n3A_336 : vector<16xi1>, vector<16xf32>
        %add3A_345 = arith.constant 64 : i32
        %add3A_346 = arith.addi %mul3A_77, %add3A_345 : i32
        %add3A_347 = arith.constant 160 : i32
        %add3A_348 = arith.addi %add3A_346, %add3A_347 : i32
        %swap3A_349 = arith.index_cast %add3A_348 : i32 to index
        %swap3A_350 = tpu.vector_load %arg6[%swap3A_349] {strides = array<i32>} : memref<50704xf32, #tpu.memory_space<vmem>>, vector<16xf32>,
        tpu.vector_store %arg6[%swap3A_349], %select_n3A_340 {strides = array<i32>} : memref<50704xf32, #tpu.memory_space<vmem>>, vector<16xf32>,
        %add3A_351 = arith.constant 16 : i32
        %add3A_352 = arith.addi %add3A_348, %add3A_351 : i32
        %swap3A_353 = arith.index_cast %add3A_352 : i32 to index
        %swap3A_354 = tpu.vector_load %arg6[%swap3A_353] {strides = array<i32>} : memref<50704xf32, #tpu.memory_space<vmem>>, vector<16xf32>,
        tpu.vector_store %arg6[%swap3A_353], %select_n3A_344 {strides = array<i32>} : memref<50704xf32, #tpu.memory_space<vmem>>, vector<16xf32>,
        %broadcast_in_dim3A_355 = arith.constant 7 : i32
        %broadcast_in_dim3A_356 = vector.broadcast %broadcast_in_dim3A_355 : i32 to vector<16x1xi32>
        %gather3A_357 = vector.shape_cast %broadcast_in_dim3A_356 : vector<16x1xi32> to vector<16xi32>
        %gather3A_358 = tpu.dynamic_gather %get3A_82[%gather3A_357] in [0] : vector<16xf32>, vector<16xi32> -> vector<16xf32>
        %ge3A_359 = arith.constant 1.000000e+00 : f32
        %ge3A_360 = vector.broadcast %ge3A_359 : f32 to vector<16xf32>
        %ge3A_361 = arith.cmpf oge, %gather3A_358, %ge3A_360 : vector<16xf32>
        %select_n3A_362 = arith.select %ge3A_361, %get3A_25, %get3A_21 : vector<16xi1>, vector<16xf32>
        %ge3A_363 = arith.constant 1.000000e+00 : f32
        %ge3A_364 = vector.broadcast %ge3A_363 : f32 to vector<16xf32>
        %ge3A_365 = arith.cmpf oge, %gather3A_358, %ge3A_364 : vector<16xf32>
        %select_n3A_366 = arith.select %ge3A_365, %get3A_27, %get3A_23 : vector<16xi1>, vector<16xf32>
        %ge3A_367 = arith.constant 2.000000e+00 : f32
        %ge3A_368 = vector.broadcast %ge3A_367 : f32 to vector<16xf32>
        %ge3A_369 = arith.cmpf oge, %gather3A_358, %ge3A_368 : vector<16xf32>
        %select_n3A_370 = arith.select %ge3A_369, %get3A_29, %select_n3A_362 : vector<16xi1>, vector<16xf32>
        %ge3A_371 = arith.constant 2.000000e+00 : f32
        %ge3A_372 = vector.broadcast %ge3A_371 : f32 to vector<16xf32>
        %ge3A_373 = arith.cmpf oge, %gather3A_358, %ge3A_372 : vector<16xf32>
        %select_n3A_374 = arith.select %ge3A_373, %get3A_31, %select_n3A_366 : vector<16xi1>, vector<16xf32>
        %ge3A_375 = arith.constant 3.000000e+00 : f32
        %ge3A_376 = vector.broadcast %ge3A_375 : f32 to vector<16xf32>
        %ge3A_377 = arith.cmpf oge, %gather3A_358, %ge3A_376 : vector<16xf32>
        %select_n3A_378 = arith.select %ge3A_377, %get3A_33, %select_n3A_370 : vector<16xi1>, vector<16xf32>
        %ge3A_379 = arith.constant 3.000000e+00 : f32
        %ge3A_380 = vector.broadcast %ge3A_379 : f32 to vector<16xf32>
        %ge3A_381 = arith.cmpf oge, %gather3A_358, %ge3A_380 : vector<16xf32>
        %select_n3A_382 = arith.select %ge3A_381, %get3A_35, %select_n3A_374 : vector<16xi1>, vector<16xf32>
        %ge3A_383 = arith.constant 4.000000e+00 : f32
        %ge3A_384 = vector.broadcast %ge3A_383 : f32 to vector<16xf32>
        %ge3A_385 = arith.cmpf oge, %gather3A_358, %ge3A_384 : vector<16xf32>
        %select_n3A_386 = arith.select %ge3A_385, %get3A_37, %select_n3A_378 : vector<16xi1>, vector<16xf32>
        %ge3A_387 = arith.constant 4.000000e+00 : f32
        %ge3A_388 = vector.broadcast %ge3A_387 : f32 to vector<16xf32>
        %ge3A_389 = arith.cmpf oge, %gather3A_358, %ge3A_388 : vector<16xf32>
        %select_n3A_390 = arith.select %ge3A_389, %get3A_39, %select_n3A_382 : vector<16xi1>, vector<16xf32>
        %ge3A_391 = arith.constant 5.000000e+00 : f32
        %ge3A_392 = vector.broadcast %ge3A_391 : f32 to vector<16xf32>
        %ge3A_393 = arith.cmpf oge, %gather3A_358, %ge3A_392 : vector<16xf32>
        %select_n3A_394 = arith.select %ge3A_393, %get3A_41, %select_n3A_386 : vector<16xi1>, vector<16xf32>
        %ge3A_395 = arith.constant 5.000000e+00 : f32
        %ge3A_396 = vector.broadcast %ge3A_395 : f32 to vector<16xf32>
        %ge3A_397 = arith.cmpf oge, %gather3A_358, %ge3A_396 : vector<16xf32>
        %select_n3A_398 = arith.select %ge3A_397, %get3A_43, %select_n3A_390 : vector<16xi1>, vector<16xf32>
        %ge3A_399 = arith.constant 6.000000e+00 : f32
        %ge3A_400 = vector.broadcast %ge3A_399 : f32 to vector<16xf32>
        %ge3A_401 = arith.cmpf oge, %gather3A_358, %ge3A_400 : vector<16xf32>
        %select_n3A_402 = arith.select %ge3A_401, %get3A_45, %select_n3A_394 : vector<16xi1>, vector<16xf32>
        %ge3A_403 = arith.constant 6.000000e+00 : f32
        %ge3A_404 = vector.broadcast %ge3A_403 : f32 to vector<16xf32>
        %ge3A_405 = arith.cmpf oge, %gather3A_358, %ge3A_404 : vector<16xf32>
        %select_n3A_406 = arith.select %ge3A_405, %get3A_47, %select_n3A_398 : vector<16xi1>, vector<16xf32>
        %add3A_407 = arith.constant 64 : i32
        %add3A_408 = arith.addi %mul3A_77, %add3A_407 : i32
        %add3A_409 = arith.constant 192 : i32
        %add3A_410 = arith.addi %add3A_408, %add3A_409 : i32
        %swap3A_411 = arith.index_cast %add3A_410 : i32 to index
        %swap3A_412 = tpu.vector_load %arg6[%swap3A_411] {strides = array<i32>} : memref<50704xf32, #tpu.memory_space<vmem>>, vector<16xf32>,
        tpu.vector_store %arg6[%swap3A_411], %select_n3A_402 {strides = array<i32>} : memref<50704xf32, #tpu.memory_space<vmem>>, vector<16xf32>,
        %add3A_413 = arith.constant 16 : i32
        %add3A_414 = arith.addi %add3A_410, %add3A_413 : i32
        %swap3A_415 = arith.index_cast %add3A_414 : i32 to index
        %swap3A_416 = tpu.vector_load %arg6[%swap3A_415] {strides = array<i32>} : memref<50704xf32, #tpu.memory_space<vmem>>, vector<16xf32>,
        tpu.vector_store %arg6[%swap3A_415], %select_n3A_406 {strides = array<i32>} : memref<50704xf32, #tpu.memory_space<vmem>>, vector<16xf32>,
        %broadcast_in_dim3A_417 = arith.constant 8 : i32
        %broadcast_in_dim3A_418 = vector.broadcast %broadcast_in_dim3A_417 : i32 to vector<16x1xi32>
        %gather3A_419 = vector.shape_cast %broadcast_in_dim3A_418 : vector<16x1xi32> to vector<16xi32>
        %gather3A_420 = tpu.dynamic_gather %get3A_82[%gather3A_419] in [0] : vector<16xf32>, vector<16xi32> -> vector<16xf32>
        %ge3A_421 = arith.constant 1.000000e+00 : f32
        %ge3A_422 = vector.broadcast %ge3A_421 : f32 to vector<16xf32>
        %ge3A_423 = arith.cmpf oge, %gather3A_420, %ge3A_422 : vector<16xf32>
        %select_n3A_424 = arith.select %ge3A_423, %get3A_25, %get3A_21 : vector<16xi1>, vector<16xf32>
        %ge3A_425 = arith.constant 1.000000e+00 : f32
        %ge3A_426 = vector.broadcast %ge3A_425 : f32 to vector<16xf32>
        %ge3A_427 = arith.cmpf oge, %gather3A_420, %ge3A_426 : vector<16xf32>
        %select_n3A_428 = arith.select %ge3A_427, %get3A_27, %get3A_23 : vector<16xi1>, vector<16xf32>
        %ge3A_429 = arith.constant 2.000000e+00 : f32
        %ge3A_430 = vector.broadcast %ge3A_429 : f32 to vector<16xf32>
        %ge3A_431 = arith.cmpf oge, %gather3A_420, %ge3A_430 : vector<16xf32>
        %select_n3A_432 = arith.select %ge3A_431, %get3A_29, %select_n3A_424 : vector<16xi1>, vector<16xf32>
        %ge3A_433 = arith.constant 2.000000e+00 : f32
        %ge3A_434 = vector.broadcast %ge3A_433 : f32 to vector<16xf32>
        %ge3A_435 = arith.cmpf oge, %gather3A_420, %ge3A_434 : vector<16xf32>
        %select_n3A_436 = arith.select %ge3A_435, %get3A_31, %select_n3A_428 : vector<16xi1>, vector<16xf32>
        %ge3A_437 = arith.constant 3.000000e+00 : f32
        %ge3A_438 = vector.broadcast %ge3A_437 : f32 to vector<16xf32>
        %ge3A_439 = arith.cmpf oge, %gather3A_420, %ge3A_438 : vector<16xf32>
        %select_n3A_440 = arith.select %ge3A_439, %get3A_33, %select_n3A_432 : vector<16xi1>, vector<16xf32>
        %ge3A_441 = arith.constant 3.000000e+00 : f32
        %ge3A_442 = vector.broadcast %ge3A_441 : f32 to vector<16xf32>
        %ge3A_443 = arith.cmpf oge, %gather3A_420, %ge3A_442 : vector<16xf32>
        %select_n3A_444 = arith.select %ge3A_443, %get3A_35, %select_n3A_436 : vector<16xi1>, vector<16xf32>
        %ge3A_445 = arith.constant 4.000000e+00 : f32
        %ge3A_446 = vector.broadcast %ge3A_445 : f32 to vector<16xf32>
        %ge3A_447 = arith.cmpf oge, %gather3A_420, %ge3A_446 : vector<16xf32>
        %select_n3A_448 = arith.select %ge3A_447, %get3A_37, %select_n3A_440 : vector<16xi1>, vector<16xf32>
        %ge3A_449 = arith.constant 4.000000e+00 : f32
        %ge3A_450 = vector.broadcast %ge3A_449 : f32 to vector<16xf32>
        %ge3A_451 = arith.cmpf oge, %gather3A_420, %ge3A_450 : vector<16xf32>
        %select_n3A_452 = arith.select %ge3A_451, %get3A_39, %select_n3A_444 : vector<16xi1>, vector<16xf32>
        %ge3A_453 = arith.constant 5.000000e+00 : f32
        %ge3A_454 = vector.broadcast %ge3A_453 : f32 to vector<16xf32>
        %ge3A_455 = arith.cmpf oge, %gather3A_420, %ge3A_454 : vector<16xf32>
        %select_n3A_456 = arith.select %ge3A_455, %get3A_41, %select_n3A_448 : vector<16xi1>, vector<16xf32>
        %ge3A_457 = arith.constant 5.000000e+00 : f32
        %ge3A_458 = vector.broadcast %ge3A_457 : f32 to vector<16xf32>
        %ge3A_459 = arith.cmpf oge, %gather3A_420, %ge3A_458 : vector<16xf32>
        %select_n3A_460 = arith.select %ge3A_459, %get3A_43, %select_n3A_452 : vector<16xi1>, vector<16xf32>
        %ge3A_461 = arith.constant 6.000000e+00 : f32
        %ge3A_462 = vector.broadcast %ge3A_461 : f32 to vector<16xf32>
        %ge3A_463 = arith.cmpf oge, %gather3A_420, %ge3A_462 : vector<16xf32>
        %select_n3A_464 = arith.select %ge3A_463, %get3A_45, %select_n3A_456 : vector<16xi1>, vector<16xf32>
        %ge3A_465 = arith.constant 6.000000e+00 : f32
        %ge3A_466 = vector.broadcast %ge3A_465 : f32 to vector<16xf32>
        %ge3A_467 = arith.cmpf oge, %gather3A_420, %ge3A_466 : vector<16xf32>
        %select_n3A_468 = arith.select %ge3A_467, %get3A_47, %select_n3A_460 : vector<16xi1>, vector<16xf32>
        %add3A_469 = arith.constant 64 : i32
        %add3A_470 = arith.addi %mul3A_77, %add3A_469 : i32
        %add3A_471 = arith.constant 224 : i32
        %add3A_472 = arith.addi %add3A_470, %add3A_471 : i32
        %swap3A_473 = arith.index_cast %add3A_472 : i32 to index
        %swap3A_474 = tpu.vector_load %arg6[%swap3A_473] {strides = array<i32>} : memref<50704xf32, #tpu.memory_space<vmem>>, vector<16xf32>,
        tpu.vector_store %arg6[%swap3A_473], %select_n3A_464 {strides = array<i32>} : memref<50704xf32, #tpu.memory_space<vmem>>, vector<16xf32>,
        %add3A_475 = arith.constant 16 : i32
        %add3A_476 = arith.addi %add3A_472, %add3A_475 : i32
        %swap3A_477 = arith.index_cast %add3A_476 : i32 to index
        %swap3A_478 = tpu.vector_load %arg6[%swap3A_477] {strides = array<i32>} : memref<50704xf32, #tpu.memory_space<vmem>>, vector<16xf32>,
        tpu.vector_store %arg6[%swap3A_477], %select_n3A_468 {strides = array<i32>} : memref<50704xf32, #tpu.memory_space<vmem>>, vector<16xf32>,
        %broadcast_in_dim3A_479 = arith.constant 9 : i32
        %broadcast_in_dim3A_480 = vector.broadcast %broadcast_in_dim3A_479 : i32 to vector<16x1xi32>
        %gather3A_481 = vector.shape_cast %broadcast_in_dim3A_480 : vector<16x1xi32> to vector<16xi32>
        %gather3A_482 = tpu.dynamic_gather %get3A_82[%gather3A_481] in [0] : vector<16xf32>, vector<16xi32> -> vector<16xf32>
        %ge3A_483 = arith.constant 1.000000e+00 : f32
        %ge3A_484 = vector.broadcast %ge3A_483 : f32 to vector<16xf32>
        %ge3A_485 = arith.cmpf oge, %gather3A_482, %ge3A_484 : vector<16xf32>
        %select_n3A_486 = arith.select %ge3A_485, %get3A_25, %get3A_21 : vector<16xi1>, vector<16xf32>
        %ge3A_487 = arith.constant 1.000000e+00 : f32
        %ge3A_488 = vector.broadcast %ge3A_487 : f32 to vector<16xf32>
        %ge3A_489 = arith.cmpf oge, %gather3A_482, %ge3A_488 : vector<16xf32>
        %select_n3A_490 = arith.select %ge3A_489, %get3A_27, %get3A_23 : vector<16xi1>, vector<16xf32>
        %ge3A_491 = arith.constant 2.000000e+00 : f32
        %ge3A_492 = vector.broadcast %ge3A_491 : f32 to vector<16xf32>
        %ge3A_493 = arith.cmpf oge, %gather3A_482, %ge3A_492 : vector<16xf32>
        %select_n3A_494 = arith.select %ge3A_493, %get3A_29, %select_n3A_486 : vector<16xi1>, vector<16xf32>
        %ge3A_495 = arith.constant 2.000000e+00 : f32
        %ge3A_496 = vector.broadcast %ge3A_495 : f32 to vector<16xf32>
        %ge3A_497 = arith.cmpf oge, %gather3A_482, %ge3A_496 : vector<16xf32>
        %select_n3A_498 = arith.select %ge3A_497, %get3A_31, %select_n3A_490 : vector<16xi1>, vector<16xf32>
        %ge3A_499 = arith.constant 3.000000e+00 : f32
        %ge3A_500 = vector.broadcast %ge3A_499 : f32 to vector<16xf32>
        %ge3A_501 = arith.cmpf oge, %gather3A_482, %ge3A_500 : vector<16xf32>
        %select_n3A_502 = arith.select %ge3A_501, %get3A_33, %select_n3A_494 : vector<16xi1>, vector<16xf32>
        %ge3A_503 = arith.constant 3.000000e+00 : f32
        %ge3A_504 = vector.broadcast %ge3A_503 : f32 to vector<16xf32>
        %ge3A_505 = arith.cmpf oge, %gather3A_482, %ge3A_504 : vector<16xf32>
        %select_n3A_506 = arith.select %ge3A_505, %get3A_35, %select_n3A_498 : vector<16xi1>, vector<16xf32>
        %ge3A_507 = arith.constant 4.000000e+00 : f32
        %ge3A_508 = vector.broadcast %ge3A_507 : f32 to vector<16xf32>
        %ge3A_509 = arith.cmpf oge, %gather3A_482, %ge3A_508 : vector<16xf32>
        %select_n3A_510 = arith.select %ge3A_509, %get3A_37, %select_n3A_502 : vector<16xi1>, vector<16xf32>
        %ge3A_511 = arith.constant 4.000000e+00 : f32
        %ge3A_512 = vector.broadcast %ge3A_511 : f32 to vector<16xf32>
        %ge3A_513 = arith.cmpf oge, %gather3A_482, %ge3A_512 : vector<16xf32>
        %select_n3A_514 = arith.select %ge3A_513, %get3A_39, %select_n3A_506 : vector<16xi1>, vector<16xf32>
        %ge3A_515 = arith.constant 5.000000e+00 : f32
        %ge3A_516 = vector.broadcast %ge3A_515 : f32 to vector<16xf32>
        %ge3A_517 = arith.cmpf oge, %gather3A_482, %ge3A_516 : vector<16xf32>
        %select_n3A_518 = arith.select %ge3A_517, %get3A_41, %select_n3A_510 : vector<16xi1>, vector<16xf32>
        %ge3A_519 = arith.constant 5.000000e+00 : f32
        %ge3A_520 = vector.broadcast %ge3A_519 : f32 to vector<16xf32>
        %ge3A_521 = arith.cmpf oge, %gather3A_482, %ge3A_520 : vector<16xf32>
        %select_n3A_522 = arith.select %ge3A_521, %get3A_43, %select_n3A_514 : vector<16xi1>, vector<16xf32>
        %ge3A_523 = arith.constant 6.000000e+00 : f32
        %ge3A_524 = vector.broadcast %ge3A_523 : f32 to vector<16xf32>
        %ge3A_525 = arith.cmpf oge, %gather3A_482, %ge3A_524 : vector<16xf32>
        %select_n3A_526 = arith.select %ge3A_525, %get3A_45, %select_n3A_518 : vector<16xi1>, vector<16xf32>
        %ge3A_527 = arith.constant 6.000000e+00 : f32
        %ge3A_528 = vector.broadcast %ge3A_527 : f32 to vector<16xf32>
        %ge3A_529 = arith.cmpf oge, %gather3A_482, %ge3A_528 : vector<16xf32>
        %select_n3A_530 = arith.select %ge3A_529, %get3A_47, %select_n3A_522 : vector<16xi1>, vector<16xf32>
        %add3A_531 = arith.constant 64 : i32
        %add3A_532 = arith.addi %mul3A_77, %add3A_531 : i32
        %add3A_533 = arith.constant 256 : i32
        %add3A_534 = arith.addi %add3A_532, %add3A_533 : i32
        %swap3A_535 = arith.index_cast %add3A_534 : i32 to index
        %swap3A_536 = tpu.vector_load %arg6[%swap3A_535] {strides = array<i32>} : memref<50704xf32, #tpu.memory_space<vmem>>, vector<16xf32>,
        tpu.vector_store %arg6[%swap3A_535], %select_n3A_526 {strides = array<i32>} : memref<50704xf32, #tpu.memory_space<vmem>>, vector<16xf32>,
        %add3A_537 = arith.constant 16 : i32
        %add3A_538 = arith.addi %add3A_534, %add3A_537 : i32
        %swap3A_539 = arith.index_cast %add3A_538 : i32 to index
        %swap3A_540 = tpu.vector_load %arg6[%swap3A_539] {strides = array<i32>} : memref<50704xf32, #tpu.memory_space<vmem>>, vector<16xf32>,
        tpu.vector_store %arg6[%swap3A_539], %select_n3A_530 {strides = array<i32>} : memref<50704xf32, #tpu.memory_space<vmem>>, vector<16xf32>,
        %broadcast_in_dim3A_541 = arith.constant 10 : i32
        %broadcast_in_dim3A_542 = vector.broadcast %broadcast_in_dim3A_541 : i32 to vector<16x1xi32>
        %gather3A_543 = vector.shape_cast %broadcast_in_dim3A_542 : vector<16x1xi32> to vector<16xi32>
        %gather3A_544 = tpu.dynamic_gather %get3A_82[%gather3A_543] in [0] : vector<16xf32>, vector<16xi32> -> vector<16xf32>
        %ge3A_545 = arith.constant 1.000000e+00 : f32
        %ge3A_546 = vector.broadcast %ge3A_545 : f32 to vector<16xf32>
        %ge3A_547 = arith.cmpf oge, %gather3A_544, %ge3A_546 : vector<16xf32>
        %select_n3A_548 = arith.select %ge3A_547, %get3A_25, %get3A_21 : vector<16xi1>, vector<16xf32>
        %ge3A_549 = arith.constant 1.000000e+00 : f32
        %ge3A_550 = vector.broadcast %ge3A_549 : f32 to vector<16xf32>
        %ge3A_551 = arith.cmpf oge, %gather3A_544, %ge3A_550 : vector<16xf32>
        %select_n3A_552 = arith.select %ge3A_551, %get3A_27, %get3A_23 : vector<16xi1>, vector<16xf32>
        %ge3A_553 = arith.constant 2.000000e+00 : f32
        %ge3A_554 = vector.broadcast %ge3A_553 : f32 to vector<16xf32>
        %ge3A_555 = arith.cmpf oge, %gather3A_544, %ge3A_554 : vector<16xf32>
        %select_n3A_556 = arith.select %ge3A_555, %get3A_29, %select_n3A_548 : vector<16xi1>, vector<16xf32>
        %ge3A_557 = arith.constant 2.000000e+00 : f32
        %ge3A_558 = vector.broadcast %ge3A_557 : f32 to vector<16xf32>
        %ge3A_559 = arith.cmpf oge, %gather3A_544, %ge3A_558 : vector<16xf32>
        %select_n3A_560 = arith.select %ge3A_559, %get3A_31, %select_n3A_552 : vector<16xi1>, vector<16xf32>
        %ge3A_561 = arith.constant 3.000000e+00 : f32
        %ge3A_562 = vector.broadcast %ge3A_561 : f32 to vector<16xf32>
        %ge3A_563 = arith.cmpf oge, %gather3A_544, %ge3A_562 : vector<16xf32>
        %select_n3A_564 = arith.select %ge3A_563, %get3A_33, %select_n3A_556 : vector<16xi1>, vector<16xf32>
        %ge3A_565 = arith.constant 3.000000e+00 : f32
        %ge3A_566 = vector.broadcast %ge3A_565 : f32 to vector<16xf32>
        %ge3A_567 = arith.cmpf oge, %gather3A_544, %ge3A_566 : vector<16xf32>
        %select_n3A_568 = arith.select %ge3A_567, %get3A_35, %select_n3A_560 : vector<16xi1>, vector<16xf32>
        %ge3A_569 = arith.constant 4.000000e+00 : f32
        %ge3A_570 = vector.broadcast %ge3A_569 : f32 to vector<16xf32>
        %ge3A_571 = arith.cmpf oge, %gather3A_544, %ge3A_570 : vector<16xf32>
        %select_n3A_572 = arith.select %ge3A_571, %get3A_37, %select_n3A_564 : vector<16xi1>, vector<16xf32>
        %ge3A_573 = arith.constant 4.000000e+00 : f32
        %ge3A_574 = vector.broadcast %ge3A_573 : f32 to vector<16xf32>
        %ge3A_575 = arith.cmpf oge, %gather3A_544, %ge3A_574 : vector<16xf32>
        %select_n3A_576 = arith.select %ge3A_575, %get3A_39, %select_n3A_568 : vector<16xi1>, vector<16xf32>
        %ge3A_577 = arith.constant 5.000000e+00 : f32
        %ge3A_578 = vector.broadcast %ge3A_577 : f32 to vector<16xf32>
        %ge3A_579 = arith.cmpf oge, %gather3A_544, %ge3A_578 : vector<16xf32>
        %select_n3A_580 = arith.select %ge3A_579, %get3A_41, %select_n3A_572 : vector<16xi1>, vector<16xf32>
        %ge3A_581 = arith.constant 5.000000e+00 : f32
        %ge3A_582 = vector.broadcast %ge3A_581 : f32 to vector<16xf32>
        %ge3A_583 = arith.cmpf oge, %gather3A_544, %ge3A_582 : vector<16xf32>
        %select_n3A_584 = arith.select %ge3A_583, %get3A_43, %select_n3A_576 : vector<16xi1>, vector<16xf32>
        %ge3A_585 = arith.constant 6.000000e+00 : f32
        %ge3A_586 = vector.broadcast %ge3A_585 : f32 to vector<16xf32>
        %ge3A_587 = arith.cmpf oge, %gather3A_544, %ge3A_586 : vector<16xf32>
        %select_n3A_588 = arith.select %ge3A_587, %get3A_45, %select_n3A_580 : vector<16xi1>, vector<16xf32>
        %ge3A_589 = arith.constant 6.000000e+00 : f32
        %ge3A_590 = vector.broadcast %ge3A_589 : f32 to vector<16xf32>
        %ge3A_591 = arith.cmpf oge, %gather3A_544, %ge3A_590 : vector<16xf32>
        %select_n3A_592 = arith.select %ge3A_591, %get3A_47, %select_n3A_584 : vector<16xi1>, vector<16xf32>
        %add3A_593 = arith.constant 64 : i32
        %add3A_594 = arith.addi %mul3A_77, %add3A_593 : i32
        %add3A_595 = arith.constant 288 : i32
        %add3A_596 = arith.addi %add3A_594, %add3A_595 : i32
        %swap3A_597 = arith.index_cast %add3A_596 : i32 to index
        %swap3A_598 = tpu.vector_load %arg6[%swap3A_597] {strides = array<i32>} : memref<50704xf32, #tpu.memory_space<vmem>>, vector<16xf32>,
        tpu.vector_store %arg6[%swap3A_597], %select_n3A_588 {strides = array<i32>} : memref<50704xf32, #tpu.memory_space<vmem>>, vector<16xf32>,
        %add3A_599 = arith.constant 16 : i32
        %add3A_600 = arith.addi %add3A_596, %add3A_599 : i32
        %swap3A_601 = arith.index_cast %add3A_600 : i32 to index
        %swap3A_602 = tpu.vector_load %arg6[%swap3A_601] {strides = array<i32>} : memref<50704xf32, #tpu.memory_space<vmem>>, vector<16xf32>,
        tpu.vector_store %arg6[%swap3A_601], %select_n3A_592 {strides = array<i32>} : memref<50704xf32, #tpu.memory_space<vmem>>, vector<16xf32>,
        %mul3A_603 = arith.constant 23 : i32
        %mul3A_604 = arith.muli %scan3A_75, %mul3A_603 : i32
        %add3A_605 = arith.constant 11 : i32
        %add3A_606 = arith.addi %mul3A_604, %add3A_605 : i32
        %get3A_607 = arith.index_cast %add3A_606 : i32 to index
        %get3A_608 = tpu.vector_load %arg5[%get3A_607] {strides = array<i32>} : memref<2960xf32, #tpu.memory_space<vmem>>, vector<16xf32>,
        %add3A_609 = arith.constant 64 : i32
        %add3A_610 = arith.addi %mul3A_77, %add3A_609 : i32
        %add3A_611 = arith.constant 320 : i32
        %add3A_612 = arith.addi %add3A_610, %add3A_611 : i32
        %swap3A_613 = arith.index_cast %add3A_612 : i32 to index
        %swap3A_614 = tpu.vector_load %arg6[%swap3A_613] {strides = array<i32>} : memref<50704xf32, #tpu.memory_space<vmem>>, vector<16xf32>,
        tpu.vector_store %arg6[%swap3A_613], %get3A_608 {strides = array<i32>} : memref<50704xf32, #tpu.memory_space<vmem>>, vector<16xf32>,
        %scan3A_615 = arith.constant 1 : i32
        %scan3A_616 = arith.addi %scan3A_75, %scan3A_615 : i32
        %mul3A_617 = arith.constant 396 : i32
        %mul3A_618 = arith.muli %scan3A_616, %mul3A_617 : i32
        %swap3A_619 = arith.index_cast %mul3A_618 : i32 to index
        %swap3A_620 = tpu.vector_load %arg6[%swap3A_619] {strides = array<i32>} : memref<50704xf32, #tpu.memory_space<vmem>>, vector<16xf32>,
        tpu.vector_store %arg6[%swap3A_619], %get3A_1 {strides = array<i32>} : memref<50704xf32, #tpu.memory_space<vmem>>, vector<16xf32>,
        %mul3A_621 = arith.constant 23 : i32
        %mul3A_622 = arith.muli %scan3A_616, %mul3A_621 : i32
        %get3A_623 = arith.index_cast %mul3A_622 : i32 to index
        %get3A_624 = tpu.vector_load %arg5[%get3A_623] {strides = array<i32>} : memref<2960xf32, #tpu.memory_space<vmem>>, vector<16xf32>,
        %broadcast_in_dim3A_625 = arith.constant 1 : i32
        %broadcast_in_dim3A_626 = vector.broadcast %broadcast_in_dim3A_625 : i32 to vector<16x1xi32>
        %gather3A_627 = vector.shape_cast %broadcast_in_dim3A_626 : vector<16x1xi32> to vector<16xi32>
        %gather3A_628 = tpu.dynamic_gather %get3A_624[%gather3A_627] in [0] : vector<16xf32>, vector<16xi32> -> vector<16xf32>
        %ge3A_629 = arith.constant 1.000000e+00 : f32
        %ge3A_630 = vector.broadcast %ge3A_629 : f32 to vector<16xf32>
        %ge3A_631 = arith.cmpf oge, %gather3A_628, %ge3A_630 : vector<16xf32>
        %select_n3A_632 = arith.select %ge3A_631, %get3A_13, %get3A_9 : vector<16xi1>, vector<16xf32>
        %ge3A_633 = arith.constant 1.000000e+00 : f32
        %ge3A_634 = vector.broadcast %ge3A_633 : f32 to vector<16xf32>
        %ge3A_635 = arith.cmpf oge, %gather3A_628, %ge3A_634 : vector<16xf32>
        %select_n3A_636 = arith.select %ge3A_635, %get3A_15, %get3A_11 : vector<16xi1>, vector<16xf32>
        %ge3A_637 = arith.constant 2.000000e+00 : f32
        %ge3A_638 = vector.broadcast %ge3A_637 : f32 to vector<16xf32>
        %ge3A_639 = arith.cmpf oge, %gather3A_628, %ge3A_638 : vector<16xf32>
        %select_n3A_640 = arith.select %ge3A_639, %get3A_17, %select_n3A_632 : vector<16xi1>, vector<16xf32>
        %ge3A_641 = arith.constant 2.000000e+00 : f32
        %ge3A_642 = vector.broadcast %ge3A_641 : f32 to vector<16xf32>
        %ge3A_643 = arith.cmpf oge, %gather3A_628, %ge3A_642 : vector<16xf32>
        %select_n3A_644 = arith.select %ge3A_643, %get3A_19, %select_n3A_636 : vector<16xi1>, vector<16xf32>
        %add3A_645 = arith.constant 64 : i32
        %add3A_646 = arith.addi %mul3A_618, %add3A_645 : i32
        %add3A_647 = arith.constant 0 : i32
        %add3A_648 = arith.addi %add3A_646, %add3A_647 : i32
        %swap3A_649 = arith.index_cast %add3A_648 : i32 to index
        %swap3A_650 = tpu.vector_load %arg6[%swap3A_649] {strides = array<i32>} : memref<50704xf32, #tpu.memory_space<vmem>>, vector<16xf32>,
        tpu.vector_store %arg6[%swap3A_649], %select_n3A_640 {strides = array<i32>} : memref<50704xf32, #tpu.memory_space<vmem>>, vector<16xf32>,
        %add3A_651 = arith.constant 16 : i32
        %add3A_652 = arith.addi %add3A_648, %add3A_651 : i32
        %swap3A_653 = arith.index_cast %add3A_652 : i32 to index
        %swap3A_654 = tpu.vector_load %arg6[%swap3A_653] {strides = array<i32>} : memref<50704xf32, #tpu.memory_space<vmem>>, vector<16xf32>,
        tpu.vector_store %arg6[%swap3A_653], %select_n3A_644 {strides = array<i32>} : memref<50704xf32, #tpu.memory_space<vmem>>, vector<16xf32>,
        %broadcast_in_dim3A_655 = arith.constant 2 : i32
        %broadcast_in_dim3A_656 = vector.broadcast %broadcast_in_dim3A_655 : i32 to vector<16x1xi32>
        %gather3A_657 = vector.shape_cast %broadcast_in_dim3A_656 : vector<16x1xi32> to vector<16xi32>
        %gather3A_658 = tpu.dynamic_gather %get3A_624[%gather3A_657] in [0] : vector<16xf32>, vector<16xi32> -> vector<16xf32>
        %ge3A_659 = arith.constant 1.000000e+00 : f32
        %ge3A_660 = vector.broadcast %ge3A_659 : f32 to vector<16xf32>
        %ge3A_661 = arith.cmpf oge, %gather3A_658, %ge3A_660 : vector<16xf32>
        %select_n3A_662 = arith.select %ge3A_661, %get3A_13, %get3A_9 : vector<16xi1>, vector<16xf32>
        %ge3A_663 = arith.constant 1.000000e+00 : f32
        %ge3A_664 = vector.broadcast %ge3A_663 : f32 to vector<16xf32>
        %ge3A_665 = arith.cmpf oge, %gather3A_658, %ge3A_664 : vector<16xf32>
        %select_n3A_666 = arith.select %ge3A_665, %get3A_15, %get3A_11 : vector<16xi1>, vector<16xf32>
        %ge3A_667 = arith.constant 2.000000e+00 : f32
        %ge3A_668 = vector.broadcast %ge3A_667 : f32 to vector<16xf32>
        %ge3A_669 = arith.cmpf oge, %gather3A_658, %ge3A_668 : vector<16xf32>
        %select_n3A_670 = arith.select %ge3A_669, %get3A_17, %select_n3A_662 : vector<16xi1>, vector<16xf32>
        %ge3A_671 = arith.constant 2.000000e+00 : f32
        %ge3A_672 = vector.broadcast %ge3A_671 : f32 to vector<16xf32>
        %ge3A_673 = arith.cmpf oge, %gather3A_658, %ge3A_672 : vector<16xf32>
        %select_n3A_674 = arith.select %ge3A_673, %get3A_19, %select_n3A_666 : vector<16xi1>, vector<16xf32>
        %add3A_675 = arith.constant 64 : i32
        %add3A_676 = arith.addi %mul3A_618, %add3A_675 : i32
        %add3A_677 = arith.constant 32 : i32
        %add3A_678 = arith.addi %add3A_676, %add3A_677 : i32
        %swap3A_679 = arith.index_cast %add3A_678 : i32 to index
        %swap3A_680 = tpu.vector_load %arg6[%swap3A_679] {strides = array<i32>} : memref<50704xf32, #tpu.memory_space<vmem>>, vector<16xf32>,
        tpu.vector_store %arg6[%swap3A_679], %select_n3A_670 {strides = array<i32>} : memref<50704xf32, #tpu.memory_space<vmem>>, vector<16xf32>,
        %add3A_681 = arith.constant 16 : i32
        %add3A_682 = arith.addi %add3A_678, %add3A_681 : i32
        %swap3A_683 = arith.index_cast %add3A_682 : i32 to index
        %swap3A_684 = tpu.vector_load %arg6[%swap3A_683] {strides = array<i32>} : memref<50704xf32, #tpu.memory_space<vmem>>, vector<16xf32>,
        tpu.vector_store %arg6[%swap3A_683], %select_n3A_674 {strides = array<i32>} : memref<50704xf32, #tpu.memory_space<vmem>>, vector<16xf32>,
        %broadcast_in_dim3A_685 = arith.constant 3 : i32
        %broadcast_in_dim3A_686 = vector.broadcast %broadcast_in_dim3A_685 : i32 to vector<16x1xi32>
        %gather3A_687 = vector.shape_cast %broadcast_in_dim3A_686 : vector<16x1xi32> to vector<16xi32>
        %gather3A_688 = tpu.dynamic_gather %get3A_624[%gather3A_687] in [0] : vector<16xf32>, vector<16xi32> -> vector<16xf32>
        %ge3A_689 = arith.constant 1.000000e+00 : f32
        %ge3A_690 = vector.broadcast %ge3A_689 : f32 to vector<16xf32>
        %ge3A_691 = arith.cmpf oge, %gather3A_688, %ge3A_690 : vector<16xf32>
        %select_n3A_692 = arith.select %ge3A_691, %get3A_13, %get3A_9 : vector<16xi1>, vector<16xf32>
        %ge3A_693 = arith.constant 1.000000e+00 : f32
        %ge3A_694 = vector.broadcast %ge3A_693 : f32 to vector<16xf32>
        %ge3A_695 = arith.cmpf oge, %gather3A_688, %ge3A_694 : vector<16xf32>
        %select_n3A_696 = arith.select %ge3A_695, %get3A_15, %get3A_11 : vector<16xi1>, vector<16xf32>
        %ge3A_697 = arith.constant 2.000000e+00 : f32
        %ge3A_698 = vector.broadcast %ge3A_697 : f32 to vector<16xf32>
        %ge3A_699 = arith.cmpf oge, %gather3A_688, %ge3A_698 : vector<16xf32>
        %select_n3A_700 = arith.select %ge3A_699, %get3A_17, %select_n3A_692 : vector<16xi1>, vector<16xf32>
        %ge3A_701 = arith.constant 2.000000e+00 : f32
        %ge3A_702 = vector.broadcast %ge3A_701 : f32 to vector<16xf32>
        %ge3A_703 = arith.cmpf oge, %gather3A_688, %ge3A_702 : vector<16xf32>
        %select_n3A_704 = arith.select %ge3A_703, %get3A_19, %select_n3A_696 : vector<16xi1>, vector<16xf32>
        %add3A_705 = arith.constant 64 : i32
        %add3A_706 = arith.addi %mul3A_618, %add3A_705 : i32
        %add3A_707 = arith.constant 64 : i32
        %add3A_708 = arith.addi %add3A_706, %add3A_707 : i32
        %swap3A_709 = arith.index_cast %add3A_708 : i32 to index
        %swap3A_710 = tpu.vector_load %arg6[%swap3A_709] {strides = array<i32>} : memref<50704xf32, #tpu.memory_space<vmem>>, vector<16xf32>,
        tpu.vector_store %arg6[%swap3A_709], %select_n3A_700 {strides = array<i32>} : memref<50704xf32, #tpu.memory_space<vmem>>, vector<16xf32>,
        %add3A_711 = arith.constant 16 : i32
        %add3A_712 = arith.addi %add3A_708, %add3A_711 : i32
        %swap3A_713 = arith.index_cast %add3A_712 : i32 to index
        %swap3A_714 = tpu.vector_load %arg6[%swap3A_713] {strides = array<i32>} : memref<50704xf32, #tpu.memory_space<vmem>>, vector<16xf32>,
        tpu.vector_store %arg6[%swap3A_713], %select_n3A_704 {strides = array<i32>} : memref<50704xf32, #tpu.memory_space<vmem>>, vector<16xf32>,
        %broadcast_in_dim3A_715 = arith.constant 4 : i32
        %broadcast_in_dim3A_716 = vector.broadcast %broadcast_in_dim3A_715 : i32 to vector<16x1xi32>
        %gather3A_717 = vector.shape_cast %broadcast_in_dim3A_716 : vector<16x1xi32> to vector<16xi32>
        %gather3A_718 = tpu.dynamic_gather %get3A_624[%gather3A_717] in [0] : vector<16xf32>, vector<16xi32> -> vector<16xf32>
        %ge3A_719 = arith.constant 1.000000e+00 : f32
        %ge3A_720 = vector.broadcast %ge3A_719 : f32 to vector<16xf32>
        %ge3A_721 = arith.cmpf oge, %gather3A_718, %ge3A_720 : vector<16xf32>
        %select_n3A_722 = arith.select %ge3A_721, %get3A_25, %get3A_21 : vector<16xi1>, vector<16xf32>
        %ge3A_723 = arith.constant 1.000000e+00 : f32
        %ge3A_724 = vector.broadcast %ge3A_723 : f32 to vector<16xf32>
        %ge3A_725 = arith.cmpf oge, %gather3A_718, %ge3A_724 : vector<16xf32>
        %select_n3A_726 = arith.select %ge3A_725, %get3A_27, %get3A_23 : vector<16xi1>, vector<16xf32>
        %ge3A_727 = arith.constant 2.000000e+00 : f32
        %ge3A_728 = vector.broadcast %ge3A_727 : f32 to vector<16xf32>
        %ge3A_729 = arith.cmpf oge, %gather3A_718, %ge3A_728 : vector<16xf32>
        %select_n3A_730 = arith.select %ge3A_729, %get3A_29, %select_n3A_722 : vector<16xi1>, vector<16xf32>
        %ge3A_731 = arith.constant 2.000000e+00 : f32
        %ge3A_732 = vector.broadcast %ge3A_731 : f32 to vector<16xf32>
        %ge3A_733 = arith.cmpf oge, %gather3A_718, %ge3A_732 : vector<16xf32>
        %select_n3A_734 = arith.select %ge3A_733, %get3A_31, %select_n3A_726 : vector<16xi1>, vector<16xf32>
        %ge3A_735 = arith.constant 3.000000e+00 : f32
        %ge3A_736 = vector.broadcast %ge3A_735 : f32 to vector<16xf32>
        %ge3A_737 = arith.cmpf oge, %gather3A_718, %ge3A_736 : vector<16xf32>
        %select_n3A_738 = arith.select %ge3A_737, %get3A_33, %select_n3A_730 : vector<16xi1>, vector<16xf32>
        %ge3A_739 = arith.constant 3.000000e+00 : f32
        %ge3A_740 = vector.broadcast %ge3A_739 : f32 to vector<16xf32>
        %ge3A_741 = arith.cmpf oge, %gather3A_718, %ge3A_740 : vector<16xf32>
        %select_n3A_742 = arith.select %ge3A_741, %get3A_35, %select_n3A_734 : vector<16xi1>, vector<16xf32>
        %ge3A_743 = arith.constant 4.000000e+00 : f32
        %ge3A_744 = vector.broadcast %ge3A_743 : f32 to vector<16xf32>
        %ge3A_745 = arith.cmpf oge, %gather3A_718, %ge3A_744 : vector<16xf32>
        %select_n3A_746 = arith.select %ge3A_745, %get3A_37, %select_n3A_738 : vector<16xi1>, vector<16xf32>
        %ge3A_747 = arith.constant 4.000000e+00 : f32
        %ge3A_748 = vector.broadcast %ge3A_747 : f32 to vector<16xf32>
        %ge3A_749 = arith.cmpf oge, %gather3A_718, %ge3A_748 : vector<16xf32>
        %select_n3A_750 = arith.select %ge3A_749, %get3A_39, %select_n3A_742 : vector<16xi1>, vector<16xf32>
        %ge3A_751 = arith.constant 5.000000e+00 : f32
        %ge3A_752 = vector.broadcast %ge3A_751 : f32 to vector<16xf32>
        %ge3A_753 = arith.cmpf oge, %gather3A_718, %ge3A_752 : vector<16xf32>
        %select_n3A_754 = arith.select %ge3A_753, %get3A_41, %select_n3A_746 : vector<16xi1>, vector<16xf32>
        %ge3A_755 = arith.constant 5.000000e+00 : f32
        %ge3A_756 = vector.broadcast %ge3A_755 : f32 to vector<16xf32>
        %ge3A_757 = arith.cmpf oge, %gather3A_718, %ge3A_756 : vector<16xf32>
        %select_n3A_758 = arith.select %ge3A_757, %get3A_43, %select_n3A_750 : vector<16xi1>, vector<16xf32>
        %ge3A_759 = arith.constant 6.000000e+00 : f32
        %ge3A_760 = vector.broadcast %ge3A_759 : f32 to vector<16xf32>
        %ge3A_761 = arith.cmpf oge, %gather3A_718, %ge3A_760 : vector<16xf32>
        %select_n3A_762 = arith.select %ge3A_761, %get3A_45, %select_n3A_754 : vector<16xi1>, vector<16xf32>
        %ge3A_763 = arith.constant 6.000000e+00 : f32
        %ge3A_764 = vector.broadcast %ge3A_763 : f32 to vector<16xf32>
        %ge3A_765 = arith.cmpf oge, %gather3A_718, %ge3A_764 : vector<16xf32>
        %select_n3A_766 = arith.select %ge3A_765, %get3A_47, %select_n3A_758 : vector<16xi1>, vector<16xf32>
        %add3A_767 = arith.constant 64 : i32
        %add3A_768 = arith.addi %mul3A_618, %add3A_767 : i32
        %add3A_769 = arith.constant 96 : i32
        %add3A_770 = arith.addi %add3A_768, %add3A_769 : i32
        %swap3A_771 = arith.index_cast %add3A_770 : i32 to index
        %swap3A_772 = tpu.vector_load %arg6[%swap3A_771] {strides = array<i32>} : memref<50704xf32, #tpu.memory_space<vmem>>, vector<16xf32>,
        tpu.vector_store %arg6[%swap3A_771], %select_n3A_762 {strides = array<i32>} : memref<50704xf32, #tpu.memory_space<vmem>>, vector<16xf32>,
        %add3A_773 = arith.constant 16 : i32
        %add3A_774 = arith.addi %add3A_770, %add3A_773 : i32
        %swap3A_775 = arith.index_cast %add3A_774 : i32 to index
        %swap3A_776 = tpu.vector_load %arg6[%swap3A_775] {strides = array<i32>} : memref<50704xf32, #tpu.memory_space<vmem>>, vector<16xf32>,
        tpu.vector_store %arg6[%swap3A_775], %select_n3A_766 {strides = array<i32>} : memref<50704xf32, #tpu.memory_space<vmem>>, vector<16xf32>,
        %broadcast_in_dim3A_777 = arith.constant 5 : i32
        %broadcast_in_dim3A_778 = vector.broadcast %broadcast_in_dim3A_777 : i32 to vector<16x1xi32>
        %gather3A_779 = vector.shape_cast %broadcast_in_dim3A_778 : vector<16x1xi32> to vector<16xi32>
        %gather3A_780 = tpu.dynamic_gather %get3A_624[%gather3A_779] in [0] : vector<16xf32>, vector<16xi32> -> vector<16xf32>
        %ge3A_781 = arith.constant 1.000000e+00 : f32
        %ge3A_782 = vector.broadcast %ge3A_781 : f32 to vector<16xf32>
        %ge3A_783 = arith.cmpf oge, %gather3A_780, %ge3A_782 : vector<16xf32>
        %select_n3A_784 = arith.select %ge3A_783, %get3A_25, %get3A_21 : vector<16xi1>, vector<16xf32>
        %ge3A_785 = arith.constant 1.000000e+00 : f32
        %ge3A_786 = vector.broadcast %ge3A_785 : f32 to vector<16xf32>
        %ge3A_787 = arith.cmpf oge, %gather3A_780, %ge3A_786 : vector<16xf32>
        %select_n3A_788 = arith.select %ge3A_787, %get3A_27, %get3A_23 : vector<16xi1>, vector<16xf32>
        %ge3A_789 = arith.constant 2.000000e+00 : f32
        %ge3A_790 = vector.broadcast %ge3A_789 : f32 to vector<16xf32>
        %ge3A_791 = arith.cmpf oge, %gather3A_780, %ge3A_790 : vector<16xf32>
        %select_n3A_792 = arith.select %ge3A_791, %get3A_29, %select_n3A_784 : vector<16xi1>, vector<16xf32>
        %ge3A_793 = arith.constant 2.000000e+00 : f32
        %ge3A_794 = vector.broadcast %ge3A_793 : f32 to vector<16xf32>
        %ge3A_795 = arith.cmpf oge, %gather3A_780, %ge3A_794 : vector<16xf32>
        %select_n3A_796 = arith.select %ge3A_795, %get3A_31, %select_n3A_788 : vector<16xi1>, vector<16xf32>
        %ge3A_797 = arith.constant 3.000000e+00 : f32
        %ge3A_798 = vector.broadcast %ge3A_797 : f32 to vector<16xf32>
        %ge3A_799 = arith.cmpf oge, %gather3A_780, %ge3A_798 : vector<16xf32>
        %select_n3A_800 = arith.select %ge3A_799, %get3A_33, %select_n3A_792 : vector<16xi1>, vector<16xf32>
        %ge3A_801 = arith.constant 3.000000e+00 : f32
        %ge3A_802 = vector.broadcast %ge3A_801 : f32 to vector<16xf32>
        %ge3A_803 = arith.cmpf oge, %gather3A_780, %ge3A_802 : vector<16xf32>
        %select_n3A_804 = arith.select %ge3A_803, %get3A_35, %select_n3A_796 : vector<16xi1>, vector<16xf32>
        %ge3A_805 = arith.constant 4.000000e+00 : f32
        %ge3A_806 = vector.broadcast %ge3A_805 : f32 to vector<16xf32>
        %ge3A_807 = arith.cmpf oge, %gather3A_780, %ge3A_806 : vector<16xf32>
        %select_n3A_808 = arith.select %ge3A_807, %get3A_37, %select_n3A_800 : vector<16xi1>, vector<16xf32>
        %ge3A_809 = arith.constant 4.000000e+00 : f32
        %ge3A_810 = vector.broadcast %ge3A_809 : f32 to vector<16xf32>
        %ge3A_811 = arith.cmpf oge, %gather3A_780, %ge3A_810 : vector<16xf32>
        %select_n3A_812 = arith.select %ge3A_811, %get3A_39, %select_n3A_804 : vector<16xi1>, vector<16xf32>
        %ge3A_813 = arith.constant 5.000000e+00 : f32
        %ge3A_814 = vector.broadcast %ge3A_813 : f32 to vector<16xf32>
        %ge3A_815 = arith.cmpf oge, %gather3A_780, %ge3A_814 : vector<16xf32>
        %select_n3A_816 = arith.select %ge3A_815, %get3A_41, %select_n3A_808 : vector<16xi1>, vector<16xf32>
        %ge3A_817 = arith.constant 5.000000e+00 : f32
        %ge3A_818 = vector.broadcast %ge3A_817 : f32 to vector<16xf32>
        %ge3A_819 = arith.cmpf oge, %gather3A_780, %ge3A_818 : vector<16xf32>
        %select_n3A_820 = arith.select %ge3A_819, %get3A_43, %select_n3A_812 : vector<16xi1>, vector<16xf32>
        %ge3A_821 = arith.constant 6.000000e+00 : f32
        %ge3A_822 = vector.broadcast %ge3A_821 : f32 to vector<16xf32>
        %ge3A_823 = arith.cmpf oge, %gather3A_780, %ge3A_822 : vector<16xf32>
        %select_n3A_824 = arith.select %ge3A_823, %get3A_45, %select_n3A_816 : vector<16xi1>, vector<16xf32>
        %ge3A_825 = arith.constant 6.000000e+00 : f32
        %ge3A_826 = vector.broadcast %ge3A_825 : f32 to vector<16xf32>
        %ge3A_827 = arith.cmpf oge, %gather3A_780, %ge3A_826 : vector<16xf32>
        %select_n3A_828 = arith.select %ge3A_827, %get3A_47, %select_n3A_820 : vector<16xi1>, vector<16xf32>
        %add3A_829 = arith.constant 64 : i32
        %add3A_830 = arith.addi %mul3A_618, %add3A_829 : i32
        %add3A_831 = arith.constant 128 : i32
        %add3A_832 = arith.addi %add3A_830, %add3A_831 : i32
        %swap3A_833 = arith.index_cast %add3A_832 : i32 to index
        %swap3A_834 = tpu.vector_load %arg6[%swap3A_833] {strides = array<i32>} : memref<50704xf32, #tpu.memory_space<vmem>>, vector<16xf32>,
        tpu.vector_store %arg6[%swap3A_833], %select_n3A_824 {strides = array<i32>} : memref<50704xf32, #tpu.memory_space<vmem>>, vector<16xf32>,
        %add3A_835 = arith.constant 16 : i32
        %add3A_836 = arith.addi %add3A_832, %add3A_835 : i32
        %swap3A_837 = arith.index_cast %add3A_836 : i32 to index
        %swap3A_838 = tpu.vector_load %arg6[%swap3A_837] {strides = array<i32>} : memref<50704xf32, #tpu.memory_space<vmem>>, vector<16xf32>,
        tpu.vector_store %arg6[%swap3A_837], %select_n3A_828 {strides = array<i32>} : memref<50704xf32, #tpu.memory_space<vmem>>, vector<16xf32>,
        %broadcast_in_dim3A_839 = arith.constant 6 : i32
        %broadcast_in_dim3A_840 = vector.broadcast %broadcast_in_dim3A_839 : i32 to vector<16x1xi32>
        %gather3A_841 = vector.shape_cast %broadcast_in_dim3A_840 : vector<16x1xi32> to vector<16xi32>
        %gather3A_842 = tpu.dynamic_gather %get3A_624[%gather3A_841] in [0] : vector<16xf32>, vector<16xi32> -> vector<16xf32>
        %ge3A_843 = arith.constant 1.000000e+00 : f32
        %ge3A_844 = vector.broadcast %ge3A_843 : f32 to vector<16xf32>
        %ge3A_845 = arith.cmpf oge, %gather3A_842, %ge3A_844 : vector<16xf32>
        %select_n3A_846 = arith.select %ge3A_845, %get3A_25, %get3A_21 : vector<16xi1>, vector<16xf32>
        %ge3A_847 = arith.constant 1.000000e+00 : f32
        %ge3A_848 = vector.broadcast %ge3A_847 : f32 to vector<16xf32>
        %ge3A_849 = arith.cmpf oge, %gather3A_842, %ge3A_848 : vector<16xf32>
        %select_n3A_850 = arith.select %ge3A_849, %get3A_27, %get3A_23 : vector<16xi1>, vector<16xf32>
        %ge3A_851 = arith.constant 2.000000e+00 : f32
        %ge3A_852 = vector.broadcast %ge3A_851 : f32 to vector<16xf32>
        %ge3A_853 = arith.cmpf oge, %gather3A_842, %ge3A_852 : vector<16xf32>
        %select_n3A_854 = arith.select %ge3A_853, %get3A_29, %select_n3A_846 : vector<16xi1>, vector<16xf32>
        %ge3A_855 = arith.constant 2.000000e+00 : f32
        %ge3A_856 = vector.broadcast %ge3A_855 : f32 to vector<16xf32>
        %ge3A_857 = arith.cmpf oge, %gather3A_842, %ge3A_856 : vector<16xf32>
        %select_n3A_858 = arith.select %ge3A_857, %get3A_31, %select_n3A_850 : vector<16xi1>, vector<16xf32>
        %ge3A_859 = arith.constant 3.000000e+00 : f32
        %ge3A_860 = vector.broadcast %ge3A_859 : f32 to vector<16xf32>
        %ge3A_861 = arith.cmpf oge, %gather3A_842, %ge3A_860 : vector<16xf32>
        %select_n3A_862 = arith.select %ge3A_861, %get3A_33, %select_n3A_854 : vector<16xi1>, vector<16xf32>
        %ge3A_863 = arith.constant 3.000000e+00 : f32
        %ge3A_864 = vector.broadcast %ge3A_863 : f32 to vector<16xf32>
        %ge3A_865 = arith.cmpf oge, %gather3A_842, %ge3A_864 : vector<16xf32>
        %select_n3A_866 = arith.select %ge3A_865, %get3A_35, %select_n3A_858 : vector<16xi1>, vector<16xf32>
        %ge3A_867 = arith.constant 4.000000e+00 : f32
        %ge3A_868 = vector.broadcast %ge3A_867 : f32 to vector<16xf32>
        %ge3A_869 = arith.cmpf oge, %gather3A_842, %ge3A_868 : vector<16xf32>
        %select_n3A_870 = arith.select %ge3A_869, %get3A_37, %select_n3A_862 : vector<16xi1>, vector<16xf32>
        %ge3A_871 = arith.constant 4.000000e+00 : f32
        %ge3A_872 = vector.broadcast %ge3A_871 : f32 to vector<16xf32>
        %ge3A_873 = arith.cmpf oge, %gather3A_842, %ge3A_872 : vector<16xf32>
        %select_n3A_874 = arith.select %ge3A_873, %get3A_39, %select_n3A_866 : vector<16xi1>, vector<16xf32>
        %ge3A_875 = arith.constant 5.000000e+00 : f32
        %ge3A_876 = vector.broadcast %ge3A_875 : f32 to vector<16xf32>
        %ge3A_877 = arith.cmpf oge, %gather3A_842, %ge3A_876 : vector<16xf32>
        %select_n3A_878 = arith.select %ge3A_877, %get3A_41, %select_n3A_870 : vector<16xi1>, vector<16xf32>
        %ge3A_879 = arith.constant 5.000000e+00 : f32
        %ge3A_880 = vector.broadcast %ge3A_879 : f32 to vector<16xf32>
        %ge3A_881 = arith.cmpf oge, %gather3A_842, %ge3A_880 : vector<16xf32>
        %select_n3A_882 = arith.select %ge3A_881, %get3A_43, %select_n3A_874 : vector<16xi1>, vector<16xf32>
        %ge3A_883 = arith.constant 6.000000e+00 : f32
        %ge3A_884 = vector.broadcast %ge3A_883 : f32 to vector<16xf32>
        %ge3A_885 = arith.cmpf oge, %gather3A_842, %ge3A_884 : vector<16xf32>
        %select_n3A_886 = arith.select %ge3A_885, %get3A_45, %select_n3A_878 : vector<16xi1>, vector<16xf32>
        %ge3A_887 = arith.constant 6.000000e+00 : f32
        %ge3A_888 = vector.broadcast %ge3A_887 : f32 to vector<16xf32>
        %ge3A_889 = arith.cmpf oge, %gather3A_842, %ge3A_888 : vector<16xf32>
        %select_n3A_890 = arith.select %ge3A_889, %get3A_47, %select_n3A_882 : vector<16xi1>, vector<16xf32>
        %add3A_891 = arith.constant 64 : i32
        %add3A_892 = arith.addi %mul3A_618, %add3A_891 : i32
        %add3A_893 = arith.constant 160 : i32
        %add3A_894 = arith.addi %add3A_892, %add3A_893 : i32
        %swap3A_895 = arith.index_cast %add3A_894 : i32 to index
        %swap3A_896 = tpu.vector_load %arg6[%swap3A_895] {strides = array<i32>} : memref<50704xf32, #tpu.memory_space<vmem>>, vector<16xf32>,
        tpu.vector_store %arg6[%swap3A_895], %select_n3A_886 {strides = array<i32>} : memref<50704xf32, #tpu.memory_space<vmem>>, vector<16xf32>,
        %add3A_897 = arith.constant 16 : i32
        %add3A_898 = arith.addi %add3A_894, %add3A_897 : i32
        %swap3A_899 = arith.index_cast %add3A_898 : i32 to index
        %swap3A_900 = tpu.vector_load %arg6[%swap3A_899] {strides = array<i32>} : memref<50704xf32, #tpu.memory_space<vmem>>, vector<16xf32>,
        tpu.vector_store %arg6[%swap3A_899], %select_n3A_890 {strides = array<i32>} : memref<50704xf32, #tpu.memory_space<vmem>>, vector<16xf32>,
        %broadcast_in_dim3A_901 = arith.constant 7 : i32
        %broadcast_in_dim3A_902 = vector.broadcast %broadcast_in_dim3A_901 : i32 to vector<16x1xi32>
        %gather3A_903 = vector.shape_cast %broadcast_in_dim3A_902 : vector<16x1xi32> to vector<16xi32>
        %gather3A_904 = tpu.dynamic_gather %get3A_624[%gather3A_903] in [0] : vector<16xf32>, vector<16xi32> -> vector<16xf32>
        %ge3A_905 = arith.constant 1.000000e+00 : f32
        %ge3A_906 = vector.broadcast %ge3A_905 : f32 to vector<16xf32>
        %ge3A_907 = arith.cmpf oge, %gather3A_904, %ge3A_906 : vector<16xf32>
        %select_n3A_908 = arith.select %ge3A_907, %get3A_25, %get3A_21 : vector<16xi1>, vector<16xf32>
        %ge3A_909 = arith.constant 1.000000e+00 : f32
        %ge3A_910 = vector.broadcast %ge3A_909 : f32 to vector<16xf32>
        %ge3A_911 = arith.cmpf oge, %gather3A_904, %ge3A_910 : vector<16xf32>
        %select_n3A_912 = arith.select %ge3A_911, %get3A_27, %get3A_23 : vector<16xi1>, vector<16xf32>
        %ge3A_913 = arith.constant 2.000000e+00 : f32
        %ge3A_914 = vector.broadcast %ge3A_913 : f32 to vector<16xf32>
        %ge3A_915 = arith.cmpf oge, %gather3A_904, %ge3A_914 : vector<16xf32>
        %select_n3A_916 = arith.select %ge3A_915, %get3A_29, %select_n3A_908 : vector<16xi1>, vector<16xf32>
        %ge3A_917 = arith.constant 2.000000e+00 : f32
        %ge3A_918 = vector.broadcast %ge3A_917 : f32 to vector<16xf32>
        %ge3A_919 = arith.cmpf oge, %gather3A_904, %ge3A_918 : vector<16xf32>
        %select_n3A_920 = arith.select %ge3A_919, %get3A_31, %select_n3A_912 : vector<16xi1>, vector<16xf32>
        %ge3A_921 = arith.constant 3.000000e+00 : f32
        %ge3A_922 = vector.broadcast %ge3A_921 : f32 to vector<16xf32>
        %ge3A_923 = arith.cmpf oge, %gather3A_904, %ge3A_922 : vector<16xf32>
        %select_n3A_924 = arith.select %ge3A_923, %get3A_33, %select_n3A_916 : vector<16xi1>, vector<16xf32>
        %ge3A_925 = arith.constant 3.000000e+00 : f32
        %ge3A_926 = vector.broadcast %ge3A_925 : f32 to vector<16xf32>
        %ge3A_927 = arith.cmpf oge, %gather3A_904, %ge3A_926 : vector<16xf32>
        %select_n3A_928 = arith.select %ge3A_927, %get3A_35, %select_n3A_920 : vector<16xi1>, vector<16xf32>
        %ge3A_929 = arith.constant 4.000000e+00 : f32
        %ge3A_930 = vector.broadcast %ge3A_929 : f32 to vector<16xf32>
        %ge3A_931 = arith.cmpf oge, %gather3A_904, %ge3A_930 : vector<16xf32>
        %select_n3A_932 = arith.select %ge3A_931, %get3A_37, %select_n3A_924 : vector<16xi1>, vector<16xf32>
        %ge3A_933 = arith.constant 4.000000e+00 : f32
        %ge3A_934 = vector.broadcast %ge3A_933 : f32 to vector<16xf32>
        %ge3A_935 = arith.cmpf oge, %gather3A_904, %ge3A_934 : vector<16xf32>
        %select_n3A_936 = arith.select %ge3A_935, %get3A_39, %select_n3A_928 : vector<16xi1>, vector<16xf32>
        %ge3A_937 = arith.constant 5.000000e+00 : f32
        %ge3A_938 = vector.broadcast %ge3A_937 : f32 to vector<16xf32>
        %ge3A_939 = arith.cmpf oge, %gather3A_904, %ge3A_938 : vector<16xf32>
        %select_n3A_940 = arith.select %ge3A_939, %get3A_41, %select_n3A_932 : vector<16xi1>, vector<16xf32>
        %ge3A_941 = arith.constant 5.000000e+00 : f32
        %ge3A_942 = vector.broadcast %ge3A_941 : f32 to vector<16xf32>
        %ge3A_943 = arith.cmpf oge, %gather3A_904, %ge3A_942 : vector<16xf32>
        %select_n3A_944 = arith.select %ge3A_943, %get3A_43, %select_n3A_936 : vector<16xi1>, vector<16xf32>
        %ge3A_945 = arith.constant 6.000000e+00 : f32
        %ge3A_946 = vector.broadcast %ge3A_945 : f32 to vector<16xf32>
        %ge3A_947 = arith.cmpf oge, %gather3A_904, %ge3A_946 : vector<16xf32>
        %select_n3A_948 = arith.select %ge3A_947, %get3A_45, %select_n3A_940 : vector<16xi1>, vector<16xf32>
        %ge3A_949 = arith.constant 6.000000e+00 : f32
        %ge3A_950 = vector.broadcast %ge3A_949 : f32 to vector<16xf32>
        %ge3A_951 = arith.cmpf oge, %gather3A_904, %ge3A_950 : vector<16xf32>
        %select_n3A_952 = arith.select %ge3A_951, %get3A_47, %select_n3A_944 : vector<16xi1>, vector<16xf32>
        %add3A_953 = arith.constant 64 : i32
        %add3A_954 = arith.addi %mul3A_618, %add3A_953 : i32
        %add3A_955 = arith.constant 192 : i32
        %add3A_956 = arith.addi %add3A_954, %add3A_955 : i32
        %swap3A_957 = arith.index_cast %add3A_956 : i32 to index
        %swap3A_958 = tpu.vector_load %arg6[%swap3A_957] {strides = array<i32>} : memref<50704xf32, #tpu.memory_space<vmem>>, vector<16xf32>,
        tpu.vector_store %arg6[%swap3A_957], %select_n3A_948 {strides = array<i32>} : memref<50704xf32, #tpu.memory_space<vmem>>, vector<16xf32>,
        %add3A_959 = arith.constant 16 : i32
        %add3A_960 = arith.addi %add3A_956, %add3A_959 : i32
        %swap3A_961 = arith.index_cast %add3A_960 : i32 to index
        %swap3A_962 = tpu.vector_load %arg6[%swap3A_961] {strides = array<i32>} : memref<50704xf32, #tpu.memory_space<vmem>>, vector<16xf32>,
        tpu.vector_store %arg6[%swap3A_961], %select_n3A_952 {strides = array<i32>} : memref<50704xf32, #tpu.memory_space<vmem>>, vector<16xf32>,
        %broadcast_in_dim3A_963 = arith.constant 8 : i32
        %broadcast_in_dim3A_964 = vector.broadcast %broadcast_in_dim3A_963 : i32 to vector<16x1xi32>
        %gather3A_965 = vector.shape_cast %broadcast_in_dim3A_964 : vector<16x1xi32> to vector<16xi32>
        %gather3A_966 = tpu.dynamic_gather %get3A_624[%gather3A_965] in [0] : vector<16xf32>, vector<16xi32> -> vector<16xf32>
        %ge3A_967 = arith.constant 1.000000e+00 : f32
        %ge3A_968 = vector.broadcast %ge3A_967 : f32 to vector<16xf32>
        %ge3A_969 = arith.cmpf oge, %gather3A_966, %ge3A_968 : vector<16xf32>
        %select_n3A_970 = arith.select %ge3A_969, %get3A_25, %get3A_21 : vector<16xi1>, vector<16xf32>
        %ge3A_971 = arith.constant 1.000000e+00 : f32
        %ge3A_972 = vector.broadcast %ge3A_971 : f32 to vector<16xf32>
        %ge3A_973 = arith.cmpf oge, %gather3A_966, %ge3A_972 : vector<16xf32>
        %select_n3A_974 = arith.select %ge3A_973, %get3A_27, %get3A_23 : vector<16xi1>, vector<16xf32>
        %ge3A_975 = arith.constant 2.000000e+00 : f32
        %ge3A_976 = vector.broadcast %ge3A_975 : f32 to vector<16xf32>
        %ge3A_977 = arith.cmpf oge, %gather3A_966, %ge3A_976 : vector<16xf32>
        %select_n3A_978 = arith.select %ge3A_977, %get3A_29, %select_n3A_970 : vector<16xi1>, vector<16xf32>
        %ge3A_979 = arith.constant 2.000000e+00 : f32
        %ge3A_980 = vector.broadcast %ge3A_979 : f32 to vector<16xf32>
        %ge3A_981 = arith.cmpf oge, %gather3A_966, %ge3A_980 : vector<16xf32>
        %select_n3A_982 = arith.select %ge3A_981, %get3A_31, %select_n3A_974 : vector<16xi1>, vector<16xf32>
        %ge3A_983 = arith.constant 3.000000e+00 : f32
        %ge3A_984 = vector.broadcast %ge3A_983 : f32 to vector<16xf32>
        %ge3A_985 = arith.cmpf oge, %gather3A_966, %ge3A_984 : vector<16xf32>
        %select_n3A_986 = arith.select %ge3A_985, %get3A_33, %select_n3A_978 : vector<16xi1>, vector<16xf32>
        %ge3A_987 = arith.constant 3.000000e+00 : f32
        %ge3A_988 = vector.broadcast %ge3A_987 : f32 to vector<16xf32>
        %ge3A_989 = arith.cmpf oge, %gather3A_966, %ge3A_988 : vector<16xf32>
        %select_n3A_990 = arith.select %ge3A_989, %get3A_35, %select_n3A_982 : vector<16xi1>, vector<16xf32>
        %ge3A_991 = arith.constant 4.000000e+00 : f32
        %ge3A_992 = vector.broadcast %ge3A_991 : f32 to vector<16xf32>
        %ge3A_993 = arith.cmpf oge, %gather3A_966, %ge3A_992 : vector<16xf32>
        %select_n3A_994 = arith.select %ge3A_993, %get3A_37, %select_n3A_986 : vector<16xi1>, vector<16xf32>
        %ge3A_995 = arith.constant 4.000000e+00 : f32
        %ge3A_996 = vector.broadcast %ge3A_995 : f32 to vector<16xf32>
        %ge3A_997 = arith.cmpf oge, %gather3A_966, %ge3A_996 : vector<16xf32>
        %select_n3A_998 = arith.select %ge3A_997, %get3A_39, %select_n3A_990 : vector<16xi1>, vector<16xf32>
        %ge3A_999 = arith.constant 5.000000e+00 : f32
        %ge3A_1000 = vector.broadcast %ge3A_999 : f32 to vector<16xf32>
        %ge3A_1001 = arith.cmpf oge, %gather3A_966, %ge3A_1000 : vector<16xf32>
        %select_n3A_1002 = arith.select %ge3A_1001, %get3A_41, %select_n3A_994 : vector<16xi1>, vector<16xf32>
        %ge3A_1003 = arith.constant 5.000000e+00 : f32
        %ge3A_1004 = vector.broadcast %ge3A_1003 : f32 to vector<16xf32>
        %ge3A_1005 = arith.cmpf oge, %gather3A_966, %ge3A_1004 : vector<16xf32>
        %select_n3A_1006 = arith.select %ge3A_1005, %get3A_43, %select_n3A_998 : vector<16xi1>, vector<16xf32>
        %ge3A_1007 = arith.constant 6.000000e+00 : f32
        %ge3A_1008 = vector.broadcast %ge3A_1007 : f32 to vector<16xf32>
        %ge3A_1009 = arith.cmpf oge, %gather3A_966, %ge3A_1008 : vector<16xf32>
        %select_n3A_1010 = arith.select %ge3A_1009, %get3A_45, %select_n3A_1002 : vector<16xi1>, vector<16xf32>
        %ge3A_1011 = arith.constant 6.000000e+00 : f32
        %ge3A_1012 = vector.broadcast %ge3A_1011 : f32 to vector<16xf32>
        %ge3A_1013 = arith.cmpf oge, %gather3A_966, %ge3A_1012 : vector<16xf32>
        %select_n3A_1014 = arith.select %ge3A_1013, %get3A_47, %select_n3A_1006 : vector<16xi1>, vector<16xf32>
        %add3A_1015 = arith.constant 64 : i32
        %add3A_1016 = arith.addi %mul3A_618, %add3A_1015 : i32
        %add3A_1017 = arith.constant 224 : i32
        %add3A_1018 = arith.addi %add3A_1016, %add3A_1017 : i32
        %swap3A_1019 = arith.index_cast %add3A_1018 : i32 to index
        %swap3A_1020 = tpu.vector_load %arg6[%swap3A_1019] {strides = array<i32>} : memref<50704xf32, #tpu.memory_space<vmem>>, vector<16xf32>,
        tpu.vector_store %arg6[%swap3A_1019], %select_n3A_1010 {strides = array<i32>} : memref<50704xf32, #tpu.memory_space<vmem>>, vector<16xf32>,
        %add3A_1021 = arith.constant 16 : i32
        %add3A_1022 = arith.addi %add3A_1018, %add3A_1021 : i32
        %swap3A_1023 = arith.index_cast %add3A_1022 : i32 to index
        %swap3A_1024 = tpu.vector_load %arg6[%swap3A_1023] {strides = array<i32>} : memref<50704xf32, #tpu.memory_space<vmem>>, vector<16xf32>,
        tpu.vector_store %arg6[%swap3A_1023], %select_n3A_1014 {strides = array<i32>} : memref<50704xf32, #tpu.memory_space<vmem>>, vector<16xf32>,
        %broadcast_in_dim3A_1025 = arith.constant 9 : i32
        %broadcast_in_dim3A_1026 = vector.broadcast %broadcast_in_dim3A_1025 : i32 to vector<16x1xi32>
        %gather3A_1027 = vector.shape_cast %broadcast_in_dim3A_1026 : vector<16x1xi32> to vector<16xi32>
        %gather3A_1028 = tpu.dynamic_gather %get3A_624[%gather3A_1027] in [0] : vector<16xf32>, vector<16xi32> -> vector<16xf32>
        %ge3A_1029 = arith.constant 1.000000e+00 : f32
        %ge3A_1030 = vector.broadcast %ge3A_1029 : f32 to vector<16xf32>
        %ge3A_1031 = arith.cmpf oge, %gather3A_1028, %ge3A_1030 : vector<16xf32>
        %select_n3A_1032 = arith.select %ge3A_1031, %get3A_25, %get3A_21 : vector<16xi1>, vector<16xf32>
        %ge3A_1033 = arith.constant 1.000000e+00 : f32
        %ge3A_1034 = vector.broadcast %ge3A_1033 : f32 to vector<16xf32>
        %ge3A_1035 = arith.cmpf oge, %gather3A_1028, %ge3A_1034 : vector<16xf32>
        %select_n3A_1036 = arith.select %ge3A_1035, %get3A_27, %get3A_23 : vector<16xi1>, vector<16xf32>
        %ge3A_1037 = arith.constant 2.000000e+00 : f32
        %ge3A_1038 = vector.broadcast %ge3A_1037 : f32 to vector<16xf32>
        %ge3A_1039 = arith.cmpf oge, %gather3A_1028, %ge3A_1038 : vector<16xf32>
        %select_n3A_1040 = arith.select %ge3A_1039, %get3A_29, %select_n3A_1032 : vector<16xi1>, vector<16xf32>
        %ge3A_1041 = arith.constant 2.000000e+00 : f32
        %ge3A_1042 = vector.broadcast %ge3A_1041 : f32 to vector<16xf32>
        %ge3A_1043 = arith.cmpf oge, %gather3A_1028, %ge3A_1042 : vector<16xf32>
        %select_n3A_1044 = arith.select %ge3A_1043, %get3A_31, %select_n3A_1036 : vector<16xi1>, vector<16xf32>
        %ge3A_1045 = arith.constant 3.000000e+00 : f32
        %ge3A_1046 = vector.broadcast %ge3A_1045 : f32 to vector<16xf32>
        %ge3A_1047 = arith.cmpf oge, %gather3A_1028, %ge3A_1046 : vector<16xf32>
        %select_n3A_1048 = arith.select %ge3A_1047, %get3A_33, %select_n3A_1040 : vector<16xi1>, vector<16xf32>
        %ge3A_1049 = arith.constant 3.000000e+00 : f32
        %ge3A_1050 = vector.broadcast %ge3A_1049 : f32 to vector<16xf32>
        %ge3A_1051 = arith.cmpf oge, %gather3A_1028, %ge3A_1050 : vector<16xf32>
        %select_n3A_1052 = arith.select %ge3A_1051, %get3A_35, %select_n3A_1044 : vector<16xi1>, vector<16xf32>
        %ge3A_1053 = arith.constant 4.000000e+00 : f32
        %ge3A_1054 = vector.broadcast %ge3A_1053 : f32 to vector<16xf32>
        %ge3A_1055 = arith.cmpf oge, %gather3A_1028, %ge3A_1054 : vector<16xf32>
        %select_n3A_1056 = arith.select %ge3A_1055, %get3A_37, %select_n3A_1048 : vector<16xi1>, vector<16xf32>
        %ge3A_1057 = arith.constant 4.000000e+00 : f32
        %ge3A_1058 = vector.broadcast %ge3A_1057 : f32 to vector<16xf32>
        %ge3A_1059 = arith.cmpf oge, %gather3A_1028, %ge3A_1058 : vector<16xf32>
        %select_n3A_1060 = arith.select %ge3A_1059, %get3A_39, %select_n3A_1052 : vector<16xi1>, vector<16xf32>
        %ge3A_1061 = arith.constant 5.000000e+00 : f32
        %ge3A_1062 = vector.broadcast %ge3A_1061 : f32 to vector<16xf32>
        %ge3A_1063 = arith.cmpf oge, %gather3A_1028, %ge3A_1062 : vector<16xf32>
        %select_n3A_1064 = arith.select %ge3A_1063, %get3A_41, %select_n3A_1056 : vector<16xi1>, vector<16xf32>
        %ge3A_1065 = arith.constant 5.000000e+00 : f32
        %ge3A_1066 = vector.broadcast %ge3A_1065 : f32 to vector<16xf32>
        %ge3A_1067 = arith.cmpf oge, %gather3A_1028, %ge3A_1066 : vector<16xf32>
        %select_n3A_1068 = arith.select %ge3A_1067, %get3A_43, %select_n3A_1060 : vector<16xi1>, vector<16xf32>
        %ge3A_1069 = arith.constant 6.000000e+00 : f32
        %ge3A_1070 = vector.broadcast %ge3A_1069 : f32 to vector<16xf32>
        %ge3A_1071 = arith.cmpf oge, %gather3A_1028, %ge3A_1070 : vector<16xf32>
        %select_n3A_1072 = arith.select %ge3A_1071, %get3A_45, %select_n3A_1064 : vector<16xi1>, vector<16xf32>
        %ge3A_1073 = arith.constant 6.000000e+00 : f32
        %ge3A_1074 = vector.broadcast %ge3A_1073 : f32 to vector<16xf32>
        %ge3A_1075 = arith.cmpf oge, %gather3A_1028, %ge3A_1074 : vector<16xf32>
        %select_n3A_1076 = arith.select %ge3A_1075, %get3A_47, %select_n3A_1068 : vector<16xi1>, vector<16xf32>
        %add3A_1077 = arith.constant 64 : i32
        %add3A_1078 = arith.addi %mul3A_618, %add3A_1077 : i32
        %add3A_1079 = arith.constant 256 : i32
        %add3A_1080 = arith.addi %add3A_1078, %add3A_1079 : i32
        %swap3A_1081 = arith.index_cast %add3A_1080 : i32 to index
        %swap3A_1082 = tpu.vector_load %arg6[%swap3A_1081] {strides = array<i32>} : memref<50704xf32, #tpu.memory_space<vmem>>, vector<16xf32>,
        tpu.vector_store %arg6[%swap3A_1081], %select_n3A_1072 {strides = array<i32>} : memref<50704xf32, #tpu.memory_space<vmem>>, vector<16xf32>,
        %add3A_1083 = arith.constant 16 : i32
        %add3A_1084 = arith.addi %add3A_1080, %add3A_1083 : i32
        %swap3A_1085 = arith.index_cast %add3A_1084 : i32 to index
        %swap3A_1086 = tpu.vector_load %arg6[%swap3A_1085] {strides = array<i32>} : memref<50704xf32, #tpu.memory_space<vmem>>, vector<16xf32>,
        tpu.vector_store %arg6[%swap3A_1085], %select_n3A_1076 {strides = array<i32>} : memref<50704xf32, #tpu.memory_space<vmem>>, vector<16xf32>,
        %broadcast_in_dim3A_1087 = arith.constant 10 : i32
        %broadcast_in_dim3A_1088 = vector.broadcast %broadcast_in_dim3A_1087 : i32 to vector<16x1xi32>
        %gather3A_1089 = vector.shape_cast %broadcast_in_dim3A_1088 : vector<16x1xi32> to vector<16xi32>
        %gather3A_1090 = tpu.dynamic_gather %get3A_624[%gather3A_1089] in [0] : vector<16xf32>, vector<16xi32> -> vector<16xf32>
        %ge3A_1091 = arith.constant 1.000000e+00 : f32
        %ge3A_1092 = vector.broadcast %ge3A_1091 : f32 to vector<16xf32>
        %ge3A_1093 = arith.cmpf oge, %gather3A_1090, %ge3A_1092 : vector<16xf32>
        %select_n3A_1094 = arith.select %ge3A_1093, %get3A_25, %get3A_21 : vector<16xi1>, vector<16xf32>
        %ge3A_1095 = arith.constant 1.000000e+00 : f32
        %ge3A_1096 = vector.broadcast %ge3A_1095 : f32 to vector<16xf32>
        %ge3A_1097 = arith.cmpf oge, %gather3A_1090, %ge3A_1096 : vector<16xf32>
        %select_n3A_1098 = arith.select %ge3A_1097, %get3A_27, %get3A_23 : vector<16xi1>, vector<16xf32>
        %ge3A_1099 = arith.constant 2.000000e+00 : f32
        %ge3A_1100 = vector.broadcast %ge3A_1099 : f32 to vector<16xf32>
        %ge3A_1101 = arith.cmpf oge, %gather3A_1090, %ge3A_1100 : vector<16xf32>
        %select_n3A_1102 = arith.select %ge3A_1101, %get3A_29, %select_n3A_1094 : vector<16xi1>, vector<16xf32>
        %ge3A_1103 = arith.constant 2.000000e+00 : f32
        %ge3A_1104 = vector.broadcast %ge3A_1103 : f32 to vector<16xf32>
        %ge3A_1105 = arith.cmpf oge, %gather3A_1090, %ge3A_1104 : vector<16xf32>
        %select_n3A_1106 = arith.select %ge3A_1105, %get3A_31, %select_n3A_1098 : vector<16xi1>, vector<16xf32>
        %ge3A_1107 = arith.constant 3.000000e+00 : f32
        %ge3A_1108 = vector.broadcast %ge3A_1107 : f32 to vector<16xf32>
        %ge3A_1109 = arith.cmpf oge, %gather3A_1090, %ge3A_1108 : vector<16xf32>
        %select_n3A_1110 = arith.select %ge3A_1109, %get3A_33, %select_n3A_1102 : vector<16xi1>, vector<16xf32>
        %ge3A_1111 = arith.constant 3.000000e+00 : f32
        %ge3A_1112 = vector.broadcast %ge3A_1111 : f32 to vector<16xf32>
        %ge3A_1113 = arith.cmpf oge, %gather3A_1090, %ge3A_1112 : vector<16xf32>
        %select_n3A_1114 = arith.select %ge3A_1113, %get3A_35, %select_n3A_1106 : vector<16xi1>, vector<16xf32>
        %ge3A_1115 = arith.constant 4.000000e+00 : f32
        %ge3A_1116 = vector.broadcast %ge3A_1115 : f32 to vector<16xf32>
        %ge3A_1117 = arith.cmpf oge, %gather3A_1090, %ge3A_1116 : vector<16xf32>
        %select_n3A_1118 = arith.select %ge3A_1117, %get3A_37, %select_n3A_1110 : vector<16xi1>, vector<16xf32>
        %ge3A_1119 = arith.constant 4.000000e+00 : f32
        %ge3A_1120 = vector.broadcast %ge3A_1119 : f32 to vector<16xf32>
        %ge3A_1121 = arith.cmpf oge, %gather3A_1090, %ge3A_1120 : vector<16xf32>
        %select_n3A_1122 = arith.select %ge3A_1121, %get3A_39, %select_n3A_1114 : vector<16xi1>, vector<16xf32>
        %ge3A_1123 = arith.constant 5.000000e+00 : f32
        %ge3A_1124 = vector.broadcast %ge3A_1123 : f32 to vector<16xf32>
        %ge3A_1125 = arith.cmpf oge, %gather3A_1090, %ge3A_1124 : vector<16xf32>
        %select_n3A_1126 = arith.select %ge3A_1125, %get3A_41, %select_n3A_1118 : vector<16xi1>, vector<16xf32>
        %ge3A_1127 = arith.constant 5.000000e+00 : f32
        %ge3A_1128 = vector.broadcast %ge3A_1127 : f32 to vector<16xf32>
        %ge3A_1129 = arith.cmpf oge, %gather3A_1090, %ge3A_1128 : vector<16xf32>
        %select_n3A_1130 = arith.select %ge3A_1129, %get3A_43, %select_n3A_1122 : vector<16xi1>, vector<16xf32>
        %ge3A_1131 = arith.constant 6.000000e+00 : f32
        %ge3A_1132 = vector.broadcast %ge3A_1131 : f32 to vector<16xf32>
        %ge3A_1133 = arith.cmpf oge, %gather3A_1090, %ge3A_1132 : vector<16xf32>
        %select_n3A_1134 = arith.select %ge3A_1133, %get3A_45, %select_n3A_1126 : vector<16xi1>, vector<16xf32>
        %ge3A_1135 = arith.constant 6.000000e+00 : f32
        %ge3A_1136 = vector.broadcast %ge3A_1135 : f32 to vector<16xf32>
        %ge3A_1137 = arith.cmpf oge, %gather3A_1090, %ge3A_1136 : vector<16xf32>
        %select_n3A_1138 = arith.select %ge3A_1137, %get3A_47, %select_n3A_1130 : vector<16xi1>, vector<16xf32>
        %add3A_1139 = arith.constant 64 : i32
        %add3A_1140 = arith.addi %mul3A_618, %add3A_1139 : i32
        %add3A_1141 = arith.constant 288 : i32
        %add3A_1142 = arith.addi %add3A_1140, %add3A_1141 : i32
        %swap3A_1143 = arith.index_cast %add3A_1142 : i32 to index
        %swap3A_1144 = tpu.vector_load %arg6[%swap3A_1143] {strides = array<i32>} : memref<50704xf32, #tpu.memory_space<vmem>>, vector<16xf32>,
        tpu.vector_store %arg6[%swap3A_1143], %select_n3A_1134 {strides = array<i32>} : memref<50704xf32, #tpu.memory_space<vmem>>, vector<16xf32>,
        %add3A_1145 = arith.constant 16 : i32
        %add3A_1146 = arith.addi %add3A_1142, %add3A_1145 : i32
        %swap3A_1147 = arith.index_cast %add3A_1146 : i32 to index
        %swap3A_1148 = tpu.vector_load %arg6[%swap3A_1147] {strides = array<i32>} : memref<50704xf32, #tpu.memory_space<vmem>>, vector<16xf32>,
        tpu.vector_store %arg6[%swap3A_1147], %select_n3A_1138 {strides = array<i32>} : memref<50704xf32, #tpu.memory_space<vmem>>, vector<16xf32>,
        %mul3A_1149 = arith.constant 23 : i32
        %mul3A_1150 = arith.muli %scan3A_616, %mul3A_1149 : i32
        %add3A_1151 = arith.constant 11 : i32
        %add3A_1152 = arith.addi %mul3A_1150, %add3A_1151 : i32
        %get3A_1153 = arith.index_cast %add3A_1152 : i32 to index
        %get3A_1154 = tpu.vector_load %arg5[%get3A_1153] {strides = array<i32>} : memref<2960xf32, #tpu.memory_space<vmem>>, vector<16xf32>,
        %add3A_1155 = arith.constant 64 : i32
        %add3A_1156 = arith.addi %mul3A_618, %add3A_1155 : i32
        %add3A_1157 = arith.constant 320 : i32
        %add3A_1158 = arith.addi %add3A_1156, %add3A_1157 : i32
        %swap3A_1159 = arith.index_cast %add3A_1158 : i32 to index
        %swap3A_1160 = tpu.vector_load %arg6[%swap3A_1159] {strides = array<i32>} : memref<50704xf32, #tpu.memory_space<vmem>>, vector<16xf32>,
        tpu.vector_store %arg6[%swap3A_1159], %get3A_1154 {strides = array<i32>} : memref<50704xf32, #tpu.memory_space<vmem>>, vector<16xf32>,
        %scan3A_1161 = arith.constant 2 : i32
        %scan3A_1162 = arith.addi %scan3A_75, %scan3A_1161 : i32
        %mul3A_1163 = arith.constant 396 : i32
        %mul3A_1164 = arith.muli %scan3A_1162, %mul3A_1163 : i32
        %swap3A_1165 = arith.index_cast %mul3A_1164 : i32 to index
        %swap3A_1166 = tpu.vector_load %arg6[%swap3A_1165] {strides = array<i32>} : memref<50704xf32, #tpu.memory_space<vmem>>, vector<16xf32>,
        tpu.vector_store %arg6[%swap3A_1165], %get3A_1 {strides = array<i32>} : memref<50704xf32, #tpu.memory_space<vmem>>, vector<16xf32>,
        %mul3A_1167 = arith.constant 23 : i32
        %mul3A_1168 = arith.muli %scan3A_1162, %mul3A_1167 : i32
        %get3A_1169 = arith.index_cast %mul3A_1168 : i32 to index
        %get3A_1170 = tpu.vector_load %arg5[%get3A_1169] {strides = array<i32>} : memref<2960xf32, #tpu.memory_space<vmem>>, vector<16xf32>,
        %broadcast_in_dim3A_1171 = arith.constant 1 : i32
        %broadcast_in_dim3A_1172 = vector.broadcast %broadcast_in_dim3A_1171 : i32 to vector<16x1xi32>
        %gather3A_1173 = vector.shape_cast %broadcast_in_dim3A_1172 : vector<16x1xi32> to vector<16xi32>
        %gather3A_1174 = tpu.dynamic_gather %get3A_1170[%gather3A_1173] in [0] : vector<16xf32>, vector<16xi32> -> vector<16xf32>
        %ge3A_1175 = arith.constant 1.000000e+00 : f32
        %ge3A_1176 = vector.broadcast %ge3A_1175 : f32 to vector<16xf32>
        %ge3A_1177 = arith.cmpf oge, %gather3A_1174, %ge3A_1176 : vector<16xf32>
        %select_n3A_1178 = arith.select %ge3A_1177, %get3A_13, %get3A_9 : vector<16xi1>, vector<16xf32>
        %ge3A_1179 = arith.constant 1.000000e+00 : f32
        %ge3A_1180 = vector.broadcast %ge3A_1179 : f32 to vector<16xf32>
        %ge3A_1181 = arith.cmpf oge, %gather3A_1174, %ge3A_1180 : vector<16xf32>
        %select_n3A_1182 = arith.select %ge3A_1181, %get3A_15, %get3A_11 : vector<16xi1>, vector<16xf32>
        %ge3A_1183 = arith.constant 2.000000e+00 : f32
        %ge3A_1184 = vector.broadcast %ge3A_1183 : f32 to vector<16xf32>
        %ge3A_1185 = arith.cmpf oge, %gather3A_1174, %ge3A_1184 : vector<16xf32>
        %select_n3A_1186 = arith.select %ge3A_1185, %get3A_17, %select_n3A_1178 : vector<16xi1>, vector<16xf32>
        %ge3A_1187 = arith.constant 2.000000e+00 : f32
        %ge3A_1188 = vector.broadcast %ge3A_1187 : f32 to vector<16xf32>
        %ge3A_1189 = arith.cmpf oge, %gather3A_1174, %ge3A_1188 : vector<16xf32>
        %select_n3A_1190 = arith.select %ge3A_1189, %get3A_19, %select_n3A_1182 : vector<16xi1>, vector<16xf32>
        %add3A_1191 = arith.constant 64 : i32
        %add3A_1192 = arith.addi %mul3A_1164, %add3A_1191 : i32
        %add3A_1193 = arith.constant 0 : i32
        %add3A_1194 = arith.addi %add3A_1192, %add3A_1193 : i32
        %swap3A_1195 = arith.index_cast %add3A_1194 : i32 to index
        %swap3A_1196 = tpu.vector_load %arg6[%swap3A_1195] {strides = array<i32>} : memref<50704xf32, #tpu.memory_space<vmem>>, vector<16xf32>,
        tpu.vector_store %arg6[%swap3A_1195], %select_n3A_1186 {strides = array<i32>} : memref<50704xf32, #tpu.memory_space<vmem>>, vector<16xf32>,
        %add3A_1197 = arith.constant 16 : i32
        %add3A_1198 = arith.addi %add3A_1194, %add3A_1197 : i32
        %swap3A_1199 = arith.index_cast %add3A_1198 : i32 to index
        %swap3A_1200 = tpu.vector_load %arg6[%swap3A_1199] {strides = array<i32>} : memref<50704xf32, #tpu.memory_space<vmem>>, vector<16xf32>,
        tpu.vector_store %arg6[%swap3A_1199], %select_n3A_1190 {strides = array<i32>} : memref<50704xf32, #tpu.memory_space<vmem>>, vector<16xf32>,
        %broadcast_in_dim3A_1201 = arith.constant 2 : i32
        %broadcast_in_dim3A_1202 = vector.broadcast %broadcast_in_dim3A_1201 : i32 to vector<16x1xi32>
        %gather3A_1203 = vector.shape_cast %broadcast_in_dim3A_1202 : vector<16x1xi32> to vector<16xi32>
        %gather3A_1204 = tpu.dynamic_gather %get3A_1170[%gather3A_1203] in [0] : vector<16xf32>, vector<16xi32> -> vector<16xf32>
        %ge3A_1205 = arith.constant 1.000000e+00 : f32
        %ge3A_1206 = vector.broadcast %ge3A_1205 : f32 to vector<16xf32>
        %ge3A_1207 = arith.cmpf oge, %gather3A_1204, %ge3A_1206 : vector<16xf32>
        %select_n3A_1208 = arith.select %ge3A_1207, %get3A_13, %get3A_9 : vector<16xi1>, vector<16xf32>
        %ge3A_1209 = arith.constant 1.000000e+00 : f32
        %ge3A_1210 = vector.broadcast %ge3A_1209 : f32 to vector<16xf32>
        %ge3A_1211 = arith.cmpf oge, %gather3A_1204, %ge3A_1210 : vector<16xf32>
        %select_n3A_1212 = arith.select %ge3A_1211, %get3A_15, %get3A_11 : vector<16xi1>, vector<16xf32>
        %ge3A_1213 = arith.constant 2.000000e+00 : f32
        %ge3A_1214 = vector.broadcast %ge3A_1213 : f32 to vector<16xf32>
        %ge3A_1215 = arith.cmpf oge, %gather3A_1204, %ge3A_1214 : vector<16xf32>
        %select_n3A_1216 = arith.select %ge3A_1215, %get3A_17, %select_n3A_1208 : vector<16xi1>, vector<16xf32>
        %ge3A_1217 = arith.constant 2.000000e+00 : f32
        %ge3A_1218 = vector.broadcast %ge3A_1217 : f32 to vector<16xf32>
        %ge3A_1219 = arith.cmpf oge, %gather3A_1204, %ge3A_1218 : vector<16xf32>
        %select_n3A_1220 = arith.select %ge3A_1219, %get3A_19, %select_n3A_1212 : vector<16xi1>, vector<16xf32>
        %add3A_1221 = arith.constant 64 : i32
        %add3A_1222 = arith.addi %mul3A_1164, %add3A_1221 : i32
        %add3A_1223 = arith.constant 32 : i32
        %add3A_1224 = arith.addi %add3A_1222, %add3A_1223 : i32
        %swap3A_1225 = arith.index_cast %add3A_1224 : i32 to index
        %swap3A_1226 = tpu.vector_load %arg6[%swap3A_1225] {strides = array<i32>} : memref<50704xf32, #tpu.memory_space<vmem>>, vector<16xf32>,
        tpu.vector_store %arg6[%swap3A_1225], %select_n3A_1216 {strides = array<i32>} : memref<50704xf32, #tpu.memory_space<vmem>>, vector<16xf32>,
        %add3A_1227 = arith.constant 16 : i32
        %add3A_1228 = arith.addi %add3A_1224, %add3A_1227 : i32
        %swap3A_1229 = arith.index_cast %add3A_1228 : i32 to index
        %swap3A_1230 = tpu.vector_load %arg6[%swap3A_1229] {strides = array<i32>} : memref<50704xf32, #tpu.memory_space<vmem>>, vector<16xf32>,
        tpu.vector_store %arg6[%swap3A_1229], %select_n3A_1220 {strides = array<i32>} : memref<50704xf32, #tpu.memory_space<vmem>>, vector<16xf32>,
        %broadcast_in_dim3A_1231 = arith.constant 3 : i32
        %broadcast_in_dim3A_1232 = vector.broadcast %broadcast_in_dim3A_1231 : i32 to vector<16x1xi32>
        %gather3A_1233 = vector.shape_cast %broadcast_in_dim3A_1232 : vector<16x1xi32> to vector<16xi32>
        %gather3A_1234 = tpu.dynamic_gather %get3A_1170[%gather3A_1233] in [0] : vector<16xf32>, vector<16xi32> -> vector<16xf32>
        %ge3A_1235 = arith.constant 1.000000e+00 : f32
        %ge3A_1236 = vector.broadcast %ge3A_1235 : f32 to vector<16xf32>
        %ge3A_1237 = arith.cmpf oge, %gather3A_1234, %ge3A_1236 : vector<16xf32>
        %select_n3A_1238 = arith.select %ge3A_1237, %get3A_13, %get3A_9 : vector<16xi1>, vector<16xf32>
        %ge3A_1239 = arith.constant 1.000000e+00 : f32
        %ge3A_1240 = vector.broadcast %ge3A_1239 : f32 to vector<16xf32>
        %ge3A_1241 = arith.cmpf oge, %gather3A_1234, %ge3A_1240 : vector<16xf32>
        %select_n3A_1242 = arith.select %ge3A_1241, %get3A_15, %get3A_11 : vector<16xi1>, vector<16xf32>
        %ge3A_1243 = arith.constant 2.000000e+00 : f32
        %ge3A_1244 = vector.broadcast %ge3A_1243 : f32 to vector<16xf32>
        %ge3A_1245 = arith.cmpf oge, %gather3A_1234, %ge3A_1244 : vector<16xf32>
        %select_n3A_1246 = arith.select %ge3A_1245, %get3A_17, %select_n3A_1238 : vector<16xi1>, vector<16xf32>
        %ge3A_1247 = arith.constant 2.000000e+00 : f32
        %ge3A_1248 = vector.broadcast %ge3A_1247 : f32 to vector<16xf32>
        %ge3A_1249 = arith.cmpf oge, %gather3A_1234, %ge3A_1248 : vector<16xf32>
        %select_n3A_1250 = arith.select %ge3A_1249, %get3A_19, %select_n3A_1242 : vector<16xi1>, vector<16xf32>
        %add3A_1251 = arith.constant 64 : i32
        %add3A_1252 = arith.addi %mul3A_1164, %add3A_1251 : i32
        %add3A_1253 = arith.constant 64 : i32
        %add3A_1254 = arith.addi %add3A_1252, %add3A_1253 : i32
        %swap3A_1255 = arith.index_cast %add3A_1254 : i32 to index
        %swap3A_1256 = tpu.vector_load %arg6[%swap3A_1255] {strides = array<i32>} : memref<50704xf32, #tpu.memory_space<vmem>>, vector<16xf32>,
        tpu.vector_store %arg6[%swap3A_1255], %select_n3A_1246 {strides = array<i32>} : memref<50704xf32, #tpu.memory_space<vmem>>, vector<16xf32>,
        %add3A_1257 = arith.constant 16 : i32
        %add3A_1258 = arith.addi %add3A_1254, %add3A_1257 : i32
        %swap3A_1259 = arith.index_cast %add3A_1258 : i32 to index
        %swap3A_1260 = tpu.vector_load %arg6[%swap3A_1259] {strides = array<i32>} : memref<50704xf32, #tpu.memory_space<vmem>>, vector<16xf32>,
        tpu.vector_store %arg6[%swap3A_1259], %select_n3A_1250 {strides = array<i32>} : memref<50704xf32, #tpu.memory_space<vmem>>, vector<16xf32>,
        %broadcast_in_dim3A_1261 = arith.constant 4 : i32
        %broadcast_in_dim3A_1262 = vector.broadcast %broadcast_in_dim3A_1261 : i32 to vector<16x1xi32>
        %gather3A_1263 = vector.shape_cast %broadcast_in_dim3A_1262 : vector<16x1xi32> to vector<16xi32>
        %gather3A_1264 = tpu.dynamic_gather %get3A_1170[%gather3A_1263] in [0] : vector<16xf32>, vector<16xi32> -> vector<16xf32>
        %ge3A_1265 = arith.constant 1.000000e+00 : f32
        %ge3A_1266 = vector.broadcast %ge3A_1265 : f32 to vector<16xf32>
        %ge3A_1267 = arith.cmpf oge, %gather3A_1264, %ge3A_1266 : vector<16xf32>
        %select_n3A_1268 = arith.select %ge3A_1267, %get3A_25, %get3A_21 : vector<16xi1>, vector<16xf32>
        %ge3A_1269 = arith.constant 1.000000e+00 : f32
        %ge3A_1270 = vector.broadcast %ge3A_1269 : f32 to vector<16xf32>
        %ge3A_1271 = arith.cmpf oge, %gather3A_1264, %ge3A_1270 : vector<16xf32>
        %select_n3A_1272 = arith.select %ge3A_1271, %get3A_27, %get3A_23 : vector<16xi1>, vector<16xf32>
        %ge3A_1273 = arith.constant 2.000000e+00 : f32
        %ge3A_1274 = vector.broadcast %ge3A_1273 : f32 to vector<16xf32>
        %ge3A_1275 = arith.cmpf oge, %gather3A_1264, %ge3A_1274 : vector<16xf32>
        %select_n3A_1276 = arith.select %ge3A_1275, %get3A_29, %select_n3A_1268 : vector<16xi1>, vector<16xf32>
        %ge3A_1277 = arith.constant 2.000000e+00 : f32
        %ge3A_1278 = vector.broadcast %ge3A_1277 : f32 to vector<16xf32>
        %ge3A_1279 = arith.cmpf oge, %gather3A_1264, %ge3A_1278 : vector<16xf32>
        %select_n3A_1280 = arith.select %ge3A_1279, %get3A_31, %select_n3A_1272 : vector<16xi1>, vector<16xf32>
        %ge3A_1281 = arith.constant 3.000000e+00 : f32
        %ge3A_1282 = vector.broadcast %ge3A_1281 : f32 to vector<16xf32>
        %ge3A_1283 = arith.cmpf oge, %gather3A_1264, %ge3A_1282 : vector<16xf32>
        %select_n3A_1284 = arith.select %ge3A_1283, %get3A_33, %select_n3A_1276 : vector<16xi1>, vector<16xf32>
        %ge3A_1285 = arith.constant 3.000000e+00 : f32
        %ge3A_1286 = vector.broadcast %ge3A_1285 : f32 to vector<16xf32>
        %ge3A_1287 = arith.cmpf oge, %gather3A_1264, %ge3A_1286 : vector<16xf32>
        %select_n3A_1288 = arith.select %ge3A_1287, %get3A_35, %select_n3A_1280 : vector<16xi1>, vector<16xf32>
        %ge3A_1289 = arith.constant 4.000000e+00 : f32
        %ge3A_1290 = vector.broadcast %ge3A_1289 : f32 to vector<16xf32>
        %ge3A_1291 = arith.cmpf oge, %gather3A_1264, %ge3A_1290 : vector<16xf32>
        %select_n3A_1292 = arith.select %ge3A_1291, %get3A_37, %select_n3A_1284 : vector<16xi1>, vector<16xf32>
        %ge3A_1293 = arith.constant 4.000000e+00 : f32
        %ge3A_1294 = vector.broadcast %ge3A_1293 : f32 to vector<16xf32>
        %ge3A_1295 = arith.cmpf oge, %gather3A_1264, %ge3A_1294 : vector<16xf32>
        %select_n3A_1296 = arith.select %ge3A_1295, %get3A_39, %select_n3A_1288 : vector<16xi1>, vector<16xf32>
        %ge3A_1297 = arith.constant 5.000000e+00 : f32
        %ge3A_1298 = vector.broadcast %ge3A_1297 : f32 to vector<16xf32>
        %ge3A_1299 = arith.cmpf oge, %gather3A_1264, %ge3A_1298 : vector<16xf32>
        %select_n3A_1300 = arith.select %ge3A_1299, %get3A_41, %select_n3A_1292 : vector<16xi1>, vector<16xf32>
        %ge3A_1301 = arith.constant 5.000000e+00 : f32
        %ge3A_1302 = vector.broadcast %ge3A_1301 : f32 to vector<16xf32>
        %ge3A_1303 = arith.cmpf oge, %gather3A_1264, %ge3A_1302 : vector<16xf32>
        %select_n3A_1304 = arith.select %ge3A_1303, %get3A_43, %select_n3A_1296 : vector<16xi1>, vector<16xf32>
        %ge3A_1305 = arith.constant 6.000000e+00 : f32
        %ge3A_1306 = vector.broadcast %ge3A_1305 : f32 to vector<16xf32>
        %ge3A_1307 = arith.cmpf oge, %gather3A_1264, %ge3A_1306 : vector<16xf32>
        %select_n3A_1308 = arith.select %ge3A_1307, %get3A_45, %select_n3A_1300 : vector<16xi1>, vector<16xf32>
        %ge3A_1309 = arith.constant 6.000000e+00 : f32
        %ge3A_1310 = vector.broadcast %ge3A_1309 : f32 to vector<16xf32>
        %ge3A_1311 = arith.cmpf oge, %gather3A_1264, %ge3A_1310 : vector<16xf32>
        %select_n3A_1312 = arith.select %ge3A_1311, %get3A_47, %select_n3A_1304 : vector<16xi1>, vector<16xf32>
        %add3A_1313 = arith.constant 64 : i32
        %add3A_1314 = arith.addi %mul3A_1164, %add3A_1313 : i32
        %add3A_1315 = arith.constant 96 : i32
        %add3A_1316 = arith.addi %add3A_1314, %add3A_1315 : i32
        %swap3A_1317 = arith.index_cast %add3A_1316 : i32 to index
        %swap3A_1318 = tpu.vector_load %arg6[%swap3A_1317] {strides = array<i32>} : memref<50704xf32, #tpu.memory_space<vmem>>, vector<16xf32>,
        tpu.vector_store %arg6[%swap3A_1317], %select_n3A_1308 {strides = array<i32>} : memref<50704xf32, #tpu.memory_space<vmem>>, vector<16xf32>,
        %add3A_1319 = arith.constant 16 : i32
        %add3A_1320 = arith.addi %add3A_1316, %add3A_1319 : i32
        %swap3A_1321 = arith.index_cast %add3A_1320 : i32 to index
        %swap3A_1322 = tpu.vector_load %arg6[%swap3A_1321] {strides = array<i32>} : memref<50704xf32, #tpu.memory_space<vmem>>, vector<16xf32>,
        tpu.vector_store %arg6[%swap3A_1321], %select_n3A_1312 {strides = array<i32>} : memref<50704xf32, #tpu.memory_space<vmem>>, vector<16xf32>,
        %broadcast_in_dim3A_1323 = arith.constant 5 : i32
        %broadcast_in_dim3A_1324 = vector.broadcast %broadcast_in_dim3A_1323 : i32 to vector<16x1xi32>
        %gather3A_1325 = vector.shape_cast %broadcast_in_dim3A_1324 : vector<16x1xi32> to vector<16xi32>
        %gather3A_1326 = tpu.dynamic_gather %get3A_1170[%gather3A_1325] in [0] : vector<16xf32>, vector<16xi32> -> vector<16xf32>
        %ge3A_1327 = arith.constant 1.000000e+00 : f32
        %ge3A_1328 = vector.broadcast %ge3A_1327 : f32 to vector<16xf32>
        %ge3A_1329 = arith.cmpf oge, %gather3A_1326, %ge3A_1328 : vector<16xf32>
        %select_n3A_1330 = arith.select %ge3A_1329, %get3A_25, %get3A_21 : vector<16xi1>, vector<16xf32>
        %ge3A_1331 = arith.constant 1.000000e+00 : f32
        %ge3A_1332 = vector.broadcast %ge3A_1331 : f32 to vector<16xf32>
        %ge3A_1333 = arith.cmpf oge, %gather3A_1326, %ge3A_1332 : vector<16xf32>
        %select_n3A_1334 = arith.select %ge3A_1333, %get3A_27, %get3A_23 : vector<16xi1>, vector<16xf32>
        %ge3A_1335 = arith.constant 2.000000e+00 : f32
        %ge3A_1336 = vector.broadcast %ge3A_1335 : f32 to vector<16xf32>
        %ge3A_1337 = arith.cmpf oge, %gather3A_1326, %ge3A_1336 : vector<16xf32>
        %select_n3A_1338 = arith.select %ge3A_1337, %get3A_29, %select_n3A_1330 : vector<16xi1>, vector<16xf32>
        %ge3A_1339 = arith.constant 2.000000e+00 : f32
        %ge3A_1340 = vector.broadcast %ge3A_1339 : f32 to vector<16xf32>
        %ge3A_1341 = arith.cmpf oge, %gather3A_1326, %ge3A_1340 : vector<16xf32>
        %select_n3A_1342 = arith.select %ge3A_1341, %get3A_31, %select_n3A_1334 : vector<16xi1>, vector<16xf32>
        %ge3A_1343 = arith.constant 3.000000e+00 : f32
        %ge3A_1344 = vector.broadcast %ge3A_1343 : f32 to vector<16xf32>
        %ge3A_1345 = arith.cmpf oge, %gather3A_1326, %ge3A_1344 : vector<16xf32>
        %select_n3A_1346 = arith.select %ge3A_1345, %get3A_33, %select_n3A_1338 : vector<16xi1>, vector<16xf32>
        %ge3A_1347 = arith.constant 3.000000e+00 : f32
        %ge3A_1348 = vector.broadcast %ge3A_1347 : f32 to vector<16xf32>
        %ge3A_1349 = arith.cmpf oge, %gather3A_1326, %ge3A_1348 : vector<16xf32>
        %select_n3A_1350 = arith.select %ge3A_1349, %get3A_35, %select_n3A_1342 : vector<16xi1>, vector<16xf32>
        %ge3A_1351 = arith.constant 4.000000e+00 : f32
        %ge3A_1352 = vector.broadcast %ge3A_1351 : f32 to vector<16xf32>
        %ge3A_1353 = arith.cmpf oge, %gather3A_1326, %ge3A_1352 : vector<16xf32>
        %select_n3A_1354 = arith.select %ge3A_1353, %get3A_37, %select_n3A_1346 : vector<16xi1>, vector<16xf32>
        %ge3A_1355 = arith.constant 4.000000e+00 : f32
        %ge3A_1356 = vector.broadcast %ge3A_1355 : f32 to vector<16xf32>
        %ge3A_1357 = arith.cmpf oge, %gather3A_1326, %ge3A_1356 : vector<16xf32>
        %select_n3A_1358 = arith.select %ge3A_1357, %get3A_39, %select_n3A_1350 : vector<16xi1>, vector<16xf32>
        %ge3A_1359 = arith.constant 5.000000e+00 : f32
        %ge3A_1360 = vector.broadcast %ge3A_1359 : f32 to vector<16xf32>
        %ge3A_1361 = arith.cmpf oge, %gather3A_1326, %ge3A_1360 : vector<16xf32>
        %select_n3A_1362 = arith.select %ge3A_1361, %get3A_41, %select_n3A_1354 : vector<16xi1>, vector<16xf32>
        %ge3A_1363 = arith.constant 5.000000e+00 : f32
        %ge3A_1364 = vector.broadcast %ge3A_1363 : f32 to vector<16xf32>
        %ge3A_1365 = arith.cmpf oge, %gather3A_1326, %ge3A_1364 : vector<16xf32>
        %select_n3A_1366 = arith.select %ge3A_1365, %get3A_43, %select_n3A_1358 : vector<16xi1>, vector<16xf32>
        %ge3A_1367 = arith.constant 6.000000e+00 : f32
        %ge3A_1368 = vector.broadcast %ge3A_1367 : f32 to vector<16xf32>
        %ge3A_1369 = arith.cmpf oge, %gather3A_1326, %ge3A_1368 : vector<16xf32>
        %select_n3A_1370 = arith.select %ge3A_1369, %get3A_45, %select_n3A_1362 : vector<16xi1>, vector<16xf32>
        %ge3A_1371 = arith.constant 6.000000e+00 : f32
        %ge3A_1372 = vector.broadcast %ge3A_1371 : f32 to vector<16xf32>
        %ge3A_1373 = arith.cmpf oge, %gather3A_1326, %ge3A_1372 : vector<16xf32>
        %select_n3A_1374 = arith.select %ge3A_1373, %get3A_47, %select_n3A_1366 : vector<16xi1>, vector<16xf32>
        %add3A_1375 = arith.constant 64 : i32
        %add3A_1376 = arith.addi %mul3A_1164, %add3A_1375 : i32
        %add3A_1377 = arith.constant 128 : i32
        %add3A_1378 = arith.addi %add3A_1376, %add3A_1377 : i32
        %swap3A_1379 = arith.index_cast %add3A_1378 : i32 to index
        %swap3A_1380 = tpu.vector_load %arg6[%swap3A_1379] {strides = array<i32>} : memref<50704xf32, #tpu.memory_space<vmem>>, vector<16xf32>,
        tpu.vector_store %arg6[%swap3A_1379], %select_n3A_1370 {strides = array<i32>} : memref<50704xf32, #tpu.memory_space<vmem>>, vector<16xf32>,
        %add3A_1381 = arith.constant 16 : i32
        %add3A_1382 = arith.addi %add3A_1378, %add3A_1381 : i32
        %swap3A_1383 = arith.index_cast %add3A_1382 : i32 to index
        %swap3A_1384 = tpu.vector_load %arg6[%swap3A_1383] {strides = array<i32>} : memref<50704xf32, #tpu.memory_space<vmem>>, vector<16xf32>,
        tpu.vector_store %arg6[%swap3A_1383], %select_n3A_1374 {strides = array<i32>} : memref<50704xf32, #tpu.memory_space<vmem>>, vector<16xf32>,
        %broadcast_in_dim3A_1385 = arith.constant 6 : i32
        %broadcast_in_dim3A_1386 = vector.broadcast %broadcast_in_dim3A_1385 : i32 to vector<16x1xi32>
        %gather3A_1387 = vector.shape_cast %broadcast_in_dim3A_1386 : vector<16x1xi32> to vector<16xi32>
        %gather3A_1388 = tpu.dynamic_gather %get3A_1170[%gather3A_1387] in [0] : vector<16xf32>, vector<16xi32> -> vector<16xf32>
        %ge3A_1389 = arith.constant 1.000000e+00 : f32
        %ge3A_1390 = vector.broadcast %ge3A_1389 : f32 to vector<16xf32>
        %ge3A_1391 = arith.cmpf oge, %gather3A_1388, %ge3A_1390 : vector<16xf32>
        %select_n3A_1392 = arith.select %ge3A_1391, %get3A_25, %get3A_21 : vector<16xi1>, vector<16xf32>
        %ge3A_1393 = arith.constant 1.000000e+00 : f32
        %ge3A_1394 = vector.broadcast %ge3A_1393 : f32 to vector<16xf32>
        %ge3A_1395 = arith.cmpf oge, %gather3A_1388, %ge3A_1394 : vector<16xf32>
        %select_n3A_1396 = arith.select %ge3A_1395, %get3A_27, %get3A_23 : vector<16xi1>, vector<16xf32>
        %ge3A_1397 = arith.constant 2.000000e+00 : f32
        %ge3A_1398 = vector.broadcast %ge3A_1397 : f32 to vector<16xf32>
        %ge3A_1399 = arith.cmpf oge, %gather3A_1388, %ge3A_1398 : vector<16xf32>
        %select_n3A_1400 = arith.select %ge3A_1399, %get3A_29, %select_n3A_1392 : vector<16xi1>, vector<16xf32>
        %ge3A_1401 = arith.constant 2.000000e+00 : f32
        %ge3A_1402 = vector.broadcast %ge3A_1401 : f32 to vector<16xf32>
        %ge3A_1403 = arith.cmpf oge, %gather3A_1388, %ge3A_1402 : vector<16xf32>
        %select_n3A_1404 = arith.select %ge3A_1403, %get3A_31, %select_n3A_1396 : vector<16xi1>, vector<16xf32>
        %ge3A_1405 = arith.constant 3.000000e+00 : f32
        %ge3A_1406 = vector.broadcast %ge3A_1405 : f32 to vector<16xf32>
        %ge3A_1407 = arith.cmpf oge, %gather3A_1388, %ge3A_1406 : vector<16xf32>
        %select_n3A_1408 = arith.select %ge3A_1407, %get3A_33, %select_n3A_1400 : vector<16xi1>, vector<16xf32>
        %ge3A_1409 = arith.constant 3.000000e+00 : f32
        %ge3A_1410 = vector.broadcast %ge3A_1409 : f32 to vector<16xf32>
        %ge3A_1411 = arith.cmpf oge, %gather3A_1388, %ge3A_1410 : vector<16xf32>
        %select_n3A_1412 = arith.select %ge3A_1411, %get3A_35, %select_n3A_1404 : vector<16xi1>, vector<16xf32>
        %ge3A_1413 = arith.constant 4.000000e+00 : f32
        %ge3A_1414 = vector.broadcast %ge3A_1413 : f32 to vector<16xf32>
        %ge3A_1415 = arith.cmpf oge, %gather3A_1388, %ge3A_1414 : vector<16xf32>
        %select_n3A_1416 = arith.select %ge3A_1415, %get3A_37, %select_n3A_1408 : vector<16xi1>, vector<16xf32>
        %ge3A_1417 = arith.constant 4.000000e+00 : f32
        %ge3A_1418 = vector.broadcast %ge3A_1417 : f32 to vector<16xf32>
        %ge3A_1419 = arith.cmpf oge, %gather3A_1388, %ge3A_1418 : vector<16xf32>
        %select_n3A_1420 = arith.select %ge3A_1419, %get3A_39, %select_n3A_1412 : vector<16xi1>, vector<16xf32>
        %ge3A_1421 = arith.constant 5.000000e+00 : f32
        %ge3A_1422 = vector.broadcast %ge3A_1421 : f32 to vector<16xf32>
        %ge3A_1423 = arith.cmpf oge, %gather3A_1388, %ge3A_1422 : vector<16xf32>
        %select_n3A_1424 = arith.select %ge3A_1423, %get3A_41, %select_n3A_1416 : vector<16xi1>, vector<16xf32>
        %ge3A_1425 = arith.constant 5.000000e+00 : f32
        %ge3A_1426 = vector.broadcast %ge3A_1425 : f32 to vector<16xf32>
        %ge3A_1427 = arith.cmpf oge, %gather3A_1388, %ge3A_1426 : vector<16xf32>
        %select_n3A_1428 = arith.select %ge3A_1427, %get3A_43, %select_n3A_1420 : vector<16xi1>, vector<16xf32>
        %ge3A_1429 = arith.constant 6.000000e+00 : f32
        %ge3A_1430 = vector.broadcast %ge3A_1429 : f32 to vector<16xf32>
        %ge3A_1431 = arith.cmpf oge, %gather3A_1388, %ge3A_1430 : vector<16xf32>
        %select_n3A_1432 = arith.select %ge3A_1431, %get3A_45, %select_n3A_1424 : vector<16xi1>, vector<16xf32>
        %ge3A_1433 = arith.constant 6.000000e+00 : f32
        %ge3A_1434 = vector.broadcast %ge3A_1433 : f32 to vector<16xf32>
        %ge3A_1435 = arith.cmpf oge, %gather3A_1388, %ge3A_1434 : vector<16xf32>
        %select_n3A_1436 = arith.select %ge3A_1435, %get3A_47, %select_n3A_1428 : vector<16xi1>, vector<16xf32>
        %add3A_1437 = arith.constant 64 : i32
        %add3A_1438 = arith.addi %mul3A_1164, %add3A_1437 : i32
        %add3A_1439 = arith.constant 160 : i32
        %add3A_1440 = arith.addi %add3A_1438, %add3A_1439 : i32
        %swap3A_1441 = arith.index_cast %add3A_1440 : i32 to index
        %swap3A_1442 = tpu.vector_load %arg6[%swap3A_1441] {strides = array<i32>} : memref<50704xf32, #tpu.memory_space<vmem>>, vector<16xf32>,
        tpu.vector_store %arg6[%swap3A_1441], %select_n3A_1432 {strides = array<i32>} : memref<50704xf32, #tpu.memory_space<vmem>>, vector<16xf32>,
        %add3A_1443 = arith.constant 16 : i32
        %add3A_1444 = arith.addi %add3A_1440, %add3A_1443 : i32
        %swap3A_1445 = arith.index_cast %add3A_1444 : i32 to index
        %swap3A_1446 = tpu.vector_load %arg6[%swap3A_1445] {strides = array<i32>} : memref<50704xf32, #tpu.memory_space<vmem>>, vector<16xf32>,
        tpu.vector_store %arg6[%swap3A_1445], %select_n3A_1436 {strides = array<i32>} : memref<50704xf32, #tpu.memory_space<vmem>>, vector<16xf32>,
        %broadcast_in_dim3A_1447 = arith.constant 7 : i32
        %broadcast_in_dim3A_1448 = vector.broadcast %broadcast_in_dim3A_1447 : i32 to vector<16x1xi32>
        %gather3A_1449 = vector.shape_cast %broadcast_in_dim3A_1448 : vector<16x1xi32> to vector<16xi32>
        %gather3A_1450 = tpu.dynamic_gather %get3A_1170[%gather3A_1449] in [0] : vector<16xf32>, vector<16xi32> -> vector<16xf32>
        %ge3A_1451 = arith.constant 1.000000e+00 : f32
        %ge3A_1452 = vector.broadcast %ge3A_1451 : f32 to vector<16xf32>
        %ge3A_1453 = arith.cmpf oge, %gather3A_1450, %ge3A_1452 : vector<16xf32>
        %select_n3A_1454 = arith.select %ge3A_1453, %get3A_25, %get3A_21 : vector<16xi1>, vector<16xf32>
        %ge3A_1455 = arith.constant 1.000000e+00 : f32
        %ge3A_1456 = vector.broadcast %ge3A_1455 : f32 to vector<16xf32>
        %ge3A_1457 = arith.cmpf oge, %gather3A_1450, %ge3A_1456 : vector<16xf32>
        %select_n3A_1458 = arith.select %ge3A_1457, %get3A_27, %get3A_23 : vector<16xi1>, vector<16xf32>
        %ge3A_1459 = arith.constant 2.000000e+00 : f32
        %ge3A_1460 = vector.broadcast %ge3A_1459 : f32 to vector<16xf32>
        %ge3A_1461 = arith.cmpf oge, %gather3A_1450, %ge3A_1460 : vector<16xf32>
        %select_n3A_1462 = arith.select %ge3A_1461, %get3A_29, %select_n3A_1454 : vector<16xi1>, vector<16xf32>
        %ge3A_1463 = arith.constant 2.000000e+00 : f32
        %ge3A_1464 = vector.broadcast %ge3A_1463 : f32 to vector<16xf32>
        %ge3A_1465 = arith.cmpf oge, %gather3A_1450, %ge3A_1464 : vector<16xf32>
        %select_n3A_1466 = arith.select %ge3A_1465, %get3A_31, %select_n3A_1458 : vector<16xi1>, vector<16xf32>
        %ge3A_1467 = arith.constant 3.000000e+00 : f32
        %ge3A_1468 = vector.broadcast %ge3A_1467 : f32 to vector<16xf32>
        %ge3A_1469 = arith.cmpf oge, %gather3A_1450, %ge3A_1468 : vector<16xf32>
        %select_n3A_1470 = arith.select %ge3A_1469, %get3A_33, %select_n3A_1462 : vector<16xi1>, vector<16xf32>
        %ge3A_1471 = arith.constant 3.000000e+00 : f32
        %ge3A_1472 = vector.broadcast %ge3A_1471 : f32 to vector<16xf32>
        %ge3A_1473 = arith.cmpf oge, %gather3A_1450, %ge3A_1472 : vector<16xf32>
        %select_n3A_1474 = arith.select %ge3A_1473, %get3A_35, %select_n3A_1466 : vector<16xi1>, vector<16xf32>
        %ge3A_1475 = arith.constant 4.000000e+00 : f32
        %ge3A_1476 = vector.broadcast %ge3A_1475 : f32 to vector<16xf32>
        %ge3A_1477 = arith.cmpf oge, %gather3A_1450, %ge3A_1476 : vector<16xf32>
        %select_n3A_1478 = arith.select %ge3A_1477, %get3A_37, %select_n3A_1470 : vector<16xi1>, vector<16xf32>
        %ge3A_1479 = arith.constant 4.000000e+00 : f32
        %ge3A_1480 = vector.broadcast %ge3A_1479 : f32 to vector<16xf32>
        %ge3A_1481 = arith.cmpf oge, %gather3A_1450, %ge3A_1480 : vector<16xf32>
        %select_n3A_1482 = arith.select %ge3A_1481, %get3A_39, %select_n3A_1474 : vector<16xi1>, vector<16xf32>
        %ge3A_1483 = arith.constant 5.000000e+00 : f32
        %ge3A_1484 = vector.broadcast %ge3A_1483 : f32 to vector<16xf32>
        %ge3A_1485 = arith.cmpf oge, %gather3A_1450, %ge3A_1484 : vector<16xf32>
        %select_n3A_1486 = arith.select %ge3A_1485, %get3A_41, %select_n3A_1478 : vector<16xi1>, vector<16xf32>
        %ge3A_1487 = arith.constant 5.000000e+00 : f32
        %ge3A_1488 = vector.broadcast %ge3A_1487 : f32 to vector<16xf32>
        %ge3A_1489 = arith.cmpf oge, %gather3A_1450, %ge3A_1488 : vector<16xf32>
        %select_n3A_1490 = arith.select %ge3A_1489, %get3A_43, %select_n3A_1482 : vector<16xi1>, vector<16xf32>
        %ge3A_1491 = arith.constant 6.000000e+00 : f32
        %ge3A_1492 = vector.broadcast %ge3A_1491 : f32 to vector<16xf32>
        %ge3A_1493 = arith.cmpf oge, %gather3A_1450, %ge3A_1492 : vector<16xf32>
        %select_n3A_1494 = arith.select %ge3A_1493, %get3A_45, %select_n3A_1486 : vector<16xi1>, vector<16xf32>
        %ge3A_1495 = arith.constant 6.000000e+00 : f32
        %ge3A_1496 = vector.broadcast %ge3A_1495 : f32 to vector<16xf32>
        %ge3A_1497 = arith.cmpf oge, %gather3A_1450, %ge3A_1496 : vector<16xf32>
        %select_n3A_1498 = arith.select %ge3A_1497, %get3A_47, %select_n3A_1490 : vector<16xi1>, vector<16xf32>
        %add3A_1499 = arith.constant 64 : i32
        %add3A_1500 = arith.addi %mul3A_1164, %add3A_1499 : i32
        %add3A_1501 = arith.constant 192 : i32
        %add3A_1502 = arith.addi %add3A_1500, %add3A_1501 : i32
        %swap3A_1503 = arith.index_cast %add3A_1502 : i32 to index
        %swap3A_1504 = tpu.vector_load %arg6[%swap3A_1503] {strides = array<i32>} : memref<50704xf32, #tpu.memory_space<vmem>>, vector<16xf32>,
        tpu.vector_store %arg6[%swap3A_1503], %select_n3A_1494 {strides = array<i32>} : memref<50704xf32, #tpu.memory_space<vmem>>, vector<16xf32>,
        %add3A_1505 = arith.constant 16 : i32
        %add3A_1506 = arith.addi %add3A_1502, %add3A_1505 : i32
        %swap3A_1507 = arith.index_cast %add3A_1506 : i32 to index
        %swap3A_1508 = tpu.vector_load %arg6[%swap3A_1507] {strides = array<i32>} : memref<50704xf32, #tpu.memory_space<vmem>>, vector<16xf32>,
        tpu.vector_store %arg6[%swap3A_1507], %select_n3A_1498 {strides = array<i32>} : memref<50704xf32, #tpu.memory_space<vmem>>, vector<16xf32>,
        %broadcast_in_dim3A_1509 = arith.constant 8 : i32
        %broadcast_in_dim3A_1510 = vector.broadcast %broadcast_in_dim3A_1509 : i32 to vector<16x1xi32>
        %gather3A_1511 = vector.shape_cast %broadcast_in_dim3A_1510 : vector<16x1xi32> to vector<16xi32>
        %gather3A_1512 = tpu.dynamic_gather %get3A_1170[%gather3A_1511] in [0] : vector<16xf32>, vector<16xi32> -> vector<16xf32>
        %ge3A_1513 = arith.constant 1.000000e+00 : f32
        %ge3A_1514 = vector.broadcast %ge3A_1513 : f32 to vector<16xf32>
        %ge3A_1515 = arith.cmpf oge, %gather3A_1512, %ge3A_1514 : vector<16xf32>
        %select_n3A_1516 = arith.select %ge3A_1515, %get3A_25, %get3A_21 : vector<16xi1>, vector<16xf32>
        %ge3A_1517 = arith.constant 1.000000e+00 : f32
        %ge3A_1518 = vector.broadcast %ge3A_1517 : f32 to vector<16xf32>
        %ge3A_1519 = arith.cmpf oge, %gather3A_1512, %ge3A_1518 : vector<16xf32>
        %select_n3A_1520 = arith.select %ge3A_1519, %get3A_27, %get3A_23 : vector<16xi1>, vector<16xf32>
        %ge3A_1521 = arith.constant 2.000000e+00 : f32
        %ge3A_1522 = vector.broadcast %ge3A_1521 : f32 to vector<16xf32>
        %ge3A_1523 = arith.cmpf oge, %gather3A_1512, %ge3A_1522 : vector<16xf32>
        %select_n3A_1524 = arith.select %ge3A_1523, %get3A_29, %select_n3A_1516 : vector<16xi1>, vector<16xf32>
        %ge3A_1525 = arith.constant 2.000000e+00 : f32
        %ge3A_1526 = vector.broadcast %ge3A_1525 : f32 to vector<16xf32>
        %ge3A_1527 = arith.cmpf oge, %gather3A_1512, %ge3A_1526 : vector<16xf32>
        %select_n3A_1528 = arith.select %ge3A_1527, %get3A_31, %select_n3A_1520 : vector<16xi1>, vector<16xf32>
        %ge3A_1529 = arith.constant 3.000000e+00 : f32
        %ge3A_1530 = vector.broadcast %ge3A_1529 : f32 to vector<16xf32>
        %ge3A_1531 = arith.cmpf oge, %gather3A_1512, %ge3A_1530 : vector<16xf32>
        %select_n3A_1532 = arith.select %ge3A_1531, %get3A_33, %select_n3A_1524 : vector<16xi1>, vector<16xf32>
        %ge3A_1533 = arith.constant 3.000000e+00 : f32
        %ge3A_1534 = vector.broadcast %ge3A_1533 : f32 to vector<16xf32>
        %ge3A_1535 = arith.cmpf oge, %gather3A_1512, %ge3A_1534 : vector<16xf32>
        %select_n3A_1536 = arith.select %ge3A_1535, %get3A_35, %select_n3A_1528 : vector<16xi1>, vector<16xf32>
        %ge3A_1537 = arith.constant 4.000000e+00 : f32
        %ge3A_1538 = vector.broadcast %ge3A_1537 : f32 to vector<16xf32>
        %ge3A_1539 = arith.cmpf oge, %gather3A_1512, %ge3A_1538 : vector<16xf32>
        %select_n3A_1540 = arith.select %ge3A_1539, %get3A_37, %select_n3A_1532 : vector<16xi1>, vector<16xf32>
        %ge3A_1541 = arith.constant 4.000000e+00 : f32
        %ge3A_1542 = vector.broadcast %ge3A_1541 : f32 to vector<16xf32>
        %ge3A_1543 = arith.cmpf oge, %gather3A_1512, %ge3A_1542 : vector<16xf32>
        %select_n3A_1544 = arith.select %ge3A_1543, %get3A_39, %select_n3A_1536 : vector<16xi1>, vector<16xf32>
        %ge3A_1545 = arith.constant 5.000000e+00 : f32
        %ge3A_1546 = vector.broadcast %ge3A_1545 : f32 to vector<16xf32>
        %ge3A_1547 = arith.cmpf oge, %gather3A_1512, %ge3A_1546 : vector<16xf32>
        %select_n3A_1548 = arith.select %ge3A_1547, %get3A_41, %select_n3A_1540 : vector<16xi1>, vector<16xf32>
        %ge3A_1549 = arith.constant 5.000000e+00 : f32
        %ge3A_1550 = vector.broadcast %ge3A_1549 : f32 to vector<16xf32>
        %ge3A_1551 = arith.cmpf oge, %gather3A_1512, %ge3A_1550 : vector<16xf32>
        %select_n3A_1552 = arith.select %ge3A_1551, %get3A_43, %select_n3A_1544 : vector<16xi1>, vector<16xf32>
        %ge3A_1553 = arith.constant 6.000000e+00 : f32
        %ge3A_1554 = vector.broadcast %ge3A_1553 : f32 to vector<16xf32>
        %ge3A_1555 = arith.cmpf oge, %gather3A_1512, %ge3A_1554 : vector<16xf32>
        %select_n3A_1556 = arith.select %ge3A_1555, %get3A_45, %select_n3A_1548 : vector<16xi1>, vector<16xf32>
        %ge3A_1557 = arith.constant 6.000000e+00 : f32
        %ge3A_1558 = vector.broadcast %ge3A_1557 : f32 to vector<16xf32>
        %ge3A_1559 = arith.cmpf oge, %gather3A_1512, %ge3A_1558 : vector<16xf32>
        %select_n3A_1560 = arith.select %ge3A_1559, %get3A_47, %select_n3A_1552 : vector<16xi1>, vector<16xf32>
        %add3A_1561 = arith.constant 64 : i32
        %add3A_1562 = arith.addi %mul3A_1164, %add3A_1561 : i32
        %add3A_1563 = arith.constant 224 : i32
        %add3A_1564 = arith.addi %add3A_1562, %add3A_1563 : i32
        %swap3A_1565 = arith.index_cast %add3A_1564 : i32 to index
        %swap3A_1566 = tpu.vector_load %arg6[%swap3A_1565] {strides = array<i32>} : memref<50704xf32, #tpu.memory_space<vmem>>, vector<16xf32>,
        tpu.vector_store %arg6[%swap3A_1565], %select_n3A_1556 {strides = array<i32>} : memref<50704xf32, #tpu.memory_space<vmem>>, vector<16xf32>,
        %add3A_1567 = arith.constant 16 : i32
        %add3A_1568 = arith.addi %add3A_1564, %add3A_1567 : i32
        %swap3A_1569 = arith.index_cast %add3A_1568 : i32 to index
        %swap3A_1570 = tpu.vector_load %arg6[%swap3A_1569] {strides = array<i32>} : memref<50704xf32, #tpu.memory_space<vmem>>, vector<16xf32>,
        tpu.vector_store %arg6[%swap3A_1569], %select_n3A_1560 {strides = array<i32>} : memref<50704xf32, #tpu.memory_space<vmem>>, vector<16xf32>,
        %broadcast_in_dim3A_1571 = arith.constant 9 : i32
        %broadcast_in_dim3A_1572 = vector.broadcast %broadcast_in_dim3A_1571 : i32 to vector<16x1xi32>
        %gather3A_1573 = vector.shape_cast %broadcast_in_dim3A_1572 : vector<16x1xi32> to vector<16xi32>
        %gather3A_1574 = tpu.dynamic_gather %get3A_1170[%gather3A_1573] in [0] : vector<16xf32>, vector<16xi32> -> vector<16xf32>
        %ge3A_1575 = arith.constant 1.000000e+00 : f32
        %ge3A_1576 = vector.broadcast %ge3A_1575 : f32 to vector<16xf32>
        %ge3A_1577 = arith.cmpf oge, %gather3A_1574, %ge3A_1576 : vector<16xf32>
        %select_n3A_1578 = arith.select %ge3A_1577, %get3A_25, %get3A_21 : vector<16xi1>, vector<16xf32>
        %ge3A_1579 = arith.constant 1.000000e+00 : f32
        %ge3A_1580 = vector.broadcast %ge3A_1579 : f32 to vector<16xf32>
        %ge3A_1581 = arith.cmpf oge, %gather3A_1574, %ge3A_1580 : vector<16xf32>
        %select_n3A_1582 = arith.select %ge3A_1581, %get3A_27, %get3A_23 : vector<16xi1>, vector<16xf32>
        %ge3A_1583 = arith.constant 2.000000e+00 : f32
        %ge3A_1584 = vector.broadcast %ge3A_1583 : f32 to vector<16xf32>
        %ge3A_1585 = arith.cmpf oge, %gather3A_1574, %ge3A_1584 : vector<16xf32>
        %select_n3A_1586 = arith.select %ge3A_1585, %get3A_29, %select_n3A_1578 : vector<16xi1>, vector<16xf32>
        %ge3A_1587 = arith.constant 2.000000e+00 : f32
        %ge3A_1588 = vector.broadcast %ge3A_1587 : f32 to vector<16xf32>
        %ge3A_1589 = arith.cmpf oge, %gather3A_1574, %ge3A_1588 : vector<16xf32>
        %select_n3A_1590 = arith.select %ge3A_1589, %get3A_31, %select_n3A_1582 : vector<16xi1>, vector<16xf32>
        %ge3A_1591 = arith.constant 3.000000e+00 : f32
        %ge3A_1592 = vector.broadcast %ge3A_1591 : f32 to vector<16xf32>
        %ge3A_1593 = arith.cmpf oge, %gather3A_1574, %ge3A_1592 : vector<16xf32>
        %select_n3A_1594 = arith.select %ge3A_1593, %get3A_33, %select_n3A_1586 : vector<16xi1>, vector<16xf32>
        %ge3A_1595 = arith.constant 3.000000e+00 : f32
        %ge3A_1596 = vector.broadcast %ge3A_1595 : f32 to vector<16xf32>
        %ge3A_1597 = arith.cmpf oge, %gather3A_1574, %ge3A_1596 : vector<16xf32>
        %select_n3A_1598 = arith.select %ge3A_1597, %get3A_35, %select_n3A_1590 : vector<16xi1>, vector<16xf32>
        %ge3A_1599 = arith.constant 4.000000e+00 : f32
        %ge3A_1600 = vector.broadcast %ge3A_1599 : f32 to vector<16xf32>
        %ge3A_1601 = arith.cmpf oge, %gather3A_1574, %ge3A_1600 : vector<16xf32>
        %select_n3A_1602 = arith.select %ge3A_1601, %get3A_37, %select_n3A_1594 : vector<16xi1>, vector<16xf32>
        %ge3A_1603 = arith.constant 4.000000e+00 : f32
        %ge3A_1604 = vector.broadcast %ge3A_1603 : f32 to vector<16xf32>
        %ge3A_1605 = arith.cmpf oge, %gather3A_1574, %ge3A_1604 : vector<16xf32>
        %select_n3A_1606 = arith.select %ge3A_1605, %get3A_39, %select_n3A_1598 : vector<16xi1>, vector<16xf32>
        %ge3A_1607 = arith.constant 5.000000e+00 : f32
        %ge3A_1608 = vector.broadcast %ge3A_1607 : f32 to vector<16xf32>
        %ge3A_1609 = arith.cmpf oge, %gather3A_1574, %ge3A_1608 : vector<16xf32>
        %select_n3A_1610 = arith.select %ge3A_1609, %get3A_41, %select_n3A_1602 : vector<16xi1>, vector<16xf32>
        %ge3A_1611 = arith.constant 5.000000e+00 : f32
        %ge3A_1612 = vector.broadcast %ge3A_1611 : f32 to vector<16xf32>
        %ge3A_1613 = arith.cmpf oge, %gather3A_1574, %ge3A_1612 : vector<16xf32>
        %select_n3A_1614 = arith.select %ge3A_1613, %get3A_43, %select_n3A_1606 : vector<16xi1>, vector<16xf32>
        %ge3A_1615 = arith.constant 6.000000e+00 : f32
        %ge3A_1616 = vector.broadcast %ge3A_1615 : f32 to vector<16xf32>
        %ge3A_1617 = arith.cmpf oge, %gather3A_1574, %ge3A_1616 : vector<16xf32>
        %select_n3A_1618 = arith.select %ge3A_1617, %get3A_45, %select_n3A_1610 : vector<16xi1>, vector<16xf32>
        %ge3A_1619 = arith.constant 6.000000e+00 : f32
        %ge3A_1620 = vector.broadcast %ge3A_1619 : f32 to vector<16xf32>
        %ge3A_1621 = arith.cmpf oge, %gather3A_1574, %ge3A_1620 : vector<16xf32>
        %select_n3A_1622 = arith.select %ge3A_1621, %get3A_47, %select_n3A_1614 : vector<16xi1>, vector<16xf32>
        %add3A_1623 = arith.constant 64 : i32
        %add3A_1624 = arith.addi %mul3A_1164, %add3A_1623 : i32
        %add3A_1625 = arith.constant 256 : i32
        %add3A_1626 = arith.addi %add3A_1624, %add3A_1625 : i32
        %swap3A_1627 = arith.index_cast %add3A_1626 : i32 to index
        %swap3A_1628 = tpu.vector_load %arg6[%swap3A_1627] {strides = array<i32>} : memref<50704xf32, #tpu.memory_space<vmem>>, vector<16xf32>,
        tpu.vector_store %arg6[%swap3A_1627], %select_n3A_1618 {strides = array<i32>} : memref<50704xf32, #tpu.memory_space<vmem>>, vector<16xf32>,
        %add3A_1629 = arith.constant 16 : i32
        %add3A_1630 = arith.addi %add3A_1626, %add3A_1629 : i32
        %swap3A_1631 = arith.index_cast %add3A_1630 : i32 to index
        %swap3A_1632 = tpu.vector_load %arg6[%swap3A_1631] {strides = array<i32>} : memref<50704xf32, #tpu.memory_space<vmem>>, vector<16xf32>,
        tpu.vector_store %arg6[%swap3A_1631], %select_n3A_1622 {strides = array<i32>} : memref<50704xf32, #tpu.memory_space<vmem>>, vector<16xf32>,
        %broadcast_in_dim3A_1633 = arith.constant 10 : i32
        %broadcast_in_dim3A_1634 = vector.broadcast %broadcast_in_dim3A_1633 : i32 to vector<16x1xi32>
        %gather3A_1635 = vector.shape_cast %broadcast_in_dim3A_1634 : vector<16x1xi32> to vector<16xi32>
        %gather3A_1636 = tpu.dynamic_gather %get3A_1170[%gather3A_1635] in [0] : vector<16xf32>, vector<16xi32> -> vector<16xf32>
        %ge3A_1637 = arith.constant 1.000000e+00 : f32
        %ge3A_1638 = vector.broadcast %ge3A_1637 : f32 to vector<16xf32>
        %ge3A_1639 = arith.cmpf oge, %gather3A_1636, %ge3A_1638 : vector<16xf32>
        %select_n3A_1640 = arith.select %ge3A_1639, %get3A_25, %get3A_21 : vector<16xi1>, vector<16xf32>
        %ge3A_1641 = arith.constant 1.000000e+00 : f32
        %ge3A_1642 = vector.broadcast %ge3A_1641 : f32 to vector<16xf32>
        %ge3A_1643 = arith.cmpf oge, %gather3A_1636, %ge3A_1642 : vector<16xf32>
        %select_n3A_1644 = arith.select %ge3A_1643, %get3A_27, %get3A_23 : vector<16xi1>, vector<16xf32>
        %ge3A_1645 = arith.constant 2.000000e+00 : f32
        %ge3A_1646 = vector.broadcast %ge3A_1645 : f32 to vector<16xf32>
        %ge3A_1647 = arith.cmpf oge, %gather3A_1636, %ge3A_1646 : vector<16xf32>
        %select_n3A_1648 = arith.select %ge3A_1647, %get3A_29, %select_n3A_1640 : vector<16xi1>, vector<16xf32>
        %ge3A_1649 = arith.constant 2.000000e+00 : f32
        %ge3A_1650 = vector.broadcast %ge3A_1649 : f32 to vector<16xf32>
        %ge3A_1651 = arith.cmpf oge, %gather3A_1636, %ge3A_1650 : vector<16xf32>
        %select_n3A_1652 = arith.select %ge3A_1651, %get3A_31, %select_n3A_1644 : vector<16xi1>, vector<16xf32>
        %ge3A_1653 = arith.constant 3.000000e+00 : f32
        %ge3A_1654 = vector.broadcast %ge3A_1653 : f32 to vector<16xf32>
        %ge3A_1655 = arith.cmpf oge, %gather3A_1636, %ge3A_1654 : vector<16xf32>
        %select_n3A_1656 = arith.select %ge3A_1655, %get3A_33, %select_n3A_1648 : vector<16xi1>, vector<16xf32>
        %ge3A_1657 = arith.constant 3.000000e+00 : f32
        %ge3A_1658 = vector.broadcast %ge3A_1657 : f32 to vector<16xf32>
        %ge3A_1659 = arith.cmpf oge, %gather3A_1636, %ge3A_1658 : vector<16xf32>
        %select_n3A_1660 = arith.select %ge3A_1659, %get3A_35, %select_n3A_1652 : vector<16xi1>, vector<16xf32>
        %ge3A_1661 = arith.constant 4.000000e+00 : f32
        %ge3A_1662 = vector.broadcast %ge3A_1661 : f32 to vector<16xf32>
        %ge3A_1663 = arith.cmpf oge, %gather3A_1636, %ge3A_1662 : vector<16xf32>
        %select_n3A_1664 = arith.select %ge3A_1663, %get3A_37, %select_n3A_1656 : vector<16xi1>, vector<16xf32>
        %ge3A_1665 = arith.constant 4.000000e+00 : f32
        %ge3A_1666 = vector.broadcast %ge3A_1665 : f32 to vector<16xf32>
        %ge3A_1667 = arith.cmpf oge, %gather3A_1636, %ge3A_1666 : vector<16xf32>
        %select_n3A_1668 = arith.select %ge3A_1667, %get3A_39, %select_n3A_1660 : vector<16xi1>, vector<16xf32>
        %ge3A_1669 = arith.constant 5.000000e+00 : f32
        %ge3A_1670 = vector.broadcast %ge3A_1669 : f32 to vector<16xf32>
        %ge3A_1671 = arith.cmpf oge, %gather3A_1636, %ge3A_1670 : vector<16xf32>
        %select_n3A_1672 = arith.select %ge3A_1671, %get3A_41, %select_n3A_1664 : vector<16xi1>, vector<16xf32>
        %ge3A_1673 = arith.constant 5.000000e+00 : f32
        %ge3A_1674 = vector.broadcast %ge3A_1673 : f32 to vector<16xf32>
        %ge3A_1675 = arith.cmpf oge, %gather3A_1636, %ge3A_1674 : vector<16xf32>
        %select_n3A_1676 = arith.select %ge3A_1675, %get3A_43, %select_n3A_1668 : vector<16xi1>, vector<16xf32>
        %ge3A_1677 = arith.constant 6.000000e+00 : f32
        %ge3A_1678 = vector.broadcast %ge3A_1677 : f32 to vector<16xf32>
        %ge3A_1679 = arith.cmpf oge, %gather3A_1636, %ge3A_1678 : vector<16xf32>
        %select_n3A_1680 = arith.select %ge3A_1679, %get3A_45, %select_n3A_1672 : vector<16xi1>, vector<16xf32>
        %ge3A_1681 = arith.constant 6.000000e+00 : f32
        %ge3A_1682 = vector.broadcast %ge3A_1681 : f32 to vector<16xf32>
        %ge3A_1683 = arith.cmpf oge, %gather3A_1636, %ge3A_1682 : vector<16xf32>
        %select_n3A_1684 = arith.select %ge3A_1683, %get3A_47, %select_n3A_1676 : vector<16xi1>, vector<16xf32>
        %add3A_1685 = arith.constant 64 : i32
        %add3A_1686 = arith.addi %mul3A_1164, %add3A_1685 : i32
        %add3A_1687 = arith.constant 288 : i32
        %add3A_1688 = arith.addi %add3A_1686, %add3A_1687 : i32
        %swap3A_1689 = arith.index_cast %add3A_1688 : i32 to index
        %swap3A_1690 = tpu.vector_load %arg6[%swap3A_1689] {strides = array<i32>} : memref<50704xf32, #tpu.memory_space<vmem>>, vector<16xf32>,
        tpu.vector_store %arg6[%swap3A_1689], %select_n3A_1680 {strides = array<i32>} : memref<50704xf32, #tpu.memory_space<vmem>>, vector<16xf32>,
        %add3A_1691 = arith.constant 16 : i32
        %add3A_1692 = arith.addi %add3A_1688, %add3A_1691 : i32
        %swap3A_1693 = arith.index_cast %add3A_1692 : i32 to index
        %swap3A_1694 = tpu.vector_load %arg6[%swap3A_1693] {strides = array<i32>} : memref<50704xf32, #tpu.memory_space<vmem>>, vector<16xf32>,
        tpu.vector_store %arg6[%swap3A_1693], %select_n3A_1684 {strides = array<i32>} : memref<50704xf32, #tpu.memory_space<vmem>>, vector<16xf32>,
        %mul3A_1695 = arith.constant 23 : i32
        %mul3A_1696 = arith.muli %scan3A_1162, %mul3A_1695 : i32
        %add3A_1697 = arith.constant 11 : i32
        %add3A_1698 = arith.addi %mul3A_1696, %add3A_1697 : i32
        %get3A_1699 = arith.index_cast %add3A_1698 : i32 to index
        %get3A_1700 = tpu.vector_load %arg5[%get3A_1699] {strides = array<i32>} : memref<2960xf32, #tpu.memory_space<vmem>>, vector<16xf32>,
        %add3A_1701 = arith.constant 64 : i32
        %add3A_1702 = arith.addi %mul3A_1164, %add3A_1701 : i32
        %add3A_1703 = arith.constant 320 : i32
        %add3A_1704 = arith.addi %add3A_1702, %add3A_1703 : i32
        %swap3A_1705 = arith.index_cast %add3A_1704 : i32 to index
        %swap3A_1706 = tpu.vector_load %arg6[%swap3A_1705] {strides = array<i32>} : memref<50704xf32, #tpu.memory_space<vmem>>, vector<16xf32>,
        tpu.vector_store %arg6[%swap3A_1705], %get3A_1700 {strides = array<i32>} : memref<50704xf32, #tpu.memory_space<vmem>>, vector<16xf32>,
        %scan3A_1707 = arith.constant 3 : i32
        %scan3A_1708 = arith.addi %scan3A_75, %scan3A_1707 : i32
        %mul3A_1709 = arith.constant 396 : i32
        %mul3A_1710 = arith.muli %scan3A_1708, %mul3A_1709 : i32
        %swap3A_1711 = arith.index_cast %mul3A_1710 : i32 to index
        %swap3A_1712 = tpu.vector_load %arg6[%swap3A_1711] {strides = array<i32>} : memref<50704xf32, #tpu.memory_space<vmem>>, vector<16xf32>,
        tpu.vector_store %arg6[%swap3A_1711], %get3A_1 {strides = array<i32>} : memref<50704xf32, #tpu.memory_space<vmem>>, vector<16xf32>,
        %mul3A_1713 = arith.constant 23 : i32
        %mul3A_1714 = arith.muli %scan3A_1708, %mul3A_1713 : i32
        %get3A_1715 = arith.index_cast %mul3A_1714 : i32 to index
        %get3A_1716 = tpu.vector_load %arg5[%get3A_1715] {strides = array<i32>} : memref<2960xf32, #tpu.memory_space<vmem>>, vector<16xf32>,
        %broadcast_in_dim3A_1717 = arith.constant 1 : i32
        %broadcast_in_dim3A_1718 = vector.broadcast %broadcast_in_dim3A_1717 : i32 to vector<16x1xi32>
        %gather3A_1719 = vector.shape_cast %broadcast_in_dim3A_1718 : vector<16x1xi32> to vector<16xi32>
        %gather3A_1720 = tpu.dynamic_gather %get3A_1716[%gather3A_1719] in [0] : vector<16xf32>, vector<16xi32> -> vector<16xf32>
        %ge3A_1721 = arith.constant 1.000000e+00 : f32
        %ge3A_1722 = vector.broadcast %ge3A_1721 : f32 to vector<16xf32>
        %ge3A_1723 = arith.cmpf oge, %gather3A_1720, %ge3A_1722 : vector<16xf32>
        %select_n3A_1724 = arith.select %ge3A_1723, %get3A_13, %get3A_9 : vector<16xi1>, vector<16xf32>
        %ge3A_1725 = arith.constant 1.000000e+00 : f32
        %ge3A_1726 = vector.broadcast %ge3A_1725 : f32 to vector<16xf32>
        %ge3A_1727 = arith.cmpf oge, %gather3A_1720, %ge3A_1726 : vector<16xf32>
        %select_n3A_1728 = arith.select %ge3A_1727, %get3A_15, %get3A_11 : vector<16xi1>, vector<16xf32>
        %ge3A_1729 = arith.constant 2.000000e+00 : f32
        %ge3A_1730 = vector.broadcast %ge3A_1729 : f32 to vector<16xf32>
        %ge3A_1731 = arith.cmpf oge, %gather3A_1720, %ge3A_1730 : vector<16xf32>
        %select_n3A_1732 = arith.select %ge3A_1731, %get3A_17, %select_n3A_1724 : vector<16xi1>, vector<16xf32>
        %ge3A_1733 = arith.constant 2.000000e+00 : f32
        %ge3A_1734 = vector.broadcast %ge3A_1733 : f32 to vector<16xf32>
        %ge3A_1735 = arith.cmpf oge, %gather3A_1720, %ge3A_1734 : vector<16xf32>
        %select_n3A_1736 = arith.select %ge3A_1735, %get3A_19, %select_n3A_1728 : vector<16xi1>, vector<16xf32>
        %add3A_1737 = arith.constant 64 : i32
        %add3A_1738 = arith.addi %mul3A_1710, %add3A_1737 : i32
        %add3A_1739 = arith.constant 0 : i32
        %add3A_1740 = arith.addi %add3A_1738, %add3A_1739 : i32
        %swap3A_1741 = arith.index_cast %add3A_1740 : i32 to index
        %swap3A_1742 = tpu.vector_load %arg6[%swap3A_1741] {strides = array<i32>} : memref<50704xf32, #tpu.memory_space<vmem>>, vector<16xf32>,
        tpu.vector_store %arg6[%swap3A_1741], %select_n3A_1732 {strides = array<i32>} : memref<50704xf32, #tpu.memory_space<vmem>>, vector<16xf32>,
        %add3A_1743 = arith.constant 16 : i32
        %add3A_1744 = arith.addi %add3A_1740, %add3A_1743 : i32
        %swap3A_1745 = arith.index_cast %add3A_1744 : i32 to index
        %swap3A_1746 = tpu.vector_load %arg6[%swap3A_1745] {strides = array<i32>} : memref<50704xf32, #tpu.memory_space<vmem>>, vector<16xf32>,
        tpu.vector_store %arg6[%swap3A_1745], %select_n3A_1736 {strides = array<i32>} : memref<50704xf32, #tpu.memory_space<vmem>>, vector<16xf32>,
        %broadcast_in_dim3A_1747 = arith.constant 2 : i32
        %broadcast_in_dim3A_1748 = vector.broadcast %broadcast_in_dim3A_1747 : i32 to vector<16x1xi32>
        %gather3A_1749 = vector.shape_cast %broadcast_in_dim3A_1748 : vector<16x1xi32> to vector<16xi32>
        %gather3A_1750 = tpu.dynamic_gather %get3A_1716[%gather3A_1749] in [0] : vector<16xf32>, vector<16xi32> -> vector<16xf32>
        %ge3A_1751 = arith.constant 1.000000e+00 : f32
        %ge3A_1752 = vector.broadcast %ge3A_1751 : f32 to vector<16xf32>
        %ge3A_1753 = arith.cmpf oge, %gather3A_1750, %ge3A_1752 : vector<16xf32>
        %select_n3A_1754 = arith.select %ge3A_1753, %get3A_13, %get3A_9 : vector<16xi1>, vector<16xf32>
        %ge3A_1755 = arith.constant 1.000000e+00 : f32
        %ge3A_1756 = vector.broadcast %ge3A_1755 : f32 to vector<16xf32>
        %ge3A_1757 = arith.cmpf oge, %gather3A_1750, %ge3A_1756 : vector<16xf32>
        %select_n3A_1758 = arith.select %ge3A_1757, %get3A_15, %get3A_11 : vector<16xi1>, vector<16xf32>
        %ge3A_1759 = arith.constant 2.000000e+00 : f32
        %ge3A_1760 = vector.broadcast %ge3A_1759 : f32 to vector<16xf32>
        %ge3A_1761 = arith.cmpf oge, %gather3A_1750, %ge3A_1760 : vector<16xf32>
        %select_n3A_1762 = arith.select %ge3A_1761, %get3A_17, %select_n3A_1754 : vector<16xi1>, vector<16xf32>
        %ge3A_1763 = arith.constant 2.000000e+00 : f32
        %ge3A_1764 = vector.broadcast %ge3A_1763 : f32 to vector<16xf32>
        %ge3A_1765 = arith.cmpf oge, %gather3A_1750, %ge3A_1764 : vector<16xf32>
        %select_n3A_1766 = arith.select %ge3A_1765, %get3A_19, %select_n3A_1758 : vector<16xi1>, vector<16xf32>
        %add3A_1767 = arith.constant 64 : i32
        %add3A_1768 = arith.addi %mul3A_1710, %add3A_1767 : i32
        %add3A_1769 = arith.constant 32 : i32
        %add3A_1770 = arith.addi %add3A_1768, %add3A_1769 : i32
        %swap3A_1771 = arith.index_cast %add3A_1770 : i32 to index
        %swap3A_1772 = tpu.vector_load %arg6[%swap3A_1771] {strides = array<i32>} : memref<50704xf32, #tpu.memory_space<vmem>>, vector<16xf32>,
        tpu.vector_store %arg6[%swap3A_1771], %select_n3A_1762 {strides = array<i32>} : memref<50704xf32, #tpu.memory_space<vmem>>, vector<16xf32>,
        %add3A_1773 = arith.constant 16 : i32
        %add3A_1774 = arith.addi %add3A_1770, %add3A_1773 : i32
        %swap3A_1775 = arith.index_cast %add3A_1774 : i32 to index
        %swap3A_1776 = tpu.vector_load %arg6[%swap3A_1775] {strides = array<i32>} : memref<50704xf32, #tpu.memory_space<vmem>>, vector<16xf32>,
        tpu.vector_store %arg6[%swap3A_1775], %select_n3A_1766 {strides = array<i32>} : memref<50704xf32, #tpu.memory_space<vmem>>, vector<16xf32>,
        %broadcast_in_dim3A_1777 = arith.constant 3 : i32
        %broadcast_in_dim3A_1778 = vector.broadcast %broadcast_in_dim3A_1777 : i32 to vector<16x1xi32>
        %gather3A_1779 = vector.shape_cast %broadcast_in_dim3A_1778 : vector<16x1xi32> to vector<16xi32>
        %gather3A_1780 = tpu.dynamic_gather %get3A_1716[%gather3A_1779] in [0] : vector<16xf32>, vector<16xi32> -> vector<16xf32>
        %ge3A_1781 = arith.constant 1.000000e+00 : f32
        %ge3A_1782 = vector.broadcast %ge3A_1781 : f32 to vector<16xf32>
        %ge3A_1783 = arith.cmpf oge, %gather3A_1780, %ge3A_1782 : vector<16xf32>
        %select_n3A_1784 = arith.select %ge3A_1783, %get3A_13, %get3A_9 : vector<16xi1>, vector<16xf32>
        %ge3A_1785 = arith.constant 1.000000e+00 : f32
        %ge3A_1786 = vector.broadcast %ge3A_1785 : f32 to vector<16xf32>
        %ge3A_1787 = arith.cmpf oge, %gather3A_1780, %ge3A_1786 : vector<16xf32>
        %select_n3A_1788 = arith.select %ge3A_1787, %get3A_15, %get3A_11 : vector<16xi1>, vector<16xf32>
        %ge3A_1789 = arith.constant 2.000000e+00 : f32
        %ge3A_1790 = vector.broadcast %ge3A_1789 : f32 to vector<16xf32>
        %ge3A_1791 = arith.cmpf oge, %gather3A_1780, %ge3A_1790 : vector<16xf32>
        %select_n3A_1792 = arith.select %ge3A_1791, %get3A_17, %select_n3A_1784 : vector<16xi1>, vector<16xf32>
        %ge3A_1793 = arith.constant 2.000000e+00 : f32
        %ge3A_1794 = vector.broadcast %ge3A_1793 : f32 to vector<16xf32>
        %ge3A_1795 = arith.cmpf oge, %gather3A_1780, %ge3A_1794 : vector<16xf32>
        %select_n3A_1796 = arith.select %ge3A_1795, %get3A_19, %select_n3A_1788 : vector<16xi1>, vector<16xf32>
        %add3A_1797 = arith.constant 64 : i32
        %add3A_1798 = arith.addi %mul3A_1710, %add3A_1797 : i32
        %add3A_1799 = arith.constant 64 : i32
        %add3A_1800 = arith.addi %add3A_1798, %add3A_1799 : i32
        %swap3A_1801 = arith.index_cast %add3A_1800 : i32 to index
        %swap3A_1802 = tpu.vector_load %arg6[%swap3A_1801] {strides = array<i32>} : memref<50704xf32, #tpu.memory_space<vmem>>, vector<16xf32>,
        tpu.vector_store %arg6[%swap3A_1801], %select_n3A_1792 {strides = array<i32>} : memref<50704xf32, #tpu.memory_space<vmem>>, vector<16xf32>,
        %add3A_1803 = arith.constant 16 : i32
        %add3A_1804 = arith.addi %add3A_1800, %add3A_1803 : i32
        %swap3A_1805 = arith.index_cast %add3A_1804 : i32 to index
        %swap3A_1806 = tpu.vector_load %arg6[%swap3A_1805] {strides = array<i32>} : memref<50704xf32, #tpu.memory_space<vmem>>, vector<16xf32>,
        tpu.vector_store %arg6[%swap3A_1805], %select_n3A_1796 {strides = array<i32>} : memref<50704xf32, #tpu.memory_space<vmem>>, vector<16xf32>,
        %broadcast_in_dim3A_1807 = arith.constant 4 : i32
        %broadcast_in_dim3A_1808 = vector.broadcast %broadcast_in_dim3A_1807 : i32 to vector<16x1xi32>
        %gather3A_1809 = vector.shape_cast %broadcast_in_dim3A_1808 : vector<16x1xi32> to vector<16xi32>
        %gather3A_1810 = tpu.dynamic_gather %get3A_1716[%gather3A_1809] in [0] : vector<16xf32>, vector<16xi32> -> vector<16xf32>
        %ge3A_1811 = arith.constant 1.000000e+00 : f32
        %ge3A_1812 = vector.broadcast %ge3A_1811 : f32 to vector<16xf32>
        %ge3A_1813 = arith.cmpf oge, %gather3A_1810, %ge3A_1812 : vector<16xf32>
        %select_n3A_1814 = arith.select %ge3A_1813, %get3A_25, %get3A_21 : vector<16xi1>, vector<16xf32>
        %ge3A_1815 = arith.constant 1.000000e+00 : f32
        %ge3A_1816 = vector.broadcast %ge3A_1815 : f32 to vector<16xf32>
        %ge3A_1817 = arith.cmpf oge, %gather3A_1810, %ge3A_1816 : vector<16xf32>
        %select_n3A_1818 = arith.select %ge3A_1817, %get3A_27, %get3A_23 : vector<16xi1>, vector<16xf32>
        %ge3A_1819 = arith.constant 2.000000e+00 : f32
        %ge3A_1820 = vector.broadcast %ge3A_1819 : f32 to vector<16xf32>
        %ge3A_1821 = arith.cmpf oge, %gather3A_1810, %ge3A_1820 : vector<16xf32>
        %select_n3A_1822 = arith.select %ge3A_1821, %get3A_29, %select_n3A_1814 : vector<16xi1>, vector<16xf32>
        %ge3A_1823 = arith.constant 2.000000e+00 : f32
        %ge3A_1824 = vector.broadcast %ge3A_1823 : f32 to vector<16xf32>
        %ge3A_1825 = arith.cmpf oge, %gather3A_1810, %ge3A_1824 : vector<16xf32>
        %select_n3A_1826 = arith.select %ge3A_1825, %get3A_31, %select_n3A_1818 : vector<16xi1>, vector<16xf32>
        %ge3A_1827 = arith.constant 3.000000e+00 : f32
        %ge3A_1828 = vector.broadcast %ge3A_1827 : f32 to vector<16xf32>
        %ge3A_1829 = arith.cmpf oge, %gather3A_1810, %ge3A_1828 : vector<16xf32>
        %select_n3A_1830 = arith.select %ge3A_1829, %get3A_33, %select_n3A_1822 : vector<16xi1>, vector<16xf32>
        %ge3A_1831 = arith.constant 3.000000e+00 : f32
        %ge3A_1832 = vector.broadcast %ge3A_1831 : f32 to vector<16xf32>
        %ge3A_1833 = arith.cmpf oge, %gather3A_1810, %ge3A_1832 : vector<16xf32>
        %select_n3A_1834 = arith.select %ge3A_1833, %get3A_35, %select_n3A_1826 : vector<16xi1>, vector<16xf32>
        %ge3A_1835 = arith.constant 4.000000e+00 : f32
        %ge3A_1836 = vector.broadcast %ge3A_1835 : f32 to vector<16xf32>
        %ge3A_1837 = arith.cmpf oge, %gather3A_1810, %ge3A_1836 : vector<16xf32>
        %select_n3A_1838 = arith.select %ge3A_1837, %get3A_37, %select_n3A_1830 : vector<16xi1>, vector<16xf32>
        %ge3A_1839 = arith.constant 4.000000e+00 : f32
        %ge3A_1840 = vector.broadcast %ge3A_1839 : f32 to vector<16xf32>
        %ge3A_1841 = arith.cmpf oge, %gather3A_1810, %ge3A_1840 : vector<16xf32>
        %select_n3A_1842 = arith.select %ge3A_1841, %get3A_39, %select_n3A_1834 : vector<16xi1>, vector<16xf32>
        %ge3A_1843 = arith.constant 5.000000e+00 : f32
        %ge3A_1844 = vector.broadcast %ge3A_1843 : f32 to vector<16xf32>
        %ge3A_1845 = arith.cmpf oge, %gather3A_1810, %ge3A_1844 : vector<16xf32>
        %select_n3A_1846 = arith.select %ge3A_1845, %get3A_41, %select_n3A_1838 : vector<16xi1>, vector<16xf32>
        %ge3A_1847 = arith.constant 5.000000e+00 : f32
        %ge3A_1848 = vector.broadcast %ge3A_1847 : f32 to vector<16xf32>
        %ge3A_1849 = arith.cmpf oge, %gather3A_1810, %ge3A_1848 : vector<16xf32>
        %select_n3A_1850 = arith.select %ge3A_1849, %get3A_43, %select_n3A_1842 : vector<16xi1>, vector<16xf32>
        %ge3A_1851 = arith.constant 6.000000e+00 : f32
        %ge3A_1852 = vector.broadcast %ge3A_1851 : f32 to vector<16xf32>
        %ge3A_1853 = arith.cmpf oge, %gather3A_1810, %ge3A_1852 : vector<16xf32>
        %select_n3A_1854 = arith.select %ge3A_1853, %get3A_45, %select_n3A_1846 : vector<16xi1>, vector<16xf32>
        %ge3A_1855 = arith.constant 6.000000e+00 : f32
        %ge3A_1856 = vector.broadcast %ge3A_1855 : f32 to vector<16xf32>
        %ge3A_1857 = arith.cmpf oge, %gather3A_1810, %ge3A_1856 : vector<16xf32>
        %select_n3A_1858 = arith.select %ge3A_1857, %get3A_47, %select_n3A_1850 : vector<16xi1>, vector<16xf32>
        %add3A_1859 = arith.constant 64 : i32
        %add3A_1860 = arith.addi %mul3A_1710, %add3A_1859 : i32
        %add3A_1861 = arith.constant 96 : i32
        %add3A_1862 = arith.addi %add3A_1860, %add3A_1861 : i32
        %swap3A_1863 = arith.index_cast %add3A_1862 : i32 to index
        %swap3A_1864 = tpu.vector_load %arg6[%swap3A_1863] {strides = array<i32>} : memref<50704xf32, #tpu.memory_space<vmem>>, vector<16xf32>,
        tpu.vector_store %arg6[%swap3A_1863], %select_n3A_1854 {strides = array<i32>} : memref<50704xf32, #tpu.memory_space<vmem>>, vector<16xf32>,
        %add3A_1865 = arith.constant 16 : i32
        %add3A_1866 = arith.addi %add3A_1862, %add3A_1865 : i32
        %swap3A_1867 = arith.index_cast %add3A_1866 : i32 to index
        %swap3A_1868 = tpu.vector_load %arg6[%swap3A_1867] {strides = array<i32>} : memref<50704xf32, #tpu.memory_space<vmem>>, vector<16xf32>,
        tpu.vector_store %arg6[%swap3A_1867], %select_n3A_1858 {strides = array<i32>} : memref<50704xf32, #tpu.memory_space<vmem>>, vector<16xf32>,
        %broadcast_in_dim3A_1869 = arith.constant 5 : i32
        %broadcast_in_dim3A_1870 = vector.broadcast %broadcast_in_dim3A_1869 : i32 to vector<16x1xi32>
        %gather3A_1871 = vector.shape_cast %broadcast_in_dim3A_1870 : vector<16x1xi32> to vector<16xi32>
        %gather3A_1872 = tpu.dynamic_gather %get3A_1716[%gather3A_1871] in [0] : vector<16xf32>, vector<16xi32> -> vector<16xf32>
        %ge3A_1873 = arith.constant 1.000000e+00 : f32
        %ge3A_1874 = vector.broadcast %ge3A_1873 : f32 to vector<16xf32>
        %ge3A_1875 = arith.cmpf oge, %gather3A_1872, %ge3A_1874 : vector<16xf32>
        %select_n3A_1876 = arith.select %ge3A_1875, %get3A_25, %get3A_21 : vector<16xi1>, vector<16xf32>
        %ge3A_1877 = arith.constant 1.000000e+00 : f32
        %ge3A_1878 = vector.broadcast %ge3A_1877 : f32 to vector<16xf32>
        %ge3A_1879 = arith.cmpf oge, %gather3A_1872, %ge3A_1878 : vector<16xf32>
        %select_n3A_1880 = arith.select %ge3A_1879, %get3A_27, %get3A_23 : vector<16xi1>, vector<16xf32>
        %ge3A_1881 = arith.constant 2.000000e+00 : f32
        %ge3A_1882 = vector.broadcast %ge3A_1881 : f32 to vector<16xf32>
        %ge3A_1883 = arith.cmpf oge, %gather3A_1872, %ge3A_1882 : vector<16xf32>
        %select_n3A_1884 = arith.select %ge3A_1883, %get3A_29, %select_n3A_1876 : vector<16xi1>, vector<16xf32>
        %ge3A_1885 = arith.constant 2.000000e+00 : f32
        %ge3A_1886 = vector.broadcast %ge3A_1885 : f32 to vector<16xf32>
        %ge3A_1887 = arith.cmpf oge, %gather3A_1872, %ge3A_1886 : vector<16xf32>
        %select_n3A_1888 = arith.select %ge3A_1887, %get3A_31, %select_n3A_1880 : vector<16xi1>, vector<16xf32>
        %ge3A_1889 = arith.constant 3.000000e+00 : f32
        %ge3A_1890 = vector.broadcast %ge3A_1889 : f32 to vector<16xf32>
        %ge3A_1891 = arith.cmpf oge, %gather3A_1872, %ge3A_1890 : vector<16xf32>
        %select_n3A_1892 = arith.select %ge3A_1891, %get3A_33, %select_n3A_1884 : vector<16xi1>, vector<16xf32>
        %ge3A_1893 = arith.constant 3.000000e+00 : f32
        %ge3A_1894 = vector.broadcast %ge3A_1893 : f32 to vector<16xf32>
        %ge3A_1895 = arith.cmpf oge, %gather3A_1872, %ge3A_1894 : vector<16xf32>
        %select_n3A_1896 = arith.select %ge3A_1895, %get3A_35, %select_n3A_1888 : vector<16xi1>, vector<16xf32>
        %ge3A_1897 = arith.constant 4.000000e+00 : f32
        %ge3A_1898 = vector.broadcast %ge3A_1897 : f32 to vector<16xf32>
        %ge3A_1899 = arith.cmpf oge, %gather3A_1872, %ge3A_1898 : vector<16xf32>
        %select_n3A_1900 = arith.select %ge3A_1899, %get3A_37, %select_n3A_1892 : vector<16xi1>, vector<16xf32>
        %ge3A_1901 = arith.constant 4.000000e+00 : f32
        %ge3A_1902 = vector.broadcast %ge3A_1901 : f32 to vector<16xf32>
        %ge3A_1903 = arith.cmpf oge, %gather3A_1872, %ge3A_1902 : vector<16xf32>
        %select_n3A_1904 = arith.select %ge3A_1903, %get3A_39, %select_n3A_1896 : vector<16xi1>, vector<16xf32>
        %ge3A_1905 = arith.constant 5.000000e+00 : f32
        %ge3A_1906 = vector.broadcast %ge3A_1905 : f32 to vector<16xf32>
        %ge3A_1907 = arith.cmpf oge, %gather3A_1872, %ge3A_1906 : vector<16xf32>
        %select_n3A_1908 = arith.select %ge3A_1907, %get3A_41, %select_n3A_1900 : vector<16xi1>, vector<16xf32>
        %ge3A_1909 = arith.constant 5.000000e+00 : f32
        %ge3A_1910 = vector.broadcast %ge3A_1909 : f32 to vector<16xf32>
        %ge3A_1911 = arith.cmpf oge, %gather3A_1872, %ge3A_1910 : vector<16xf32>
        %select_n3A_1912 = arith.select %ge3A_1911, %get3A_43, %select_n3A_1904 : vector<16xi1>, vector<16xf32>
        %ge3A_1913 = arith.constant 6.000000e+00 : f32
        %ge3A_1914 = vector.broadcast %ge3A_1913 : f32 to vector<16xf32>
        %ge3A_1915 = arith.cmpf oge, %gather3A_1872, %ge3A_1914 : vector<16xf32>
        %select_n3A_1916 = arith.select %ge3A_1915, %get3A_45, %select_n3A_1908 : vector<16xi1>, vector<16xf32>
        %ge3A_1917 = arith.constant 6.000000e+00 : f32
        %ge3A_1918 = vector.broadcast %ge3A_1917 : f32 to vector<16xf32>
        %ge3A_1919 = arith.cmpf oge, %gather3A_1872, %ge3A_1918 : vector<16xf32>
        %select_n3A_1920 = arith.select %ge3A_1919, %get3A_47, %select_n3A_1912 : vector<16xi1>, vector<16xf32>
        %add3A_1921 = arith.constant 64 : i32
        %add3A_1922 = arith.addi %mul3A_1710, %add3A_1921 : i32
        %add3A_1923 = arith.constant 128 : i32
        %add3A_1924 = arith.addi %add3A_1922, %add3A_1923 : i32
        %swap3A_1925 = arith.index_cast %add3A_1924 : i32 to index
        %swap3A_1926 = tpu.vector_load %arg6[%swap3A_1925] {strides = array<i32>} : memref<50704xf32, #tpu.memory_space<vmem>>, vector<16xf32>,
        tpu.vector_store %arg6[%swap3A_1925], %select_n3A_1916 {strides = array<i32>} : memref<50704xf32, #tpu.memory_space<vmem>>, vector<16xf32>,
        %add3A_1927 = arith.constant 16 : i32
        %add3A_1928 = arith.addi %add3A_1924, %add3A_1927 : i32
        %swap3A_1929 = arith.index_cast %add3A_1928 : i32 to index
        %swap3A_1930 = tpu.vector_load %arg6[%swap3A_1929] {strides = array<i32>} : memref<50704xf32, #tpu.memory_space<vmem>>, vector<16xf32>,
        tpu.vector_store %arg6[%swap3A_1929], %select_n3A_1920 {strides = array<i32>} : memref<50704xf32, #tpu.memory_space<vmem>>, vector<16xf32>,
        %broadcast_in_dim3A_1931 = arith.constant 6 : i32
        %broadcast_in_dim3A_1932 = vector.broadcast %broadcast_in_dim3A_1931 : i32 to vector<16x1xi32>
        %gather3A_1933 = vector.shape_cast %broadcast_in_dim3A_1932 : vector<16x1xi32> to vector<16xi32>
        %gather3A_1934 = tpu.dynamic_gather %get3A_1716[%gather3A_1933] in [0] : vector<16xf32>, vector<16xi32> -> vector<16xf32>
        %ge3A_1935 = arith.constant 1.000000e+00 : f32
        %ge3A_1936 = vector.broadcast %ge3A_1935 : f32 to vector<16xf32>
        %ge3A_1937 = arith.cmpf oge, %gather3A_1934, %ge3A_1936 : vector<16xf32>
        %select_n3A_1938 = arith.select %ge3A_1937, %get3A_25, %get3A_21 : vector<16xi1>, vector<16xf32>
        %ge3A_1939 = arith.constant 1.000000e+00 : f32
        %ge3A_1940 = vector.broadcast %ge3A_1939 : f32 to vector<16xf32>
        %ge3A_1941 = arith.cmpf oge, %gather3A_1934, %ge3A_1940 : vector<16xf32>
        %select_n3A_1942 = arith.select %ge3A_1941, %get3A_27, %get3A_23 : vector<16xi1>, vector<16xf32>
        %ge3A_1943 = arith.constant 2.000000e+00 : f32
        %ge3A_1944 = vector.broadcast %ge3A_1943 : f32 to vector<16xf32>
        %ge3A_1945 = arith.cmpf oge, %gather3A_1934, %ge3A_1944 : vector<16xf32>
        %select_n3A_1946 = arith.select %ge3A_1945, %get3A_29, %select_n3A_1938 : vector<16xi1>, vector<16xf32>
        %ge3A_1947 = arith.constant 2.000000e+00 : f32
        %ge3A_1948 = vector.broadcast %ge3A_1947 : f32 to vector<16xf32>
        %ge3A_1949 = arith.cmpf oge, %gather3A_1934, %ge3A_1948 : vector<16xf32>
        %select_n3A_1950 = arith.select %ge3A_1949, %get3A_31, %select_n3A_1942 : vector<16xi1>, vector<16xf32>
        %ge3A_1951 = arith.constant 3.000000e+00 : f32
        %ge3A_1952 = vector.broadcast %ge3A_1951 : f32 to vector<16xf32>
        %ge3A_1953 = arith.cmpf oge, %gather3A_1934, %ge3A_1952 : vector<16xf32>
        %select_n3A_1954 = arith.select %ge3A_1953, %get3A_33, %select_n3A_1946 : vector<16xi1>, vector<16xf32>
        %ge3A_1955 = arith.constant 3.000000e+00 : f32
        %ge3A_1956 = vector.broadcast %ge3A_1955 : f32 to vector<16xf32>
        %ge3A_1957 = arith.cmpf oge, %gather3A_1934, %ge3A_1956 : vector<16xf32>
        %select_n3A_1958 = arith.select %ge3A_1957, %get3A_35, %select_n3A_1950 : vector<16xi1>, vector<16xf32>
        %ge3A_1959 = arith.constant 4.000000e+00 : f32
        %ge3A_1960 = vector.broadcast %ge3A_1959 : f32 to vector<16xf32>
        %ge3A_1961 = arith.cmpf oge, %gather3A_1934, %ge3A_1960 : vector<16xf32>
        %select_n3A_1962 = arith.select %ge3A_1961, %get3A_37, %select_n3A_1954 : vector<16xi1>, vector<16xf32>
        %ge3A_1963 = arith.constant 4.000000e+00 : f32
        %ge3A_1964 = vector.broadcast %ge3A_1963 : f32 to vector<16xf32>
        %ge3A_1965 = arith.cmpf oge, %gather3A_1934, %ge3A_1964 : vector<16xf32>
        %select_n3A_1966 = arith.select %ge3A_1965, %get3A_39, %select_n3A_1958 : vector<16xi1>, vector<16xf32>
        %ge3A_1967 = arith.constant 5.000000e+00 : f32
        %ge3A_1968 = vector.broadcast %ge3A_1967 : f32 to vector<16xf32>
        %ge3A_1969 = arith.cmpf oge, %gather3A_1934, %ge3A_1968 : vector<16xf32>
        %select_n3A_1970 = arith.select %ge3A_1969, %get3A_41, %select_n3A_1962 : vector<16xi1>, vector<16xf32>
        %ge3A_1971 = arith.constant 5.000000e+00 : f32
        %ge3A_1972 = vector.broadcast %ge3A_1971 : f32 to vector<16xf32>
        %ge3A_1973 = arith.cmpf oge, %gather3A_1934, %ge3A_1972 : vector<16xf32>
        %select_n3A_1974 = arith.select %ge3A_1973, %get3A_43, %select_n3A_1966 : vector<16xi1>, vector<16xf32>
        %ge3A_1975 = arith.constant 6.000000e+00 : f32
        %ge3A_1976 = vector.broadcast %ge3A_1975 : f32 to vector<16xf32>
        %ge3A_1977 = arith.cmpf oge, %gather3A_1934, %ge3A_1976 : vector<16xf32>
        %select_n3A_1978 = arith.select %ge3A_1977, %get3A_45, %select_n3A_1970 : vector<16xi1>, vector<16xf32>
        %ge3A_1979 = arith.constant 6.000000e+00 : f32
        %ge3A_1980 = vector.broadcast %ge3A_1979 : f32 to vector<16xf32>
        %ge3A_1981 = arith.cmpf oge, %gather3A_1934, %ge3A_1980 : vector<16xf32>
        %select_n3A_1982 = arith.select %ge3A_1981, %get3A_47, %select_n3A_1974 : vector<16xi1>, vector<16xf32>
        %add3A_1983 = arith.constant 64 : i32
        %add3A_1984 = arith.addi %mul3A_1710, %add3A_1983 : i32
        %add3A_1985 = arith.constant 160 : i32
        %add3A_1986 = arith.addi %add3A_1984, %add3A_1985 : i32
        %swap3A_1987 = arith.index_cast %add3A_1986 : i32 to index
        %swap3A_1988 = tpu.vector_load %arg6[%swap3A_1987] {strides = array<i32>} : memref<50704xf32, #tpu.memory_space<vmem>>, vector<16xf32>,
        tpu.vector_store %arg6[%swap3A_1987], %select_n3A_1978 {strides = array<i32>} : memref<50704xf32, #tpu.memory_space<vmem>>, vector<16xf32>,
        %add3A_1989 = arith.constant 16 : i32
        %add3A_1990 = arith.addi %add3A_1986, %add3A_1989 : i32
        %swap3A_1991 = arith.index_cast %add3A_1990 : i32 to index
        %swap3A_1992 = tpu.vector_load %arg6[%swap3A_1991] {strides = array<i32>} : memref<50704xf32, #tpu.memory_space<vmem>>, vector<16xf32>,
        tpu.vector_store %arg6[%swap3A_1991], %select_n3A_1982 {strides = array<i32>} : memref<50704xf32, #tpu.memory_space<vmem>>, vector<16xf32>,
        %broadcast_in_dim3A_1993 = arith.constant 7 : i32
        %broadcast_in_dim3A_1994 = vector.broadcast %broadcast_in_dim3A_1993 : i32 to vector<16x1xi32>
        %gather3A_1995 = vector.shape_cast %broadcast_in_dim3A_1994 : vector<16x1xi32> to vector<16xi32>
        %gather3A_1996 = tpu.dynamic_gather %get3A_1716[%gather3A_1995] in [0] : vector<16xf32>, vector<16xi32> -> vector<16xf32>
        %ge3A_1997 = arith.constant 1.000000e+00 : f32
        %ge3A_1998 = vector.broadcast %ge3A_1997 : f32 to vector<16xf32>
        %ge3A_1999 = arith.cmpf oge, %gather3A_1996, %ge3A_1998 : vector<16xf32>
        %select_n3A_2000 = arith.select %ge3A_1999, %get3A_25, %get3A_21 : vector<16xi1>, vector<16xf32>
        %ge3A_2001 = arith.constant 1.000000e+00 : f32
        %ge3A_2002 = vector.broadcast %ge3A_2001 : f32 to vector<16xf32>
        %ge3A_2003 = arith.cmpf oge, %gather3A_1996, %ge3A_2002 : vector<16xf32>
        %select_n3A_2004 = arith.select %ge3A_2003, %get3A_27, %get3A_23 : vector<16xi1>, vector<16xf32>
        %ge3A_2005 = arith.constant 2.000000e+00 : f32
        %ge3A_2006 = vector.broadcast %ge3A_2005 : f32 to vector<16xf32>
        %ge3A_2007 = arith.cmpf oge, %gather3A_1996, %ge3A_2006 : vector<16xf32>
        %select_n3A_2008 = arith.select %ge3A_2007, %get3A_29, %select_n3A_2000 : vector<16xi1>, vector<16xf32>
        %ge3A_2009 = arith.constant 2.000000e+00 : f32
        %ge3A_2010 = vector.broadcast %ge3A_2009 : f32 to vector<16xf32>
        %ge3A_2011 = arith.cmpf oge, %gather3A_1996, %ge3A_2010 : vector<16xf32>
        %select_n3A_2012 = arith.select %ge3A_2011, %get3A_31, %select_n3A_2004 : vector<16xi1>, vector<16xf32>
        %ge3A_2013 = arith.constant 3.000000e+00 : f32
        %ge3A_2014 = vector.broadcast %ge3A_2013 : f32 to vector<16xf32>
        %ge3A_2015 = arith.cmpf oge, %gather3A_1996, %ge3A_2014 : vector<16xf32>
        %select_n3A_2016 = arith.select %ge3A_2015, %get3A_33, %select_n3A_2008 : vector<16xi1>, vector<16xf32>
        %ge3A_2017 = arith.constant 3.000000e+00 : f32
        %ge3A_2018 = vector.broadcast %ge3A_2017 : f32 to vector<16xf32>
        %ge3A_2019 = arith.cmpf oge, %gather3A_1996, %ge3A_2018 : vector<16xf32>
        %select_n3A_2020 = arith.select %ge3A_2019, %get3A_35, %select_n3A_2012 : vector<16xi1>, vector<16xf32>
        %ge3A_2021 = arith.constant 4.000000e+00 : f32
        %ge3A_2022 = vector.broadcast %ge3A_2021 : f32 to vector<16xf32>
        %ge3A_2023 = arith.cmpf oge, %gather3A_1996, %ge3A_2022 : vector<16xf32>
        %select_n3A_2024 = arith.select %ge3A_2023, %get3A_37, %select_n3A_2016 : vector<16xi1>, vector<16xf32>
        %ge3A_2025 = arith.constant 4.000000e+00 : f32
        %ge3A_2026 = vector.broadcast %ge3A_2025 : f32 to vector<16xf32>
        %ge3A_2027 = arith.cmpf oge, %gather3A_1996, %ge3A_2026 : vector<16xf32>
        %select_n3A_2028 = arith.select %ge3A_2027, %get3A_39, %select_n3A_2020 : vector<16xi1>, vector<16xf32>
        %ge3A_2029 = arith.constant 5.000000e+00 : f32
        %ge3A_2030 = vector.broadcast %ge3A_2029 : f32 to vector<16xf32>
        %ge3A_2031 = arith.cmpf oge, %gather3A_1996, %ge3A_2030 : vector<16xf32>
        %select_n3A_2032 = arith.select %ge3A_2031, %get3A_41, %select_n3A_2024 : vector<16xi1>, vector<16xf32>
        %ge3A_2033 = arith.constant 5.000000e+00 : f32
        %ge3A_2034 = vector.broadcast %ge3A_2033 : f32 to vector<16xf32>
        %ge3A_2035 = arith.cmpf oge, %gather3A_1996, %ge3A_2034 : vector<16xf32>
        %select_n3A_2036 = arith.select %ge3A_2035, %get3A_43, %select_n3A_2028 : vector<16xi1>, vector<16xf32>
        %ge3A_2037 = arith.constant 6.000000e+00 : f32
        %ge3A_2038 = vector.broadcast %ge3A_2037 : f32 to vector<16xf32>
        %ge3A_2039 = arith.cmpf oge, %gather3A_1996, %ge3A_2038 : vector<16xf32>
        %select_n3A_2040 = arith.select %ge3A_2039, %get3A_45, %select_n3A_2032 : vector<16xi1>, vector<16xf32>
        %ge3A_2041 = arith.constant 6.000000e+00 : f32
        %ge3A_2042 = vector.broadcast %ge3A_2041 : f32 to vector<16xf32>
        %ge3A_2043 = arith.cmpf oge, %gather3A_1996, %ge3A_2042 : vector<16xf32>
        %select_n3A_2044 = arith.select %ge3A_2043, %get3A_47, %select_n3A_2036 : vector<16xi1>, vector<16xf32>
        %add3A_2045 = arith.constant 64 : i32
        %add3A_2046 = arith.addi %mul3A_1710, %add3A_2045 : i32
        %add3A_2047 = arith.constant 192 : i32
        %add3A_2048 = arith.addi %add3A_2046, %add3A_2047 : i32
        %swap3A_2049 = arith.index_cast %add3A_2048 : i32 to index
        %swap3A_2050 = tpu.vector_load %arg6[%swap3A_2049] {strides = array<i32>} : memref<50704xf32, #tpu.memory_space<vmem>>, vector<16xf32>,
        tpu.vector_store %arg6[%swap3A_2049], %select_n3A_2040 {strides = array<i32>} : memref<50704xf32, #tpu.memory_space<vmem>>, vector<16xf32>,
        %add3A_2051 = arith.constant 16 : i32
        %add3A_2052 = arith.addi %add3A_2048, %add3A_2051 : i32
        %swap3A_2053 = arith.index_cast %add3A_2052 : i32 to index
        %swap3A_2054 = tpu.vector_load %arg6[%swap3A_2053] {strides = array<i32>} : memref<50704xf32, #tpu.memory_space<vmem>>, vector<16xf32>,
        tpu.vector_store %arg6[%swap3A_2053], %select_n3A_2044 {strides = array<i32>} : memref<50704xf32, #tpu.memory_space<vmem>>, vector<16xf32>,
        %broadcast_in_dim3A_2055 = arith.constant 8 : i32
        %broadcast_in_dim3A_2056 = vector.broadcast %broadcast_in_dim3A_2055 : i32 to vector<16x1xi32>
        %gather3A_2057 = vector.shape_cast %broadcast_in_dim3A_2056 : vector<16x1xi32> to vector<16xi32>
        %gather3A_2058 = tpu.dynamic_gather %get3A_1716[%gather3A_2057] in [0] : vector<16xf32>, vector<16xi32> -> vector<16xf32>
        %ge3A_2059 = arith.constant 1.000000e+00 : f32
        %ge3A_2060 = vector.broadcast %ge3A_2059 : f32 to vector<16xf32>
        %ge3A_2061 = arith.cmpf oge, %gather3A_2058, %ge3A_2060 : vector<16xf32>
        %select_n3A_2062 = arith.select %ge3A_2061, %get3A_25, %get3A_21 : vector<16xi1>, vector<16xf32>
        %ge3A_2063 = arith.constant 1.000000e+00 : f32
        %ge3A_2064 = vector.broadcast %ge3A_2063 : f32 to vector<16xf32>
        %ge3A_2065 = arith.cmpf oge, %gather3A_2058, %ge3A_2064 : vector<16xf32>
        %select_n3A_2066 = arith.select %ge3A_2065, %get3A_27, %get3A_23 : vector<16xi1>, vector<16xf32>
        %ge3A_2067 = arith.constant 2.000000e+00 : f32
        %ge3A_2068 = vector.broadcast %ge3A_2067 : f32 to vector<16xf32>
        %ge3A_2069 = arith.cmpf oge, %gather3A_2058, %ge3A_2068 : vector<16xf32>
        %select_n3A_2070 = arith.select %ge3A_2069, %get3A_29, %select_n3A_2062 : vector<16xi1>, vector<16xf32>
        %ge3A_2071 = arith.constant 2.000000e+00 : f32
        %ge3A_2072 = vector.broadcast %ge3A_2071 : f32 to vector<16xf32>
        %ge3A_2073 = arith.cmpf oge, %gather3A_2058, %ge3A_2072 : vector<16xf32>
        %select_n3A_2074 = arith.select %ge3A_2073, %get3A_31, %select_n3A_2066 : vector<16xi1>, vector<16xf32>
        %ge3A_2075 = arith.constant 3.000000e+00 : f32
        %ge3A_2076 = vector.broadcast %ge3A_2075 : f32 to vector<16xf32>
        %ge3A_2077 = arith.cmpf oge, %gather3A_2058, %ge3A_2076 : vector<16xf32>
        %select_n3A_2078 = arith.select %ge3A_2077, %get3A_33, %select_n3A_2070 : vector<16xi1>, vector<16xf32>
        %ge3A_2079 = arith.constant 3.000000e+00 : f32
        %ge3A_2080 = vector.broadcast %ge3A_2079 : f32 to vector<16xf32>
        %ge3A_2081 = arith.cmpf oge, %gather3A_2058, %ge3A_2080 : vector<16xf32>
        %select_n3A_2082 = arith.select %ge3A_2081, %get3A_35, %select_n3A_2074 : vector<16xi1>, vector<16xf32>
        %ge3A_2083 = arith.constant 4.000000e+00 : f32
        %ge3A_2084 = vector.broadcast %ge3A_2083 : f32 to vector<16xf32>
        %ge3A_2085 = arith.cmpf oge, %gather3A_2058, %ge3A_2084 : vector<16xf32>
        %select_n3A_2086 = arith.select %ge3A_2085, %get3A_37, %select_n3A_2078 : vector<16xi1>, vector<16xf32>
        %ge3A_2087 = arith.constant 4.000000e+00 : f32
        %ge3A_2088 = vector.broadcast %ge3A_2087 : f32 to vector<16xf32>
        %ge3A_2089 = arith.cmpf oge, %gather3A_2058, %ge3A_2088 : vector<16xf32>
        %select_n3A_2090 = arith.select %ge3A_2089, %get3A_39, %select_n3A_2082 : vector<16xi1>, vector<16xf32>
        %ge3A_2091 = arith.constant 5.000000e+00 : f32
        %ge3A_2092 = vector.broadcast %ge3A_2091 : f32 to vector<16xf32>
        %ge3A_2093 = arith.cmpf oge, %gather3A_2058, %ge3A_2092 : vector<16xf32>
        %select_n3A_2094 = arith.select %ge3A_2093, %get3A_41, %select_n3A_2086 : vector<16xi1>, vector<16xf32>
        %ge3A_2095 = arith.constant 5.000000e+00 : f32
        %ge3A_2096 = vector.broadcast %ge3A_2095 : f32 to vector<16xf32>
        %ge3A_2097 = arith.cmpf oge, %gather3A_2058, %ge3A_2096 : vector<16xf32>
        %select_n3A_2098 = arith.select %ge3A_2097, %get3A_43, %select_n3A_2090 : vector<16xi1>, vector<16xf32>
        %ge3A_2099 = arith.constant 6.000000e+00 : f32
        %ge3A_2100 = vector.broadcast %ge3A_2099 : f32 to vector<16xf32>
        %ge3A_2101 = arith.cmpf oge, %gather3A_2058, %ge3A_2100 : vector<16xf32>
        %select_n3A_2102 = arith.select %ge3A_2101, %get3A_45, %select_n3A_2094 : vector<16xi1>, vector<16xf32>
        %ge3A_2103 = arith.constant 6.000000e+00 : f32
        %ge3A_2104 = vector.broadcast %ge3A_2103 : f32 to vector<16xf32>
        %ge3A_2105 = arith.cmpf oge, %gather3A_2058, %ge3A_2104 : vector<16xf32>
        %select_n3A_2106 = arith.select %ge3A_2105, %get3A_47, %select_n3A_2098 : vector<16xi1>, vector<16xf32>
        %add3A_2107 = arith.constant 64 : i32
        %add3A_2108 = arith.addi %mul3A_1710, %add3A_2107 : i32
        %add3A_2109 = arith.constant 224 : i32
        %add3A_2110 = arith.addi %add3A_2108, %add3A_2109 : i32
        %swap3A_2111 = arith.index_cast %add3A_2110 : i32 to index
        %swap3A_2112 = tpu.vector_load %arg6[%swap3A_2111] {strides = array<i32>} : memref<50704xf32, #tpu.memory_space<vmem>>, vector<16xf32>,
        tpu.vector_store %arg6[%swap3A_2111], %select_n3A_2102 {strides = array<i32>} : memref<50704xf32, #tpu.memory_space<vmem>>, vector<16xf32>,
        %add3A_2113 = arith.constant 16 : i32
        %add3A_2114 = arith.addi %add3A_2110, %add3A_2113 : i32
        %swap3A_2115 = arith.index_cast %add3A_2114 : i32 to index
        %swap3A_2116 = tpu.vector_load %arg6[%swap3A_2115] {strides = array<i32>} : memref<50704xf32, #tpu.memory_space<vmem>>, vector<16xf32>,
        tpu.vector_store %arg6[%swap3A_2115], %select_n3A_2106 {strides = array<i32>} : memref<50704xf32, #tpu.memory_space<vmem>>, vector<16xf32>,
        %broadcast_in_dim3A_2117 = arith.constant 9 : i32
        %broadcast_in_dim3A_2118 = vector.broadcast %broadcast_in_dim3A_2117 : i32 to vector<16x1xi32>
        %gather3A_2119 = vector.shape_cast %broadcast_in_dim3A_2118 : vector<16x1xi32> to vector<16xi32>
        %gather3A_2120 = tpu.dynamic_gather %get3A_1716[%gather3A_2119] in [0] : vector<16xf32>, vector<16xi32> -> vector<16xf32>
        %ge3A_2121 = arith.constant 1.000000e+00 : f32
        %ge3A_2122 = vector.broadcast %ge3A_2121 : f32 to vector<16xf32>
        %ge3A_2123 = arith.cmpf oge, %gather3A_2120, %ge3A_2122 : vector<16xf32>
        %select_n3A_2124 = arith.select %ge3A_2123, %get3A_25, %get3A_21 : vector<16xi1>, vector<16xf32>
        %ge3A_2125 = arith.constant 1.000000e+00 : f32
        %ge3A_2126 = vector.broadcast %ge3A_2125 : f32 to vector<16xf32>
        %ge3A_2127 = arith.cmpf oge, %gather3A_2120, %ge3A_2126 : vector<16xf32>
        %select_n3A_2128 = arith.select %ge3A_2127, %get3A_27, %get3A_23 : vector<16xi1>, vector<16xf32>
        %ge3A_2129 = arith.constant 2.000000e+00 : f32
        %ge3A_2130 = vector.broadcast %ge3A_2129 : f32 to vector<16xf32>
        %ge3A_2131 = arith.cmpf oge, %gather3A_2120, %ge3A_2130 : vector<16xf32>
        %select_n3A_2132 = arith.select %ge3A_2131, %get3A_29, %select_n3A_2124 : vector<16xi1>, vector<16xf32>
        %ge3A_2133 = arith.constant 2.000000e+00 : f32
        %ge3A_2134 = vector.broadcast %ge3A_2133 : f32 to vector<16xf32>
        %ge3A_2135 = arith.cmpf oge, %gather3A_2120, %ge3A_2134 : vector<16xf32>
        %select_n3A_2136 = arith.select %ge3A_2135, %get3A_31, %select_n3A_2128 : vector<16xi1>, vector<16xf32>
        %ge3A_2137 = arith.constant 3.000000e+00 : f32
        %ge3A_2138 = vector.broadcast %ge3A_2137 : f32 to vector<16xf32>
        %ge3A_2139 = arith.cmpf oge, %gather3A_2120, %ge3A_2138 : vector<16xf32>
        %select_n3A_2140 = arith.select %ge3A_2139, %get3A_33, %select_n3A_2132 : vector<16xi1>, vector<16xf32>
        %ge3A_2141 = arith.constant 3.000000e+00 : f32
        %ge3A_2142 = vector.broadcast %ge3A_2141 : f32 to vector<16xf32>
        %ge3A_2143 = arith.cmpf oge, %gather3A_2120, %ge3A_2142 : vector<16xf32>
        %select_n3A_2144 = arith.select %ge3A_2143, %get3A_35, %select_n3A_2136 : vector<16xi1>, vector<16xf32>
        %ge3A_2145 = arith.constant 4.000000e+00 : f32
        %ge3A_2146 = vector.broadcast %ge3A_2145 : f32 to vector<16xf32>
        %ge3A_2147 = arith.cmpf oge, %gather3A_2120, %ge3A_2146 : vector<16xf32>
        %select_n3A_2148 = arith.select %ge3A_2147, %get3A_37, %select_n3A_2140 : vector<16xi1>, vector<16xf32>
        %ge3A_2149 = arith.constant 4.000000e+00 : f32
        %ge3A_2150 = vector.broadcast %ge3A_2149 : f32 to vector<16xf32>
        %ge3A_2151 = arith.cmpf oge, %gather3A_2120, %ge3A_2150 : vector<16xf32>
        %select_n3A_2152 = arith.select %ge3A_2151, %get3A_39, %select_n3A_2144 : vector<16xi1>, vector<16xf32>
        %ge3A_2153 = arith.constant 5.000000e+00 : f32
        %ge3A_2154 = vector.broadcast %ge3A_2153 : f32 to vector<16xf32>
        %ge3A_2155 = arith.cmpf oge, %gather3A_2120, %ge3A_2154 : vector<16xf32>
        %select_n3A_2156 = arith.select %ge3A_2155, %get3A_41, %select_n3A_2148 : vector<16xi1>, vector<16xf32>
        %ge3A_2157 = arith.constant 5.000000e+00 : f32
        %ge3A_2158 = vector.broadcast %ge3A_2157 : f32 to vector<16xf32>
        %ge3A_2159 = arith.cmpf oge, %gather3A_2120, %ge3A_2158 : vector<16xf32>
        %select_n3A_2160 = arith.select %ge3A_2159, %get3A_43, %select_n3A_2152 : vector<16xi1>, vector<16xf32>
        %ge3A_2161 = arith.constant 6.000000e+00 : f32
        %ge3A_2162 = vector.broadcast %ge3A_2161 : f32 to vector<16xf32>
        %ge3A_2163 = arith.cmpf oge, %gather3A_2120, %ge3A_2162 : vector<16xf32>
        %select_n3A_2164 = arith.select %ge3A_2163, %get3A_45, %select_n3A_2156 : vector<16xi1>, vector<16xf32>
        %ge3A_2165 = arith.constant 6.000000e+00 : f32
        %ge3A_2166 = vector.broadcast %ge3A_2165 : f32 to vector<16xf32>
        %ge3A_2167 = arith.cmpf oge, %gather3A_2120, %ge3A_2166 : vector<16xf32>
        %select_n3A_2168 = arith.select %ge3A_2167, %get3A_47, %select_n3A_2160 : vector<16xi1>, vector<16xf32>
        %add3A_2169 = arith.constant 64 : i32
        %add3A_2170 = arith.addi %mul3A_1710, %add3A_2169 : i32
        %add3A_2171 = arith.constant 256 : i32
        %add3A_2172 = arith.addi %add3A_2170, %add3A_2171 : i32
        %swap3A_2173 = arith.index_cast %add3A_2172 : i32 to index
        %swap3A_2174 = tpu.vector_load %arg6[%swap3A_2173] {strides = array<i32>} : memref<50704xf32, #tpu.memory_space<vmem>>, vector<16xf32>,
        tpu.vector_store %arg6[%swap3A_2173], %select_n3A_2164 {strides = array<i32>} : memref<50704xf32, #tpu.memory_space<vmem>>, vector<16xf32>,
        %add3A_2175 = arith.constant 16 : i32
        %add3A_2176 = arith.addi %add3A_2172, %add3A_2175 : i32
        %swap3A_2177 = arith.index_cast %add3A_2176 : i32 to index
        %swap3A_2178 = tpu.vector_load %arg6[%swap3A_2177] {strides = array<i32>} : memref<50704xf32, #tpu.memory_space<vmem>>, vector<16xf32>,
        tpu.vector_store %arg6[%swap3A_2177], %select_n3A_2168 {strides = array<i32>} : memref<50704xf32, #tpu.memory_space<vmem>>, vector<16xf32>,
        %broadcast_in_dim3A_2179 = arith.constant 10 : i32
        %broadcast_in_dim3A_2180 = vector.broadcast %broadcast_in_dim3A_2179 : i32 to vector<16x1xi32>
        %gather3A_2181 = vector.shape_cast %broadcast_in_dim3A_2180 : vector<16x1xi32> to vector<16xi32>
        %gather3A_2182 = tpu.dynamic_gather %get3A_1716[%gather3A_2181] in [0] : vector<16xf32>, vector<16xi32> -> vector<16xf32>
        %ge3A_2183 = arith.constant 1.000000e+00 : f32
        %ge3A_2184 = vector.broadcast %ge3A_2183 : f32 to vector<16xf32>
        %ge3A_2185 = arith.cmpf oge, %gather3A_2182, %ge3A_2184 : vector<16xf32>
        %select_n3A_2186 = arith.select %ge3A_2185, %get3A_25, %get3A_21 : vector<16xi1>, vector<16xf32>
        %ge3A_2187 = arith.constant 1.000000e+00 : f32
        %ge3A_2188 = vector.broadcast %ge3A_2187 : f32 to vector<16xf32>
        %ge3A_2189 = arith.cmpf oge, %gather3A_2182, %ge3A_2188 : vector<16xf32>
        %select_n3A_2190 = arith.select %ge3A_2189, %get3A_27, %get3A_23 : vector<16xi1>, vector<16xf32>
        %ge3A_2191 = arith.constant 2.000000e+00 : f32
        %ge3A_2192 = vector.broadcast %ge3A_2191 : f32 to vector<16xf32>
        %ge3A_2193 = arith.cmpf oge, %gather3A_2182, %ge3A_2192 : vector<16xf32>
        %select_n3A_2194 = arith.select %ge3A_2193, %get3A_29, %select_n3A_2186 : vector<16xi1>, vector<16xf32>
        %ge3A_2195 = arith.constant 2.000000e+00 : f32
        %ge3A_2196 = vector.broadcast %ge3A_2195 : f32 to vector<16xf32>
        %ge3A_2197 = arith.cmpf oge, %gather3A_2182, %ge3A_2196 : vector<16xf32>
        %select_n3A_2198 = arith.select %ge3A_2197, %get3A_31, %select_n3A_2190 : vector<16xi1>, vector<16xf32>
        %ge3A_2199 = arith.constant 3.000000e+00 : f32
        %ge3A_2200 = vector.broadcast %ge3A_2199 : f32 to vector<16xf32>
        %ge3A_2201 = arith.cmpf oge, %gather3A_2182, %ge3A_2200 : vector<16xf32>
        %select_n3A_2202 = arith.select %ge3A_2201, %get3A_33, %select_n3A_2194 : vector<16xi1>, vector<16xf32>
        %ge3A_2203 = arith.constant 3.000000e+00 : f32
        %ge3A_2204 = vector.broadcast %ge3A_2203 : f32 to vector<16xf32>
        %ge3A_2205 = arith.cmpf oge, %gather3A_2182, %ge3A_2204 : vector<16xf32>
        %select_n3A_2206 = arith.select %ge3A_2205, %get3A_35, %select_n3A_2198 : vector<16xi1>, vector<16xf32>
        %ge3A_2207 = arith.constant 4.000000e+00 : f32
        %ge3A_2208 = vector.broadcast %ge3A_2207 : f32 to vector<16xf32>
        %ge3A_2209 = arith.cmpf oge, %gather3A_2182, %ge3A_2208 : vector<16xf32>
        %select_n3A_2210 = arith.select %ge3A_2209, %get3A_37, %select_n3A_2202 : vector<16xi1>, vector<16xf32>
        %ge3A_2211 = arith.constant 4.000000e+00 : f32
        %ge3A_2212 = vector.broadcast %ge3A_2211 : f32 to vector<16xf32>
        %ge3A_2213 = arith.cmpf oge, %gather3A_2182, %ge3A_2212 : vector<16xf32>
        %select_n3A_2214 = arith.select %ge3A_2213, %get3A_39, %select_n3A_2206 : vector<16xi1>, vector<16xf32>
        %ge3A_2215 = arith.constant 5.000000e+00 : f32
        %ge3A_2216 = vector.broadcast %ge3A_2215 : f32 to vector<16xf32>
        %ge3A_2217 = arith.cmpf oge, %gather3A_2182, %ge3A_2216 : vector<16xf32>
        %select_n3A_2218 = arith.select %ge3A_2217, %get3A_41, %select_n3A_2210 : vector<16xi1>, vector<16xf32>
        %ge3A_2219 = arith.constant 5.000000e+00 : f32
        %ge3A_2220 = vector.broadcast %ge3A_2219 : f32 to vector<16xf32>
        %ge3A_2221 = arith.cmpf oge, %gather3A_2182, %ge3A_2220 : vector<16xf32>
        %select_n3A_2222 = arith.select %ge3A_2221, %get3A_43, %select_n3A_2214 : vector<16xi1>, vector<16xf32>
        %ge3A_2223 = arith.constant 6.000000e+00 : f32
        %ge3A_2224 = vector.broadcast %ge3A_2223 : f32 to vector<16xf32>
        %ge3A_2225 = arith.cmpf oge, %gather3A_2182, %ge3A_2224 : vector<16xf32>
        %select_n3A_2226 = arith.select %ge3A_2225, %get3A_45, %select_n3A_2218 : vector<16xi1>, vector<16xf32>
        %ge3A_2227 = arith.constant 6.000000e+00 : f32
        %ge3A_2228 = vector.broadcast %ge3A_2227 : f32 to vector<16xf32>
        %ge3A_2229 = arith.cmpf oge, %gather3A_2182, %ge3A_2228 : vector<16xf32>
        %select_n3A_2230 = arith.select %ge3A_2229, %get3A_47, %select_n3A_2222 : vector<16xi1>, vector<16xf32>
        %add3A_2231 = arith.constant 64 : i32
        %add3A_2232 = arith.addi %mul3A_1710, %add3A_2231 : i32
        %add3A_2233 = arith.constant 288 : i32
        %add3A_2234 = arith.addi %add3A_2232, %add3A_2233 : i32
        %swap3A_2235 = arith.index_cast %add3A_2234 : i32 to index
        %swap3A_2236 = tpu.vector_load %arg6[%swap3A_2235] {strides = array<i32>} : memref<50704xf32, #tpu.memory_space<vmem>>, vector<16xf32>,
        tpu.vector_store %arg6[%swap3A_2235], %select_n3A_2226 {strides = array<i32>} : memref<50704xf32, #tpu.memory_space<vmem>>, vector<16xf32>,
        %add3A_2237 = arith.constant 16 : i32
        %add3A_2238 = arith.addi %add3A_2234, %add3A_2237 : i32
        %swap3A_2239 = arith.index_cast %add3A_2238 : i32 to index
        %swap3A_2240 = tpu.vector_load %arg6[%swap3A_2239] {strides = array<i32>} : memref<50704xf32, #tpu.memory_space<vmem>>, vector<16xf32>,
        tpu.vector_store %arg6[%swap3A_2239], %select_n3A_2230 {strides = array<i32>} : memref<50704xf32, #tpu.memory_space<vmem>>, vector<16xf32>,
        %mul3A_2241 = arith.constant 23 : i32
        %mul3A_2242 = arith.muli %scan3A_1708, %mul3A_2241 : i32
        %add3A_2243 = arith.constant 11 : i32
        %add3A_2244 = arith.addi %mul3A_2242, %add3A_2243 : i32
        %get3A_2245 = arith.index_cast %add3A_2244 : i32 to index
        %get3A_2246 = tpu.vector_load %arg5[%get3A_2245] {strides = array<i32>} : memref<2960xf32, #tpu.memory_space<vmem>>, vector<16xf32>,
        %add3A_2247 = arith.constant 64 : i32
        %add3A_2248 = arith.addi %mul3A_1710, %add3A_2247 : i32
        %add3A_2249 = arith.constant 320 : i32
        %add3A_2250 = arith.addi %add3A_2248, %add3A_2249 : i32
        %swap3A_2251 = arith.index_cast %add3A_2250 : i32 to index
        %swap3A_2252 = tpu.vector_load %arg6[%swap3A_2251] {strides = array<i32>} : memref<50704xf32, #tpu.memory_space<vmem>>, vector<16xf32>,
        tpu.vector_store %arg6[%swap3A_2251], %get3A_2246 {strides = array<i32>} : memref<50704xf32, #tpu.memory_space<vmem>>, vector<16xf32>,
      }
      %scan3A_72 = arith.constant 128 : i32
      %mul3A_73 = arith.constant 396 : i32
      %mul3A_74 = arith.muli %add3A_64, %mul3A_73 : i32
      "tpu.region"() ({
        %run_scoped3A = tpu.sem_alloc : memref<!tpu.dma_semaphore, #tpu.memory_space<semaphore_mem>>
        %dma_start3A = arith.constant 0 : i32
        %dma_start3A_75 = tpu.memref_slice %arg6[%dma_start3A] : memref<50704xf32, #tpu.memory_space<vmem>> -> memref<50688xf32, #tpu.memory_space<vmem>>
        %dma_start3A_76 = tpu.memref_slice %arg4[%mul3A_74] : memref<81100800xf32, #tpu.memory_space<hbm>> -> memref<50688xf32, #tpu.memory_space<hbm>>
        %dma_start3A_77 = tpu.memref_slice %arg4[%mul3A_74] : memref<81100800xf32, #tpu.memory_space<hbm>> -> memref<50688xf32, #tpu.memory_space<hbm>>
        %dma_start3A_78 = arith.constant 0 : i32
        %dma_start3A_79 = tpu.memref_slice %arg6[%dma_start3A_78] : memref<50704xf32, #tpu.memory_space<vmem>> -> memref<50688xf32, #tpu.memory_space<vmem>>
        tpu.enqueue_dma source(%dma_start3A_79 : memref<50688xf32, #tpu.memory_space<vmem>>) target(%dma_start3A_77 : memref<50688xf32, #tpu.memory_space<hbm>>) target_semaphore(%run_scoped3A : memref<!tpu.dma_semaphore, #tpu.memory_space<semaphore_mem>>)
        %dma_wait3A = arith.constant 0 : i32
        %dma_wait3A_80 = tpu.memref_slice %arg6[%dma_wait3A] : memref<50704xf32, #tpu.memory_space<vmem>> -> memref<50688xf32, #tpu.memory_space<vmem>>
        %dma_wait3A_81 = tpu.memref_slice %arg4[%mul3A_74] : memref<81100800xf32, #tpu.memory_space<hbm>> -> memref<50688xf32, #tpu.memory_space<hbm>>
        %dma_wait3A_82 = tpu.memref_slice %arg4[%mul3A_74] : memref<81100800xf32, #tpu.memory_space<hbm>> -> memref<50688xf32, #tpu.memory_space<hbm>>
        %dma_wait3A_83 = arith.constant 0 : i32
        %dma_wait3A_84 = tpu.memref_slice %arg6[%dma_wait3A_83] : memref<50704xf32, #tpu.memory_space<vmem>> -> memref<50688xf32, #tpu.memory_space<vmem>>
        tpu.wait_dma2 semaphore(%run_scoped3A : memref<!tpu.dma_semaphore, #tpu.memory_space<semaphore_mem>>) src(%dma_wait3A_84 : memref<50688xf32, #tpu.memory_space<vmem>>) dst(%dma_wait3A_82 : memref<50688xf32, #tpu.memory_space<hbm>>)
        tpu.yield
      }) : () -> ()
    }
    %scan3A_58 = arith.constant 50 : i32
    return
  }
}

</mosaic_0001>

<sc_bundles>
// kernel: kernel.3.cloned.1.call-start
scs
__scs_entry_jumppad:
0x0: {  	(pc) =	sbr.rel $0x88, $3  }
0x1: {  	(tag) =	ssettag $0x0;
	lr =	simm.s32 $0x1  }
0x2: {  	[smem:$0x3F9D] =	sst lr;
	_ =	strace $0xD0000000  }
0x3: {  	_ = 	snop  }
0x4: {  	_ = 	snop  }
0x5: {  	_ = 	snop  }
0x6: {  	_ = 	snop  }
0x7: {  	_ = 	snop  }
__scs_overlays_trampoline_lowered:
0x8: {  	[smem:$0x3FAC] =	sst s0  }
0x9: {  	[smem:$0x3FAD] =	sst s1  }
0xa: {  	[smem:$0x3FAE] =	sst s2  }
0xb: {  	[smem:$0x3FAF] =	sst s3  }
0xc: {  	[smem:$0x3FB0] =	sst s4  }
0xd: {  	[smem:$0x3FB1] =	sst s5  }
0xe: {  	[smem:$0x3FB2] =	sst s6  }
0xf: {  	[smem:$0x3FB3] =	sst s7  }
0x10: {  	[smem:$0x3FB4] =	sst s8  }
0x11: {  	[smem:$0x3FB5] =	sst s9;
	s0 =	simm.s32 @!p0 $0x0  }
0x12: {  	s1 =	sld [smem:$0x3F9B];
	s0 =	simm.s32 @p0 $0x1  }
0x13: {  	[smem:$0x3FB6] =	sst s0;
	s0 =	simm.s32 @!p1 $0x0  }
0x14: {  	s2 =	sld [smem:$0x3F9A];
	s0 =	simm.s32 @p1 $0x1  }
0x15: {  	[smem:$0x3FB7] =	sst s0;
	s0 =	simm.s32 @!p2 $0x0  }
0x16: {  	s3 =	sld [smem:$0x3FDB];
	s0 =	simm.s32 @p2 $0x1  }
0x17: {  	s4 =	simm.s32 $0x1BF5;
	[smem:$0x3FB9] =	sst s0  }
0x18: {  	s0 =	sld [smem:$0x3F9C];
	_ =	swait.ge [sflag:s4], $0x0  }
0x19: {  	s7 =	sld [smem:$0x3F9D]  }
0x1a: {  	s8 =	sadd.s32 $0xFFFFE003, lr  }
0x1b: {  	s9 =	sadd.s32 $0xFFFFFEF7, lr;
	s5 =	simm.s32 $0xFFFFFFFF;
	p2 =	slt.u32 s8, $0xFFFFF086  }
0x1c: {  	p1 =	slt.u32 s9, $0xF7A;
	s5 =	simm.s32 @!p2 $0x0  }
0x1d: {  	s5 =	simm.s32 @p1 $0x1;
	p0 =	seq.s32 s7, s2  }
0x1e: {  	s7 =	smul.u32 @!p0 $0xF7A, s2;
	p2 =	seq.s32 @!p0 s5, $0x0  }
0x1f: {  	s9 =	smul.u32 $0xF7A, s1;
	s8 =	simm.s32 @!p0 $0x1BF5;
	p2 =	por !p2, p0  }
0x20: {  	[sflag:s8] =	ssyncset.s32 @!p0 $0xFFFFF086;
	s6 =	sadd.s32 @!p0 s3, s7;
	s7 =	simm.s32 @!p0 $0x108  }
0x21: {  	s3 =	sadd.s32 s3, s9;
	s6 =	sadd.s32 @!p0 $0x88, s6;
	s7 =	simm.s32 @p2 $0x1082  }
0x22: {  	[simem:s7], [sflag:s8] =	dma.local @!p0 [hbm:s6], $0xF7A  }
0x23: {  	s9 =	sor.u32 $0xD0000000, s2;
	s6 =	simm.s32 $0x108;
	_ =	swait.ge @!p0 [sflag:s8], $0x0  }
0x24: {  	s3 =	sadd.s32 $0x88, s3;
	s6 =	simm.s32 @!p1 $0x1082;
	[sflag:s4] =	ssyncset.s32 $0xFFFFF086  }
0x25: {  	[simem:s6], [sflag:s4] =	dma.local [hbm:s3], $0xF7A  }
0x26: {  	[smem:$0x3F9D] =	sst s1;
	(tag) =	ssettag s2;
	_ =	strace s9  }
0x27: {  	s1 =	sld [smem:$0x3FAD]  }
0x28: {  	s2 =	sld [smem:$0x3FAE]  }
0x29: {  	s4 =	sld [smem:$0x3FB0]  }
0x2a: {  	p0 =	seq.s32 s5, $0x0;
	s5 =	sld [smem:$0x3FB1]  }
0x2b: {  	s6 =	sld [smem:$0x3FB2]  }
0x2c: {  	s7 =	sld [smem:$0x3FB3]  }
0x2d: {  	s3 =	simm.s32 $0x108;
	s8 =	sld [smem:$0x3FB4]  }
0x2e: {  	s3 =	simm.s32 @!p0 $0x1082;
	s9 =	sld [smem:$0x3FB5]  }
0x2f: {  	lr =	sadd.s32 s0, s3;
	s0 =	sld [smem:$0x3FAC]  }
0x30: {  	s3 =	sld [smem:$0x3FAF]  }
0x31: {  	[smem:$0x3FB8] =	sst s10  }
0x32: {  	s10 =	sld [smem:$0x3FB6];
	_ =	sdelay $0x3  }
0x33: {  	p0 =	seq.s32 s10, $0x1;
	s10 =	sld [smem:$0x3FB8];
	_ =	sdelay $0x3  }
0x34: {  	[smem:$0x3FB8] =	sst s10  }
0x35: {  	s10 =	sld [smem:$0x3FB7];
	_ =	sdelay $0x3  }
0x36: {  	p1 =	seq.s32 s10, $0x1;
	s10 =	sld [smem:$0x3FB8];
	_ =	sdelay $0x3  }
0x37: {  	[smem:$0x3FB8] =	sst s10  }
0x38: {  	s10 =	sld [smem:$0x3FB9]  }
0x39: {  	_ = 	snop;
	(pc) =	sbr.ind lr, $3  }
0x3a: {  	_ = 	snop  }
0x3b: {  	_ = 	snop  }
0x3c: {  	p2 =	seq.s32 s10, $0x1;
	s10 =	sld [smem:$0x3FB8]  }
0x3d: {  	_ =	shalt  }
0x3e: {  	_ =	shalt  }
0x3f: {  	_ =	shalt  }
0x40: {  	_ =	shalt  }
0x41: {  	_ =	shalt  }
0x42: {  	_ =	shalt  }
0x43: {  	_ =	shalt  }
0x44: {  	_ =	shalt  }
0x45: {  	_ =	shalt  }
0x46: {  	_ =	shalt  }
0x47: {  	_ =	shalt  }
0x48: {  	_ =	shalt  }
0x49: {  	_ =	shalt  }
0x4a: {  	_ =	shalt  }
0x4b: {  	_ =	shalt  }
0x4c: {  	_ =	shalt  }
0x4d: {  	_ =	shalt  }
0x4e: {  	_ =	shalt  }
0x4f: {  	_ =	shalt  }
0x50: {  	_ =	shalt  }
0x51: {  	_ =	shalt  }
0x52: {  	_ =	shalt  }
0x53: {  	_ =	shalt  }
0x54: {  	_ =	shalt  }
0x55: {  	_ =	shalt  }
0x56: {  	_ =	shalt  }
0x57: {  	_ =	shalt  }
0x58: {  	_ =	shalt  }
0x59: {  	_ =	shalt  }
0x5a: {  	_ =	shalt  }
0x5b: {  	_ =	shalt  }
0x5c: {  	_ =	shalt  }
0x5d: {  	_ =	shalt  }
0x5e: {  	_ =	shalt  }
0x5f: {  	_ =	shalt  }
0x60: {  	_ =	shalt  }
0x61: {  	_ =	shalt  }
0x62: {  	_ =	shalt  }
0x63: {  	_ =	shalt  }
0x64: {  	_ =	shalt  }
0x65: {  	_ =	shalt  }
0x66: {  	_ =	shalt  }
0x67: {  	_ =	shalt  }
0x68: {  	_ =	shalt  }
0x69: {  	_ =	shalt  }
0x6a: {  	_ =	shalt  }
0x6b: {  	_ =	shalt  }
0x6c: {  	_ =	shalt  }
0x6d: {  	_ =	shalt  }
0x6e: {  	_ =	shalt  }
0x6f: {  	_ =	shalt  }
0x70: {  	_ =	shalt  }
0x71: {  	_ =	shalt  }
0x72: {  	_ =	shalt  }
0x73: {  	_ =	shalt  }
0x74: {  	_ =	shalt  }
0x75: {  	_ =	shalt  }
0x76: {  	_ =	shalt  }
0x77: {  	_ =	shalt  }
0x78: {  	_ =	shalt  }
0x79: {  	_ =	shalt  }
0x7a: {  	_ =	shalt  }
0x7b: {  	_ =	shalt  }
0x7c: {  	_ =	shalt  }
0x7d: {  	_ =	shalt  }
0x7e: {  	_ =	shalt  }
0x7f: {  	_ =	shalt  }
0x80: {  	_ =	shalt  }
0x81: {  	_ =	shalt  }
0x82: {  	_ =	shalt  }
0x83: {  	_ =	shalt  }
0x84: {  	_ =	shalt  }
0x85: {  	_ =	shalt  }
0x86: {  	_ =	shalt  }
0x87: {  	_ =	shalt  }
.Lfunc_end0:
.L_simem_size_0:
called_computation.1_lowered:
.L_overlay_start_0:
0x88: {  	s2 =	sld [smem:$0x3FD9]  }
0x89: {  	s3 =	sld [smem:$0x3FFE];
	_ =	sdelay $0x1  }
0x8a: {  	s1 =	srdreg.scid  }
0x8b: {  	s0 =	sand.u32 $0x1, s1  }
0x8c: {  	s17 =	sshll.u32 s0, $0xA;
	s2 =	sadd.s32 s3, s2  }
0x8d: {  	s2 =	sadd.s32 s2, s17  }
0x8e: {  	[smem:$0x3FC4] =	sst s2  }
0x8f: {  	_ = 	snop  }
0x90: {  	s2 =	sld [smem:$0x3FD0];
	(tm) =	ssettm $0x1  }
0x91: {  	s18 =	sld [smem:$0x3FFB];
	_ =	sdelay $0x3  }
0x92: {  	_ =	strace s18  }
0x93: {  	s3 =	sld [smem:$0x3FFC];
	_ =	sdelay $0x3  }
0x94: {  	_ =	strace s3  }
0x95: {  	s3 =	sld [smem:$0x3FFD];
	_ =	sdelay $0x3  }
0x96: {  	_ =	strace s3  }
0x97: {  	_ =	strace $0x8FFFFFFF  }
0x98: {  	s19 =	sld [smem:$0x3FDB];
	_ =	sdelay $0x1  }
0x99: {  	s4 =	simm.s32 $_scs_section_size  }
0x9a: {  	s5 =	simm.s32 $_size__tile_overlayer_lowered;
	s6 =	simm.s32 $_tile_overlayer_lowered  }
0x9b: {  	s22 =	simm.s32 $0x1BFF;
	s21 =	sshll.u32 s6, $0x1;
	s3 =	sadd.s32 s4, s19  }
0x9c: {  	s7 =	simm.s32 $0x0;
	s20 =	sshll.u32 s5, $0x1;
	s5 =	sadd.s32 s21, s3  }
0x9d: {  	[timem:s7], [sflag:s22] =	dma.local [hbm:s5], s20  }
0x9e: {  	_ =	swait.ge [sflag:s22], s20  }
0x9f: {  	s4 =	ssub.s32 $0x0, s20;
	[sflag:s22] =	ssyncset.done $0x0  }
0xa0: {  	[sflag:s22] =	ssyncadd.s32 s4;
	_ =	sdelay $0x1  }
0xa1: {  	s23 =	simm.s32 $0x1B8B  }
0xa2: {  	_ =	swait.ge [sflag:s23], $0x1  }
0xa3: {  	[sflag:s23] =	ssyncset.done $0x0  }
0xa4: {  	s25 =	simm.s32 $0x1B8E;
	s24 =	sld [smem:$0x3FFE];
	[sflag:s23] =	ssyncadd.s32 $0xFFFFFFFF  }
0xa5: {  	s26 =	simm.s32 $execute0_lowered;
	[smem:$0x3FD2] =	sst s25  }
0xa6: {  	s5 =	sshll.u32 s26, $0x1;
	_ =	strace $0x80000046;
	[dreg:$0x1] =	wrdreg $0xFFFFFFFF  }
0xa7: {  	s28 =	simm.s32 $_size_execute0_lowered;
	s3 =	sadd.s32 s3, s5;
	[dreg:$0x0] =	wrdreg $0x0  }
0xa8: {  	s5 =	sshll.u32 s28, $0x1;
	[dreg:$0x2] =	wrdreg s3  }
0xa9: {  	[dreg:$0x3] =	wrdreg s5  }
0xaa: {  	[dreg:$0x4] =	wrdreg $0xC0  }
0xab: {  	_ =	task [dreg:s7], $0x5FFFF  }
0xac: {  	[dreg:$0x1] =	wrdreg $0xFFFFFFFF  }
0xad: {  	[dreg:$0x0] =	wrdreg $0x60  }
0xae: {  	[dreg:$0x2] =	wrdreg s24  }
0xaf: {  	[dreg:$0x3] =	wrdreg s2  }
0xb0: {  	[dreg:$0x4] =	wrdreg $0x9  }
0xb1: {  	_ =	task.clear_ibuf [dreg:s7], $0x5FFFF;
	_ =	strace $0x90000046  }
0xb2: {  	s29 =	simm.s32 $0x9;
	_ =	strace $0x80000048  }
0xb3: {  	_ =	swait.ge [sflag:s29], $0x1  }
0xb4: {  	[sflag:s29] =	ssyncadd.s32 $0xFFFFFFFF  }
0xb5: {  	_ =	strace $0x90000048  }
0xb6: {  	_ =	sfence  }
0xb7: {  	s30 =	sld [smem:$0x0];
	_ =	sdelay $0x2  }
0xb8: {  	s31 =	sshll.u32 s1, $0xD;
	s1 =	sshrl.u32 s1, $0x2  }
0xb9: {  	s3 =	sand.u32 $0x4000, s31;
	s1 =	sadd.s32 s1, s30  }
0xba: {  	s0 =	sor.u32 s3, s0;
	s1 =	sshll.u32 s1, $0x11  }
0xbb: {  	s0 =	sor.u32 s1, s0  }
0xbc: {  	s0 =	sadd.s32 $0x8F2B, s0  }
0xbd: {  	[sflag:s0] =	ssyncadd.remote.s32 $0x1  }
0xbe: {  	_ =	sfence.sel $0xFFFF  }
0xbf: {  	[dreg:$0x0] =	wrdreg $0xFFFFFFFF;
	(pc) =	sbr.abs _section_cstart, $3  }
0xc0: {  	[dreg:$0x1] =	wrdreg $0xFFFFFFFF  }
0xc1: {  	_ =	task.clear_ibuf [dreg:s7], $0x2FFFF;
	_ =	strace $0x9FFFFFFF  }
0xc2: {  	(tm) =	ssettm $0x7FFFFFFF  }
0xc3: {  	_ =	shalt  }
tec
execute0_lowered:
.L_overlay_start_1:
0x0: {  	(tag) =	ssettag $0x1  }
0x1: {  	s5 =	rddreg [dreg:$0x0]  }
0x2: {  	s1 =	rddreg [dreg:$0x1]  }
0x3: {  	s0 =	rddreg [dreg:$0x2];
	s2 =	simm.s32 $0x0  }
0x4: {  	s3 =	srdreg.scid;
	s10 =	simm.s32 $0xC00;
	s11 =	simm.s32 $0x0  }
0x5: {  	[smem:$0x7FF] =	sst s2;
	s6 =	sand.u32 $0x1, s3;
	s3 =	stileid.u32  }
0x6: {  	v0 =	vimm.s32 $0x1;
	s4 =	sadd.s32 $0x800, s5;
	s5 =	sadd.s32 $0x90400, s5;
	s7 =	ssub.s32 $0x2, s6  }
0x7: {  	v1 =	vimm.s32 $0x2;
	v2 =	vimm.s32 $0x3;
	v3 =	vimm.s32 $0x4;
	_ =	strace $0x80000047;
	s9 =	sshll.u32 s3, $0x1;
	s8 =	sshrl.u32 s7, $0x1  }
0x8: {  	v4 =	vimm.s32 $0x5;
	v5 =	vimm.s32 $0x6;
	v6 =	vimm.s32 $0x7;
	s6 =	sor.u32 s6, s9;
	s9 =	simm.s32 $0x1;
	s7 =	ssub.s32 s7, s8  }
0x9: {  	v7 =	vimm.s32 $0x8;
	v8 =	vimm.s32 $0x9;
	v9 =	vimm.s32 $0xA;
	s6 =	smul.u32 $0x1900, s6;
	s8 =	simm.s32 $0xD280;
	s7 =	smax.u32 s7, $0x1  }
.LBB2_1:
0xa: {  	[tilespmem:s8], [sflag:$0x1] =	stream.linear.gather [hbm4b:s5+s2], $0x180, $0x38;
	[tilespmem:$0xD400] =	vst v63  }
0xb: {  	_ =	swait.ge [sflag:s9], $0x180  }
0xc: {  	[sflag:s9] =	ssyncset.done $0x0  }
0xd: {  	[sflag:s9] =	ssyncadd.s32 $0xFFFFFE80  }
0xe: {  	v10 =	vld [tilespmem:$0xD280]  }
0xf: {  	v32 =	vld [tilespmem:$0xD290]  }
0x10: {  	v31 =	vld [tilespmem:$0xD2A0]  }
0x11: {  	v33 =	vld [tilespmem:$0xD2B0]  }
0x12: {  	v11 =	vld [tilespmem:$0xD2C0]  }
0x13: {  	v12 =	vld [tilespmem:$0xD2D0]  }
0x14: {  	v13 =	vld [tilespmem:$0xD2E0]  }
0x15: {  	v14 =	vld [tilespmem:$0xD2F0]  }
0x16: {  	v15 =	vld [tilespmem:$0xD300]  }
0x17: {  	v16 =	vld [tilespmem:$0xD310]  }
0x18: {  	v17 =	vld [tilespmem:$0xD320]  }
0x19: {  	v18 =	vld [tilespmem:$0xD330]  }
0x1a: {  	v19 =	vld [tilespmem:$0xD340]  }
0x1b: {  	v20 =	vld [tilespmem:$0xD350]  }
0x1c: {  	v21 =	vld [tilespmem:$0xD360]  }
0x1d: {  	v22 =	vld [tilespmem:$0xD370]  }
0x1e: {  	v23 =	vld [tilespmem:$0xD380]  }
0x1f: {  	v24 =	vld [tilespmem:$0xD390]  }
0x20: {  	v25 =	vld [tilespmem:$0xD3A0]  }
0x21: {  	v26 =	vld [tilespmem:$0xD3B0]  }
0x22: {  	v27 =	vld [tilespmem:$0xD3C0]  }
0x23: {  	v28 =	vld [tilespmem:$0xD3D0]  }
0x24: {  	s12 =	simm.s32 $0xF28;
	v29 =	vld [tilespmem:$0xD3E0]  }
0x25: {  	v30 =	vld [tilespmem:$0xD3F0];
	[tilespmem:s12+$0xFFFFFCE8] =	vst v32  }
0x26: {  	[tilespmem:s12+$0x1AC] =	vst v33  }
0x27: {  	[tilespmem:s12+$0x19C] =	vst v31  }
0x28: {  	[tilespmem:s12+$0x18C] =	vst v32  }
0x29: {  	[tilespmem:s12+$0x20] =	vst v33  }
0x2a: {  	[tilespmem:s12+$0x10] =	vst v31  }
0x2b: {  	[tilespmem:s12+$0x0] =	vst v32  }
0x2c: {  	[tilespmem:s12+$0xFFFFFE94] =	vst v33  }
0x2d: {  	[tilespmem:s12+$0xFFFFFE84] =	vst v31  }
0x2e: {  	[tilespmem:s12+$0xFFFFFE74] =	vst v32  }
0x2f: {  	s13 =	simm.s32 $0x0;
	[tilespmem:s12+$0xFFFFFD08] =	vst v33  }
.LBB2_2:
0x30: {  	s13 =	sadd.s32 $0x4, s13;
	[tilespmem:s12+$0xFFFFFCF8] =	vst v31;
	s12 =	sadd.s32 $0x630, s12  }
0x31: {  	[tilespmem:s12+$0xFFFFFCE8] =	vst v32;
	p0 =	slt.u32 s13, $0x7C  }
0x32: {  	[tilespmem:s12+$0x1AC] =	vst v33  }
0x33: {  	[tilespmem:s12+$0x19C] =	vst v31  }
0x34: {  	[tilespmem:s12+$0x18C] =	vst v32  }
0x35: {  	[tilespmem:s12+$0x20] =	vst v33  }
0x36: {  	[tilespmem:s12+$0x10] =	vst v31  }
.Ltmp0:
0x37: {  	[tilespmem:s12+$0x0] =	vst v32;
	(pc) =	sbr.rel @p0 .LBB2_2-.Ltmp0, $4  }
0x38: {  	[tilespmem:s12+$0xFFFFFE94] =	vst v33  }
0x39: {  	[tilespmem:s12+$0xFFFFFE84] =	vst v31  }
0x3a: {  	[tilespmem:s12+$0xFFFFFE74] =	vst v32  }
0x3b: {  	[tilespmem:s12+$0xFFFFFD08] =	vst v33  }
0x3c: {  	[tilespmem:s12+$0xFFFFFCF8] =	vst v31;
	s12 =	simm.s32 $0x0;
	s13 =	simm.s32 $0x0  }
.LBB2_4:
0x3d: {  	s14 =	sshll.u32 s13, $0x7  }
0x3e: {  	s14 =	sadd.s32 s6, s14  }
0x3f: {  	s15 =	smul.u32 $0x17, s14;
	_ =	sdelay $0x1  }
0x40: {  	s15 =	sshrl.u32 s15, $0x3  }
0x41: {  	s15 =	sadd.s32 s4, s15  }
0x42: {  	[tilespmem:s12], [sflag:$0x1] =	stream.linear.gather [hbm4b:s15+s12], $0xB80, $0x38;
	[tilespmem:$0xD400] =	vst v63  }
0x43: {  	_ =	swait.ge [sflag:s9], $0xB80  }
0x44: {  	s16 =	simm.s32 $0xF18;
	s17 =	simm.s32 $0x2E;
	[sflag:s9] =	ssyncset.done $0x0  }
0x45: {  	s18 =	simm.s32 $0x0;
	s15 =	simm.s32 $0xFFFFFFFC;
	[sflag:s9] =	ssyncadd.s32 $0xFFFFF480  }
.LBB2_5:
0x46: {  	[tilespmem:s16+$0xFFFFFCE8] =	vst v10  }
0x47: {  	v31 =	vld [tilespmem:s17+$0xFFFFFFD2];
	_ =	sdelay $0x4  }
0x48: {  	v32 =	vperm.xlane v31, v0  }
0x49: {  	v54 =	vperm.xlane v31, v1;
	v35 =	vperm.xlane v31, v2  }
0x4a: {  	v55 =	vperm.xlane v31, v3;
	v41 =	vperm.xlane v31, v4  }
0x4b: {  	v43 =	vperm.xlane v31, v5;
	v45 =	vperm.xlane v31, v6  }
0x4c: {  	v47 =	vperm.xlane v31, v7;
	vm0 =	vge.f32 v32, $1.000000000e+00;
	vm1 =	vge.f32 v32, $2.000000000e+00  }
0x4d: {  	vm7 =	vge.f32 v54, $1.000000000e+00;
	vm8 =	vge.f32 v54, $2.000000000e+00;
	vm9 =	vge.f32 v35, $1.000000000e+00  }
0x4e: {  	vm10 =	vge.f32 v35, $2.000000000e+00;
	vm11 =	vge.f32 v55, $1.000000000e+00;
	vm12 =	vge.f32 v55, $2.000000000e+00  }
0x4f: {  	vm13 =	vge.f32 v55, $3.000000000e+00;
	vm14 =	vge.f32 v55, $4.000000000e+00;
	vm2 =	vge.f32 v55, $5.000000000e+00  }
0x50: {  	vm15 =	vge.f32 v55, $6.000000000e+00;
	vm4 =	vge.f32 v41, $1.000000000e+00;
	vm5 =	vge.f32 v41, $2.000000000e+00  }
0x51: {  	vm6 =	vge.f32 v41, $3.000000000e+00;
	v33 =	vsel vm0, v13, v11;
	v34 =	vsel vm0, v14, v12  }
0x52: {  	v36 =	vsel vm7, v13, v11;
	v37 =	vsel vm7, v14, v12;
	v38 =	vsel vm9, v13, v11  }
0x53: {  	v56 =	vsel vm9, v14, v12;
	v39 =	vsel vm11, v19, v17;
	v40 =	vsel vm11, v20, v18  }
0x54: {  	v57 =	vsel vm4, v19, v17;
	v42 =	vsel vm4, v20, v18;
	vm7 =	vge.f32 v41, $4.000000000e+00  }
0x55: {  	vm9 =	vge.f32 v41, $6.000000000e+00;
	vm11 =	vge.f32 v43, $2.000000000e+00;
	vm4 =	vge.f32 v45, $1.000000000e+00  }
0x56: {  	v33 =	vsel vm1, v15, v33;
	v34 =	vsel vm1, v16, v34;
	v32 =	vsel vm8, v15, v36  }
0x57: {  	v37 =	vsel vm8, v16, v37;
	v38 =	vsel vm10, v15, v38;
	v39 =	vsel vm12, v21, v39  }
0x58: {  	v40 =	vsel vm12, v22, v40;
	v35 =	vsel vm10, v16, v56;
	v42 =	vsel vm5, v22, v42  }
0x59: {  	vm8 =	vge.f32 v41, $5.000000000e+00;
	vm10 =	vge.f32 v43, $1.000000000e+00;
	vm12 =	vge.f32 v43, $3.000000000e+00  }
0x5a: {  	v60 =	vsel vm4, v19, v17;
	v46 =	vsel vm4, v20, v18;
	v39 =	vsel vm13, v23, v39  }
0x5b: {  	v40 =	vsel vm13, v24, v40;
	v42 =	vsel vm6, v24, v42;
	v58 =	vsel vm10, v19, v17  }
0x5c: {  	v44 =	vsel vm10, v20, v18;
	vm13 =	vge.f32 v43, $4.000000000e+00;
	vm10 =	vge.f32 v47, $1.000000000e+00  }
0x5d: {  	v39 =	vsel vm14, v25, v39;
	v40 =	vsel vm14, v26, v40;
	v42 =	vsel vm7, v26, v42  }
0x5e: {  	v44 =	vsel vm11, v22, v44;
	vm14 =	vge.f32 v43, $5.000000000e+00;
	v61 =	vsel vm10, v19, v17  }
0x5f: {  	v62 =	vsel vm10, v20, v18;
	v39 =	vsel vm2, v27, v39;
	v40 =	vsel vm2, v28, v40  }
0x60: {  	v42 =	vsel vm8, v28, v42;
	v44 =	vsel vm12, v24, v44;
	v36 =	vsel vm15, v29, v39  }
0x61: {  	v39 =	vsel vm5, v21, v57;
	v40 =	vsel vm15, v30, v40;
	v41 =	vsel vm9, v30, v42  }
0x62: {  	v42 =	vsel vm11, v21, v58;
	v44 =	vsel vm13, v26, v44;
	vm15 =	vge.f32 v43, $6.000000000e+00  }
0x63: {  	vm5 =	vge.f32 v45, $2.000000000e+00;
	vm11 =	vge.f32 v47, $2.000000000e+00;
	v39 =	vsel vm6, v23, v39  }
0x64: {  	v42 =	vsel vm12, v23, v42;
	v59 =	vsel vm14, v28, v44;
	v44 =	vsel vm5, v21, v60  }
0x65: {  	v46 =	vsel vm5, v22, v46;
	vm6 =	vge.f32 v45, $3.000000000e+00;
	vm12 =	vge.f32 v47, $3.000000000e+00  }
0x66: {  	[tilespmem:s16+$0xFFFFFD28] =	vst v33;
	v33 =	vsel vm11, v22, v62;
	v39 =	vsel vm7, v25, v39;
	v42 =	vsel vm13, v25, v42  }
0x67: {  	v44 =	vsel vm6, v23, v44;
	v46 =	vsel vm6, v24, v46;
	vm7 =	vge.f32 v45, $4.000000000e+00  }
0x68: {  	v43 =	vsel vm15, v30, v59;
	vm13 =	vge.f32 v47, $4.000000000e+00;
	v33 =	vsel vm12, v24, v33  }
0x69: {  	v39 =	vsel vm8, v27, v39;
	v42 =	vsel vm14, v27, v42;
	v44 =	vsel vm7, v25, v44  }
0x6a: {  	vm8 =	vge.f32 v45, $5.000000000e+00;
	v46 =	vsel vm7, v26, v46;
	v33 =	vsel vm13, v26, v33  }
0x6b: {  	vm14 =	vge.f32 v47, $5.000000000e+00;
	v39 =	vsel vm9, v29, v39;
	v42 =	vsel vm15, v29, v42  }
0x6c: {  	[tilespmem:s16+$0xFFFFFD38] =	vst v34;
	v44 =	vsel vm8, v27, v44;
	v46 =	vsel vm8, v28, v46;
	vm9 =	vge.f32 v45, $6.000000000e+00  }
0x6d: {  	[tilespmem:s16+$0xFFFFFD48] =	vst v32;
	v45 =	vsel vm11, v21, v61;
	v33 =	vsel vm14, v28, v33;
	vm15 =	vge.f32 v47, $6.000000000e+00  }
0x6e: {  	s19 =	sand.u32 $0xFFF0, s18;
	[tilespmem:s16+$0xFFFFFD58] =	vst v37;
	v63 =	vsel vm12, v23, v45;
	v45 =	vsel vm9, v30, v46;
	v46 =	vperm.xlane v31, v8  }
0x6f: {  	[tilespmem:s19+$0xC80] =	vst v38;
	v44 =	vsel vm9, v29, v44;
	v33 =	vsel vm15, v30, v33;
	v34 =	vsel vm13, v25, v63  }
0x70: {  	[tilespmem:s16+$0xFFFFFD78] =	vst v35;
	v31 =	vperm.xlane v31, v9;
	v34 =	vsel vm14, v27, v34;
	vm4 =	vge.f32 v46, $1.000000000e+00  }
0x71: {  	[tilespmem:s16+$0xFFFFFD88] =	vst v36;
	vm5 =	vge.f32 v46, $2.000000000e+00;
	vm6 =	vge.f32 v46, $3.000000000e+00;
	vm7 =	vge.f32 v46, $4.000000000e+00  }
0x72: {  	[tilespmem:s16+$0xFFFFFD98] =	vst v40;
	vm8 =	vge.f32 v46, $5.000000000e+00;
	vm9 =	vge.f32 v46, $6.000000000e+00;
	vm10 =	vge.f32 v31, $1.000000000e+00  }
0x73: {  	[tilespmem:s16+$0xFFFFFDB8] =	vst v41;
	vm11 =	vge.f32 v31, $2.000000000e+00;
	vm12 =	vge.f32 v31, $3.000000000e+00;
	vm13 =	vge.f32 v31, $4.000000000e+00  }
0x74: {  	[tilespmem:s16+$0xFFFFFDD8] =	vst v43;
	vm14 =	vge.f32 v31, $5.000000000e+00;
	v34 =	vsel vm15, v29, v34;
	v47 =	vsel vm4, v19, v17  }
0x75: {  	[tilespmem:s16+$0xFFFFFDA8] =	vst v39;
	v48 =	vsel vm4, v20, v18;
	v49 =	vsel vm10, v19, v17;
	v50 =	vsel vm10, v20, v18  }
0x76: {  	[tilespmem:s16+$0xFFFFFDC8] =	vst v42;
	vm15 =	vge.f32 v31, $6.000000000e+00;
	v35 =	vsel vm5, v21, v47;
	v36 =	vsel vm5, v22, v48  }
0x77: {  	[tilespmem:s19+$0xD00] =	vst v44;
	v37 =	vsel vm11, v21, v49;
	v32 =	vsel vm11, v22, v50;
	v35 =	vsel vm6, v23, v35  }
0x78: {  	[tilespmem:s16+$0xFFFFFDF8] =	vst v45;
	v36 =	vsel vm6, v24, v36;
	v51 =	vsel vm12, v23, v37;
	v35 =	vsel vm7, v25, v35  }
0x79: {  	[tilespmem:s16+$0xFFFFFE18] =	vst v33;
	v32 =	vsel vm12, v24, v32;
	v36 =	vsel vm7, v26, v36;
	v35 =	vsel vm8, v27, v35  }
0x7a: {  	[tilespmem:s16+$0xFFFFFE08] =	vst v34;
	v52 =	vsel vm13, v25, v51;
	v36 =	vsel vm8, v28, v36;
	v35 =	vsel vm9, v29, v35  }
0x7b: {  	v32 =	vsel vm13, v26, v32;
	v33 =	vsel vm14, v27, v52;
	v36 =	vsel vm9, v30, v36;
	[tilespmem:s16+$0xFFFFFE28] =	vst v35  }
0x7c: {  	v31 =	vsel vm14, v28, v32;
	v53 =	vsel vm15, v29, v33;
	[tilespmem:s16+$0xFFFFFE38] =	vst v36  }
0x7d: {  	v31 =	vsel vm15, v30, v31;
	[tilespmem:s16+$0xFFFFFE48] =	vst v53  }
0x7e: {  	[tilespmem:s16+$0xFFFFFE58] =	vst v31  }
0x7f: {  	v31 =	vld [tilespmem:s17+$0xFFFFFFDD];
	_ =	sdelay $0x4  }
0x80: {  	[tilespmem:s19+$0xD80] =	vst v31  }
0x81: {  	[tilespmem:s16+$0xFFFFFE74] =	vst v10  }
0x82: {  	v31 =	vld [tilespmem:s17+$0xFFFFFFE9];
	_ =	sdelay $0x4  }
0x83: {  	v54 =	vperm.xlane v31, v0  }
0x84: {  	v56 =	vperm.xlane v31, v1;
	v58 =	vperm.xlane v31, v2  }
0x85: {  	v61 =	vperm.xlane v31, v3;
	v46 =	vperm.xlane v31, v4  }
0x86: {  	v49 =	vperm.xlane v31, v5;
	v52 =	vperm.xlane v31, v6  }
0x87: {  	vm4 =	vge.f32 v54, $1.000000000e+00;
	vm5 =	vge.f32 v54, $2.000000000e+00;
	vm6 =	vge.f32 v56, $1.000000000e+00  }
0x88: {  	vm7 =	vge.f32 v56, $2.000000000e+00;
	vm8 =	vge.f32 v58, $1.000000000e+00;
	vm9 =	vge.f32 v58, $2.000000000e+00  }
0x89: {  	vm10 =	vge.f32 v61, $1.000000000e+00;
	vm11 =	vge.f32 v61, $2.000000000e+00;
	vm12 =	vge.f32 v61, $3.000000000e+00  }
0x8a: {  	vm13 =	vge.f32 v61, $4.000000000e+00;
	vm14 =	vge.f32 v61, $5.000000000e+00;
	v56 =	vperm.xlane v31, v7  }
0x8b: {  	vm15 =	vge.f32 v61, $6.000000000e+00;
	v61 =	vperm.xlane v31, v8;
	v31 =	vperm.xlane v31, v9  }
0x8c: {  	v55 =	vsel vm4, v13, v11;
	v57 =	vsel vm4, v14, v12;
	v59 =	vsel vm6, v13, v11  }
0x8d: {  	v60 =	vsel vm6, v14, v12;
	v62 =	vsel vm8, v13, v11;
	v63 =	vsel vm8, v14, v12  }
0x8e: {  	v44 =	vsel vm10, v19, v17;
	v45 =	vsel vm10, v20, v18;
	vm4 =	vge.f32 v46, $1.000000000e+00  }
0x8f: {  	vm6 =	vge.f32 v46, $3.000000000e+00;
	vm8 =	vge.f32 v46, $5.000000000e+00;
	vm10 =	vge.f32 v49, $1.000000000e+00  }
0x90: {  	v33 =	vsel vm5, v15, v55;
	v34 =	vsel vm5, v16, v57;
	v32 =	vsel vm7, v15, v59  }
0x91: {  	v37 =	vsel vm7, v16, v60;
	v38 =	vsel vm9, v15, v62;
	v39 =	vsel vm11, v21, v44  }
0x92: {  	v40 =	vsel vm11, v22, v45;
	v35 =	vsel vm9, v16, v63;
	v47 =	vsel vm4, v19, v17  }
0x93: {  	vm5 =	vge.f32 v46, $2.000000000e+00;
	v48 =	vsel vm4, v20, v18;
	vm7 =	vge.f32 v46, $4.000000000e+00  }
0x94: {  	vm9 =	vge.f32 v46, $6.000000000e+00;
	v50 =	vsel vm10, v19, v17;
	v51 =	vsel vm10, v20, v18  }
0x95: {  	vm11 =	vge.f32 v49, $2.000000000e+00;
	vm4 =	vge.f32 v52, $1.000000000e+00;
	vm10 =	vge.f32 v56, $1.000000000e+00  }
0x96: {  	v39 =	vsel vm12, v23, v39;
	v40 =	vsel vm12, v24, v40;
	v42 =	vsel vm5, v22, v48  }
0x97: {  	v44 =	vsel vm11, v22, v51;
	vm12 =	vge.f32 v49, $3.000000000e+00;
	v54 =	vsel vm4, v19, v17  }
0x98: {  	v55 =	vsel vm4, v20, v18;
	v57 =	vsel vm10, v19, v17;
	v58 =	vsel vm10, v20, v18  }
0x99: {  	vm4 =	vge.f32 v61, $1.000000000e+00;
	vm10 =	vge.f32 v31, $1.000000000e+00;
	v39 =	vsel vm13, v25, v39  }
0x9a: {  	v40 =	vsel vm13, v26, v40;
	v42 =	vsel vm6, v24, v42;
	v44 =	vsel vm12, v24, v44  }
0x9b: {  	vm13 =	vge.f32 v49, $4.000000000e+00;
	v62 =	vsel vm4, v19, v17;
	v63 =	vsel vm4, v20, v18  }
0x9c: {  	v39 =	vsel vm14, v27, v39;
	v40 =	vsel vm14, v28, v40;
	v42 =	vsel vm7, v26, v42  }
0x9d: {  	vm14 =	vge.f32 v49, $5.000000000e+00;
	v44 =	vsel vm13, v26, v44;
	v36 =	vsel vm15, v29, v39  }
0x9e: {  	v39 =	vsel vm5, v21, v47;
	v40 =	vsel vm15, v30, v40;
	v42 =	vsel vm8, v28, v42  }
0x9f: {  	[tilespmem:s16+$0xFFFFFEB4] =	vst v33;
	vm15 =	vge.f32 v49, $6.000000000e+00;
	v53 =	vsel vm14, v28, v44;
	vm5 =	vge.f32 v52, $2.000000000e+00  }
0xa0: {  	[tilespmem:s16+$0xFFFFFEC4] =	vst v34;
	v39 =	vsel vm6, v23, v39;
	v41 =	vsel vm9, v30, v42;
	v42 =	vsel vm11, v21, v50  }
0xa1: {  	s29 =	sadd.s32 $0x18C, s18;
	[tilespmem:s16+$0xFFFFFED4] =	vst v32;
	v44 =	vsel vm5, v21, v54;
	v46 =	vsel vm5, v22, v55;
	vm6 =	vge.f32 v52, $3.000000000e+00  }
0xa2: {  	s19 =	sand.u32 $0xFFFC, s29;
	[tilespmem:s16+$0xFFFFFEE4] =	vst v37;
	v43 =	vsel vm15, v30, v53;
	vm11 =	vge.f32 v56, $2.000000000e+00;
	vm5 =	vge.f32 v61, $2.000000000e+00  }
0xa3: {  	[tilespmem:s19+$0xC80] =	vst v38;
	v39 =	vsel vm7, v25, v39;
	v42 =	vsel vm12, v23, v42;
	v44 =	vsel vm6, v23, v44  }
0xa4: {  	[tilespmem:s16+$0xFFFFFF04] =	vst v35;
	v46 =	vsel vm6, v24, v46;
	vm7 =	vge.f32 v52, $4.000000000e+00;
	v45 =	vsel vm11, v21, v57  }
0xa5: {  	[tilespmem:s16+$0xFFFFFF14] =	vst v36;
	vm12 =	vge.f32 v56, $3.000000000e+00;
	v33 =	vsel vm11, v22, v58;
	v35 =	vsel vm5, v21, v62  }
0xa6: {  	v36 =	vsel vm5, v22, v63;
	vm6 =	vge.f32 v61, $3.000000000e+00;
	[tilespmem:s16+$0xFFFFFF64] =	vst v43;
	v43 =	vsel vm10, v19, v17  }
0xa7: {  	vm11 =	vge.f32 v31, $2.000000000e+00;
	v39 =	vsel vm8, v27, v39;
	v42 =	vsel vm13, v25, v42  }
0xa8: {  	v44 =	vsel vm7, v25, v44;
	vm8 =	vge.f32 v52, $5.000000000e+00;
	v46 =	vsel vm7, v26, v46  }
0xa9: {  	v59 =	vsel vm12, v23, v45;
	vm13 =	vge.f32 v56, $4.000000000e+00;
	v33 =	vsel vm12, v24, v33  }
0xaa: {  	v35 =	vsel vm6, v23, v35;
	v36 =	vsel vm6, v24, v36;
	vm7 =	vge.f32 v61, $4.000000000e+00  }
0xab: {  	v37 =	vsel vm11, v21, v43;
	vm12 =	vge.f32 v31, $3.000000000e+00;
	v39 =	vsel vm9, v29, v39  }
0xac: {  	v42 =	vsel vm14, v27, v42;
	v44 =	vsel vm8, v27, v44;
	v46 =	vsel vm8, v28, v46  }
0xad: {  	vm9 =	vge.f32 v52, $6.000000000e+00;
	v34 =	vsel vm13, v25, v59;
	v33 =	vsel vm13, v26, v33  }
0xae: {  	[tilespmem:s16+$0xFFFFFF24] =	vst v40;
	vm14 =	vge.f32 v56, $5.000000000e+00;
	v35 =	vsel vm7, v25, v35;
	vm8 =	vge.f32 v61, $5.000000000e+00  }
0xaf: {  	[tilespmem:s16+$0xFFFFFF44] =	vst v41;
	v36 =	vsel vm7, v26, v36;
	v45 =	vsel vm12, v23, v37;
	vm13 =	vge.f32 v31, $4.000000000e+00  }
0xb0: {  	v42 =	vsel vm15, v29, v42;
	v44 =	vsel vm9, v29, v44;
	v60 =	vsel vm9, v30, v46;
	[tilespmem:s16+$0xFFFFFF34] =	vst v39  }
0xb1: {  	v34 =	vsel vm14, v27, v34;
	v33 =	vsel vm14, v28, v33;
	vm15 =	vge.f32 v56, $6.000000000e+00;
	[tilespmem:s16+$0xFFFFFF54] =	vst v42  }
0xb2: {  	v35 =	vsel vm8, v27, v35;
	vm9 =	vge.f32 v61, $6.000000000e+00;
	v36 =	vsel vm8, v28, v36;
	[tilespmem:s19+$0xD00] =	vst v44  }
0xb3: {  	v46 =	vsel vm13, v25, v45;
	v34 =	vsel vm15, v29, v34;
	v44 =	vsel vm10, v20, v18;
	[tilespmem:s16+$0xFFFFFF84] =	vst v60  }
0xb4: {  	vm14 =	vge.f32 v31, $5.000000000e+00;
	v33 =	vsel vm15, v30, v33;
	[tilespmem:s16+$0xFFFFFF94] =	vst v34;
	v32 =	vsel vm11, v22, v44  }
0xb5: {  	v35 =	vsel vm9, v29, v35;
	v36 =	vsel vm9, v30, v36;
	[tilespmem:s16+$0xFFFFFFA4] =	vst v33;
	v32 =	vsel vm12, v24, v32  }
0xb6: {  	vm15 =	vge.f32 v31, $6.000000000e+00;
	[tilespmem:s16+$0xFFFFFFB4] =	vst v35;
	v33 =	vsel vm14, v27, v46;
	v32 =	vsel vm13, v26, v32  }
0xb7: {  	[tilespmem:s16+$0xFFFFFFC4] =	vst v36;
	v47 =	vsel vm15, v29, v33;
	v31 =	vsel vm14, v28, v32  }
0xb8: {  	[tilespmem:s16+$0xFFFFFFD4] =	vst v47;
	v31 =	vsel vm15, v30, v31  }
0xb9: {  	[tilespmem:s16+$0xFFFFFFE4] =	vst v31  }
0xba: {  	v31 =	vld [tilespmem:s17+$0xFFFFFFF4];
	_ =	sdelay $0x4  }
0xbb: {  	[tilespmem:s19+$0xD80] =	vst v31  }
0xbc: {  	[tilespmem:s16+$0x0] =	vst v10  }
0xbd: {  	v31 =	vld [tilespmem:s17+$0x0];
	_ =	sdelay $0x4  }
0xbe: {  	v48 =	vperm.xlane v31, v0;
	v50 =	vperm.xlane v31, v1  }
0xbf: {  	v52 =	vperm.xlane v31, v2;
	v55 =	vperm.xlane v31, v3  }
0xc0: {  	v60 =	vperm.xlane v31, v4;
	v63 =	vperm.xlane v31, v5;
	vm4 =	vge.f32 v48, $1.000000000e+00  }
0xc1: {  	vm5 =	vge.f32 v48, $2.000000000e+00;
	vm6 =	vge.f32 v50, $1.000000000e+00;
	vm7 =	vge.f32 v50, $2.000000000e+00  }
0xc2: {  	vm8 =	vge.f32 v52, $1.000000000e+00;
	vm9 =	vge.f32 v52, $2.000000000e+00;
	vm10 =	vge.f32 v55, $1.000000000e+00  }
0xc3: {  	vm11 =	vge.f32 v55, $2.000000000e+00;
	vm12 =	vge.f32 v55, $3.000000000e+00;
	vm13 =	vge.f32 v55, $4.000000000e+00  }
0xc4: {  	vm14 =	vge.f32 v55, $5.000000000e+00;
	vm15 =	vge.f32 v55, $6.000000000e+00;
	v50 =	vperm.xlane v31, v6  }
0xc5: {  	v49 =	vsel vm4, v13, v11;
	v51 =	vsel vm4, v14, v12;
	v53 =	vsel vm6, v13, v11  }
0xc6: {  	v54 =	vsel vm6, v14, v12;
	v56 =	vsel vm8, v13, v11;
	v57 =	vsel vm8, v14, v12  }
0xc7: {  	v58 =	vsel vm10, v19, v17;
	v59 =	vsel vm10, v20, v18;
	vm4 =	vge.f32 v60, $1.000000000e+00  }
0xc8: {  	vm6 =	vge.f32 v60, $3.000000000e+00;
	vm8 =	vge.f32 v60, $5.000000000e+00;
	vm10 =	vge.f32 v63, $1.000000000e+00  }
0xc9: {  	v33 =	vsel vm5, v15, v49;
	v34 =	vsel vm5, v16, v51;
	v32 =	vsel vm7, v15, v53  }
0xca: {  	v37 =	vsel vm7, v16, v54;
	v38 =	vsel vm9, v15, v56;
	v39 =	vsel vm11, v21, v58  }
0xcb: {  	v40 =	vsel vm11, v22, v59;
	v35 =	vsel vm9, v16, v57;
	v61 =	vsel vm4, v19, v17  }
0xcc: {  	vm5 =	vge.f32 v60, $2.000000000e+00;
	v62 =	vsel vm4, v20, v18;
	vm7 =	vge.f32 v60, $4.000000000e+00  }
0xcd: {  	vm9 =	vge.f32 v60, $6.000000000e+00;
	v48 =	vsel vm10, v19, v17;
	v49 =	vsel vm10, v20, v18  }
0xce: {  	vm11 =	vge.f32 v63, $2.000000000e+00;
	vm4 =	vge.f32 v50, $1.000000000e+00;
	v54 =	vperm.xlane v31, v7  }
0xcf: {  	v59 =	vperm.xlane v31, v8;
	v31 =	vperm.xlane v31, v9;
	v39 =	vsel vm12, v23, v39  }
0xd0: {  	v40 =	vsel vm12, v24, v40;
	v42 =	vsel vm5, v22, v62;
	v44 =	vsel vm11, v22, v49  }
0xd1: {  	vm12 =	vge.f32 v63, $3.000000000e+00;
	v52 =	vsel vm4, v19, v17;
	v53 =	vsel vm4, v20, v18  }
0xd2: {  	v39 =	vsel vm13, v25, v39;
	v40 =	vsel vm13, v26, v40;
	v42 =	vsel vm6, v24, v42  }
0xd3: {  	v44 =	vsel vm12, v24, v44;
	vm13 =	vge.f32 v63, $4.000000000e+00;
	vm10 =	vge.f32 v54, $1.000000000e+00  }
0xd4: {  	vm4 =	vge.f32 v59, $1.000000000e+00;
	v39 =	vsel vm14, v27, v39;
	v40 =	vsel vm14, v28, v40  }
0xd5: {  	v42 =	vsel vm7, v26, v42;
	vm14 =	vge.f32 v63, $5.000000000e+00;
	v44 =	vsel vm13, v26, v44  }
0xd6: {  	v55 =	vsel vm10, v19, v17;
	v56 =	vsel vm10, v20, v18;
	v60 =	vsel vm4, v19, v17  }
0xd7: {  	vm10 =	vge.f32 v31, $1.000000000e+00;
	v36 =	vsel vm15, v29, v39;
	v39 =	vsel vm5, v21, v61  }
0xd8: {  	v40 =	vsel vm15, v30, v40;
	v42 =	vsel vm8, v28, v42;
	vm15 =	vge.f32 v63, $6.000000000e+00  }
0xd9: {  	v51 =	vsel vm14, v28, v44;
	vm5 =	vge.f32 v50, $2.000000000e+00;
	v61 =	vsel vm4, v20, v18  }
0xda: {  	[tilespmem:s16+$0x40] =	vst v33;
	v62 =	vsel vm10, v19, v17;
	v63 =	vsel vm10, v20, v18;
	v39 =	vsel vm6, v23, v39  }
0xdb: {  	[tilespmem:s16+$0x50] =	vst v34;
	v41 =	vsel vm9, v30, v42;
	v42 =	vsel vm11, v21, v48;
	v44 =	vsel vm5, v21, v52  }
0xdc: {  	s30 =	sadd.s32 $0x318, s18;
	[tilespmem:s16+$0x60] =	vst v32;
	v46 =	vsel vm5, v22, v53;
	vm6 =	vge.f32 v50, $3.000000000e+00;
	v43 =	vsel vm15, v30, v51  }
0xdd: {  	s19 =	sand.u32 $0xFFF8, s30;
	[tilespmem:s16+$0x70] =	vst v37;
	vm11 =	vge.f32 v54, $2.000000000e+00;
	vm5 =	vge.f32 v59, $2.000000000e+00;
	v39 =	vsel vm7, v25, v39  }
0xde: {  	[tilespmem:s19+$0xC80] =	vst v38;
	v42 =	vsel vm12, v23, v42;
	v44 =	vsel vm6, v23, v44;
	v46 =	vsel vm6, v24, v46  }
0xdf: {  	[tilespmem:s16+$0x90] =	vst v35;
	vm7 =	vge.f32 v50, $4.000000000e+00;
	v45 =	vsel vm11, v21, v55;
	vm12 =	vge.f32 v54, $3.000000000e+00  }
0xe0: {  	[tilespmem:s16+$0xA0] =	vst v36;
	v33 =	vsel vm11, v22, v56;
	v35 =	vsel vm5, v21, v60;
	v36 =	vsel vm5, v22, v61  }
0xe1: {  	vm6 =	vge.f32 v59, $3.000000000e+00;
	vm11 =	vge.f32 v31, $2.000000000e+00;
	v39 =	vsel vm8, v27, v39  }
0xe2: {  	v42 =	vsel vm13, v25, v42;
	v44 =	vsel vm7, v25, v44;
	vm8 =	vge.f32 v50, $5.000000000e+00  }
0xe3: {  	v46 =	vsel vm7, v26, v46;
	v57 =	vsel vm12, v23, v45;
	vm13 =	vge.f32 v54, $4.000000000e+00  }
0xe4: {  	v33 =	vsel vm12, v24, v33;
	v35 =	vsel vm6, v23, v35;
	v36 =	vsel vm6, v24, v36  }
0xe5: {  	vm7 =	vge.f32 v59, $4.000000000e+00;
	v37 =	vsel vm11, v21, v62;
	vm12 =	vge.f32 v31, $3.000000000e+00  }
0xe6: {  	v32 =	vsel vm11, v22, v63;
	v39 =	vsel vm9, v29, v39;
	v42 =	vsel vm14, v27, v42  }
0xe7: {  	[tilespmem:s16+$0xB0] =	vst v40;
	v44 =	vsel vm8, v27, v44;
	v46 =	vsel vm8, v28, v46;
	vm9 =	vge.f32 v50, $6.000000000e+00  }
0xe8: {  	[tilespmem:s16+$0xD0] =	vst v41;
	v34 =	vsel vm13, v25, v57;
	v33 =	vsel vm13, v26, v33;
	vm14 =	vge.f32 v54, $5.000000000e+00  }
0xe9: {  	[tilespmem:s16+$0xF0] =	vst v43;
	v35 =	vsel vm7, v25, v35;
	vm8 =	vge.f32 v59, $5.000000000e+00;
	v36 =	vsel vm7, v26, v36  }
0xea: {  	v37 =	vsel vm12, v23, v37;
	vm13 =	vge.f32 v31, $4.000000000e+00;
	v42 =	vsel vm15, v29, v42;
	[tilespmem:s16+$0xC0] =	vst v39  }
0xeb: {  	v32 =	vsel vm12, v24, v32;
	v44 =	vsel vm9, v29, v44;
	v58 =	vsel vm9, v30, v46;
	[tilespmem:s16+$0xE0] =	vst v42  }
0xec: {  	v34 =	vsel vm14, v27, v34;
	v33 =	vsel vm14, v28, v33;
	vm15 =	vge.f32 v54, $6.000000000e+00;
	[tilespmem:s19+$0xD00] =	vst v44  }
0xed: {  	v35 =	vsel vm8, v27, v35;
	vm9 =	vge.f32 v59, $6.000000000e+00;
	v34 =	vsel vm15, v29, v34;
	[tilespmem:s16+$0x110] =	vst v58  }
0xee: {  	v36 =	vsel vm8, v28, v36;
	v38 =	vsel vm13, v25, v37;
	v33 =	vsel vm15, v30, v33;
	[tilespmem:s16+$0x120] =	vst v34  }
0xef: {  	vm14 =	vge.f32 v31, $5.000000000e+00;
	v32 =	vsel vm13, v26, v32;
	v35 =	vsel vm9, v29, v35;
	[tilespmem:s16+$0x130] =	vst v33  }
0xf0: {  	v36 =	vsel vm9, v30, v36;
	vm15 =	vge.f32 v31, $6.000000000e+00;
	v31 =	vsel vm14, v28, v32;
	[tilespmem:s16+$0x140] =	vst v35  }
0xf1: {  	v31 =	vsel vm15, v30, v31;
	v33 =	vsel vm14, v27, v38;
	[tilespmem:s16+$0x150] =	vst v36  }
0xf2: {  	[tilespmem:s16+$0x170] =	vst v31;
	v39 =	vsel vm15, v29, v33  }
0xf3: {  	[tilespmem:s16+$0x160] =	vst v39  }
0xf4: {  	v31 =	vld [tilespmem:s17+$0xB];
	_ =	sdelay $0x4  }
0xf5: {  	[tilespmem:s19+$0xD80] =	vst v31  }
0xf6: {  	[tilespmem:s16+$0x18C] =	vst v10  }
0xf7: {  	v31 =	vld [tilespmem:s17+$0x17];
	_ =	sdelay $0x4  }
0xf8: {  	v40 =	vperm.xlane v31, v0  }
0xf9: {  	v42 =	vperm.xlane v31, v1;
	v44 =	vperm.xlane v31, v2  }
0xfa: {  	v47 =	vperm.xlane v31, v3;
	v52 =	vperm.xlane v31, v4  }
0xfb: {  	v55 =	vperm.xlane v31, v5;
	v58 =	vperm.xlane v31, v6  }
0xfc: {  	v62 =	vperm.xlane v31, v7;
	vm4 =	vge.f32 v40, $1.000000000e+00;
	vm5 =	vge.f32 v40, $2.000000000e+00  }
0xfd: {  	vm6 =	vge.f32 v42, $1.000000000e+00;
	vm7 =	vge.f32 v42, $2.000000000e+00;
	vm8 =	vge.f32 v44, $1.000000000e+00  }
0xfe: {  	vm9 =	vge.f32 v44, $2.000000000e+00;
	vm10 =	vge.f32 v47, $1.000000000e+00;
	vm11 =	vge.f32 v47, $2.000000000e+00  }
0xff: {  	vm12 =	vge.f32 v47, $3.000000000e+00;
	vm13 =	vge.f32 v47, $4.000000000e+00;
	vm14 =	vge.f32 v47, $5.000000000e+00  }
0x100: {  	vm15 =	vge.f32 v47, $6.000000000e+00;
	v41 =	vsel vm4, v13, v11;
	v43 =	vsel vm4, v14, v12  }
0x101: {  	v45 =	vsel vm6, v13, v11;
	v46 =	vsel vm6, v14, v12;
	v48 =	vsel vm8, v13, v11  }
0x102: {  	v49 =	vsel vm8, v14, v12;
	v50 =	vsel vm10, v19, v17;
	v51 =	vsel vm10, v20, v18  }
0x103: {  	vm4 =	vge.f32 v52, $1.000000000e+00;
	vm6 =	vge.f32 v52, $3.000000000e+00;
	vm8 =	vge.f32 v52, $5.000000000e+00  }
0x104: {  	vm10 =	vge.f32 v55, $1.000000000e+00;
	v33 =	vsel vm5, v15, v41;
	v34 =	vsel vm5, v16, v43  }
0x105: {  	v32 =	vsel vm7, v15, v45;
	v37 =	vsel vm7, v16, v46;
	v38 =	vsel vm9, v15, v48  }
0x106: {  	v39 =	vsel vm11, v21, v50;
	v40 =	vsel vm11, v22, v51;
	v35 =	vsel vm9, v16, v49  }
0x107: {  	v53 =	vsel vm4, v19, v17;
	vm5 =	vge.f32 v52, $2.000000000e+00;
	v54 =	vsel vm4, v20, v18  }
0x108: {  	vm7 =	vge.f32 v52, $4.000000000e+00;
	vm9 =	vge.f32 v52, $6.000000000e+00;
	v56 =	vsel vm10, v19, v17  }
0x109: {  	v57 =	vsel vm10, v20, v18;
	vm11 =	vge.f32 v55, $2.000000000e+00;
	vm4 =	vge.f32 v58, $1.000000000e+00  }
0x10a: {  	vm10 =	vge.f32 v62, $1.000000000e+00;
	v39 =	vsel vm12, v23, v39;
	v40 =	vsel vm12, v24, v40  }
0x10b: {  	v42 =	vsel vm5, v22, v54;
	v44 =	vsel vm11, v22, v57;
	vm12 =	vge.f32 v55, $3.000000000e+00  }
0x10c: {  	v60 =	vsel vm4, v19, v17;
	v61 =	vsel vm4, v20, v18;
	v63 =	vsel vm10, v19, v17  }
0x10d: {  	v48 =	vsel vm10, v20, v18;
	v39 =	vsel vm13, v25, v39;
	v40 =	vsel vm13, v26, v40  }
0x10e: {  	v42 =	vsel vm6, v24, v42;
	v44 =	vsel vm12, v24, v44;
	vm13 =	vge.f32 v55, $4.000000000e+00  }
0x10f: {  	v39 =	vsel vm14, v27, v39;
	v40 =	vsel vm14, v28, v40;
	v42 =	vsel vm7, v26, v42  }
0x110: {  	vm14 =	vge.f32 v55, $5.000000000e+00;
	v44 =	vsel vm13, v26, v44;
	v36 =	vsel vm15, v29, v39  }
0x111: {  	v39 =	vsel vm5, v21, v53;
	v40 =	vsel vm15, v30, v40;
	v42 =	vsel vm8, v28, v42  }
0x112: {  	vm15 =	vge.f32 v55, $6.000000000e+00;
	v59 =	vsel vm14, v28, v44;
	vm5 =	vge.f32 v58, $2.000000000e+00  }
0x113: {  	v53 =	vperm.xlane v31, v8;
	v31 =	vperm.xlane v31, v9;
	v39 =	vsel vm6, v23, v39  }
0x114: {  	v41 =	vsel vm9, v30, v42;
	v42 =	vsel vm11, v21, v56;
	v44 =	vsel vm5, v21, v60  }
0x115: {  	v46 =	vsel vm5, v22, v61;
	vm6 =	vge.f32 v58, $3.000000000e+00;
	v43 =	vsel vm15, v30, v59  }
0x116: {  	vm11 =	vge.f32 v62, $2.000000000e+00;
	v39 =	vsel vm7, v25, v39;
	v42 =	vsel vm12, v23, v42  }
0x117: {  	v44 =	vsel vm6, v23, v44;
	v46 =	vsel vm6, v24, v46;
	vm7 =	vge.f32 v58, $4.000000000e+00  }
0x118: {  	[tilespmem:s16+$0x1CC] =	vst v33;
	v45 =	vsel vm11, v21, v63;
	vm12 =	vge.f32 v62, $3.000000000e+00;
	v33 =	vsel vm11, v22, v48  }
0x119: {  	vm4 =	vge.f32 v53, $1.000000000e+00;
	vm5 =	vge.f32 v53, $2.000000000e+00;
	vm6 =	vge.f32 v53, $3.000000000e+00  }
0x11a: {  	vm10 =	vge.f32 v31, $1.000000000e+00;
	vm11 =	vge.f32 v31, $2.000000000e+00;
	v39 =	vsel vm8, v27, v39  }
0x11b: {  	v42 =	vsel vm13, v25, v42;
	v44 =	vsel vm7, v25, v44;
	vm8 =	vge.f32 v58, $5.000000000e+00  }
0x11c: {  	[tilespmem:s16+$0x1DC] =	vst v34;
	v46 =	vsel vm7, v26, v46;
	v49 =	vsel vm12, v23, v45;
	vm13 =	vge.f32 v62, $4.000000000e+00  }
0x11d: {  	s31 =	sadd.s32 $0x4A4, s18;
	[tilespmem:s16+$0x1EC] =	vst v32;
	v51 =	vsel vm12, v24, v33;
	v54 =	vsel vm4, v19, v17;
	v55 =	vsel vm4, v20, v18  }
0x11e: {  	s19 =	sand.u32 $0xFFF4, s31;
	[tilespmem:s16+$0x1FC] =	vst v37;
	vm7 =	vge.f32 v53, $4.000000000e+00;
	v59 =	vsel vm10, v20, v18;
	vm12 =	vge.f32 v31, $3.000000000e+00  }
0x11f: {  	[tilespmem:s19+$0xC80] =	vst v38;
	v39 =	vsel vm9, v29, v39;
	v42 =	vsel vm14, v27, v42;
	v44 =	vsel vm8, v27, v44  }
0x120: {  	[tilespmem:s16+$0x21C] =	vst v35;
	v46 =	vsel vm8, v28, v46;
	vm9 =	vge.f32 v58, $6.000000000e+00;
	v52 =	vsel vm13, v25, v49  }
0x121: {  	[tilespmem:s16+$0x22C] =	vst v36;
	v32 =	vsel vm13, v26, v51;
	vm14 =	vge.f32 v62, $5.000000000e+00;
	v35 =	vsel vm5, v21, v54  }
0x122: {  	[tilespmem:s16+$0x23C] =	vst v40;
	v36 =	vsel vm5, v22, v55;
	vm8 =	vge.f32 v53, $5.000000000e+00;
	v58 =	vsel vm10, v19, v17  }
0x123: {  	[tilespmem:s16+$0x25C] =	vst v41;
	v60 =	vsel vm11, v22, v59;
	vm13 =	vge.f32 v31, $4.000000000e+00;
	v42 =	vsel vm15, v29, v42  }
0x124: {  	[tilespmem:s16+$0x27C] =	vst v43;
	v44 =	vsel vm9, v29, v44;
	v50 =	vsel vm9, v30, v46;
	vm15 =	vge.f32 v62, $6.000000000e+00  }
0x125: {  	v33 =	vsel vm14, v27, v52;
	v32 =	vsel vm14, v28, v32;
	[tilespmem:s16+$0x24C] =	vst v39;
	v35 =	vsel vm6, v23, v35  }
0x126: {  	v36 =	vsel vm6, v24, v36;
	vm9 =	vge.f32 v53, $6.000000000e+00;
	v61 =	vsel vm12, v24, v60;
	[tilespmem:s16+$0x26C] =	vst v42  }
0x127: {  	vm14 =	vge.f32 v31, $5.000000000e+00;
	v33 =	vsel vm15, v29, v33;
	v32 =	vsel vm15, v30, v32;
	[tilespmem:s19+$0xD00] =	vst v44  }
0x128: {  	v35 =	vsel vm7, v25, v35;
	v36 =	vsel vm7, v26, v36;
	vm15 =	vge.f32 v31, $6.000000000e+00;
	[tilespmem:s16+$0x29C] =	vst v50  }
0x129: {  	v56 =	vsel vm8, v27, v35;
	v57 =	vsel vm8, v28, v36;
	v36 =	vsel vm11, v21, v58;
	[tilespmem:s16+$0x2AC] =	vst v33  }
0x12a: {  	v34 =	vsel vm9, v29, v56;
	v36 =	vsel vm12, v23, v36;
	[tilespmem:s16+$0x2BC] =	vst v32;
	v32 =	vsel vm13, v26, v61  }
0x12b: {  	v35 =	vsel vm9, v30, v57;
	v62 =	vsel vm13, v25, v36;
	[tilespmem:s16+$0x2CC] =	vst v34;
	v31 =	vsel vm14, v28, v32  }
0x12c: {  	[tilespmem:s16+$0x2DC] =	vst v35;
	v33 =	vsel vm14, v27, v62;
	v31 =	vsel vm15, v30, v31  }
0x12d: {  	v63 =	vsel vm15, v29, v33;
	[tilespmem:s16+$0x2FC] =	vst v31  }
0x12e: {  	s15 =	sadd.s32 $0x4, s15;
	[tilespmem:s16+$0x2EC] =	vst v63  }
0x12f: {  	p0 =	slt.u32 s15, $0x7C;
	v31 =	vld [tilespmem:s17+$0x22]  }
.Ltmp1:
0x130: {  	_ = 	snop;
	(pc) =	sbr.rel @p0 .LBB2_5-.Ltmp1, $2  }
0x131: {  	_ =	sdelay $0x2  }
0x132: {  	s18 =	sadd.s32 $0x630, s18;
	s16 =	sadd.s32 $0x630, s16;
	s17 =	sadd.s32 $0x5C, s17;
	[tilespmem:s19+$0xD80] =	vst v31  }
0x133: {  	s14 =	smul.u32 $0x18C, s14  }
0x134: {  	s13 =	sadd.s32 $0x1, s13  }
0x135: {  	p0 =	sne.s32 s13, $0x32;
	s14 =	sshrl.u32 s14, $0x3  }
.Ltmp2:
0x136: {  	s14 =	sadd.s32 s1, s14;
	(pc) =	sbr.rel @p0 .LBB2_4-.Ltmp2, $4  }
0x137: {  	[hbm4b:s14+s2] =	stream.linear.scatter [tilespmem:s10], [sflag:$0x1], $0xC600, $0x38;
	[tilespmem:$0xD400] =	vst v63  }
0x138: {  	_ =	swait.ge [sflag:s9], $0xC600  }
0x139: {  	[sflag:s9] =	ssyncset.done $0x0  }
0x13a: {  	[sflag:s9] =	ssyncadd.s32 $0xFFFF3A00  }
0x13b: {  	s11 =	sadd.s32 $0x1, s11  }
0x13c: {  	p0 =	sne.s32 s11, s7  }
.Ltmp3:
0x13d: {  	_ = 	snop;
	(pc) =	sbr.rel @p0 .LBB2_1-.Ltmp3, $1  }
0x13e: {  	_ =	sdelay $0x3  }
0x13f: {  	_ =	sfence.sel $0x180000  }
0x140: {  	[bflag:$0x0] =	sbarrier.arrive $0xFFFF  }
0x141: {  	p0 =	sne.s32 s3, $0x0;
	_ =	strace $0x90000047  }
0x142: {  	s0 =	sadd.s32 @!p0 $0x100000, s0;
	[bflag:$0x2] =	sbarrier.arrive $0xFFFF  }
0x143: {  	[sflag:s0] =	ssyncadd.tile.s32 @!p0 $0x1;
	_ =	shalt  }
.Lfunc_end2:
_tile_overlayer_lowered:
.L_overlay_start_2:
0x144: {  	(tag) =	ssettag $0x2  }
0x145: {  	s0 =	rddreg [dreg:$0x0];
	s2 =	stileid.u32  }
0x146: {  	s1 =	rddreg [dreg:$0x1];
	p0 =	sne.s32 s2, $0x0  }
0x147: {  	s3 =	rddreg [dreg:$0x2];
	[bflag:$0x3] =	sbarrier.arrive $0xFFFF;
	s2 =	simm.s32 @!p0 $0x1C01  }
0x148: {  	[timem:s3], [sflag:s2] =	dma.local @!p0 [hbm:s0], s1  }
0x149: {  	s0 =	simm.s32 @!p0 $0x1  }
0x14a: {  	_ =	swait.ge @!p0 [sflag:s0], s1  }
0x14b: {  	s1 =	ssub.s32 @!p0 $0x0, s1;
	[sflag:s0] =	ssyncset.done @!p0 $0x0  }
0x14c: {  	[sflag:s0] =	ssyncadd.s32 @!p0 s1  }
0x14d: {  	[bflag:$0x3] =	sbarrier.arrive $0xFFFF  }
0x14e: {  	_ =	shalt  }

// kernel: sparse-core-data-format-call.cloned.1.call-start
scs
called_computation_lowered:
.L_overlay_start_0:
0x0: {  	s2 =	sld [smem:$0x3FD9]  }
0x1: {  	s3 =	sld [smem:$0x3FFE];
	_ =	sdelay $0x1  }
0x2: {  	s1 =	srdreg.scid  }
0x3: {  	s0 =	sand.u32 $0x1, s1  }
0x4: {  	s18 =	sshll.u32 s0, $0xA;
	s2 =	sadd.s32 s3, s2  }
0x5: {  	s2 =	sadd.s32 s2, s18  }
0x6: {  	[smem:$0x3FC4] =	sst s2  }
0x7: {  	_ = 	snop  }
0x8: {  	s2 =	sld [smem:$0x3FD0];
	(tm) =	ssettm $0x1  }
0x9: {  	s19 =	sld [smem:$0x3FFB];
	_ =	sdelay $0x3  }
0xa: {  	_ =	strace s19  }
0xb: {  	s3 =	sld [smem:$0x3FFC];
	_ =	sdelay $0x3  }
0xc: {  	_ =	strace s3  }
0xd: {  	s3 =	sld [smem:$0x3FFD];
	_ =	sdelay $0x3  }
0xe: {  	_ =	strace s3  }
0xf: {  	_ =	strace $0x8FFFFFFF  }
0x10: {  	s20 =	sld [smem:$0x3FDB];
	_ =	sdelay $0x1  }
0x11: {  	s4 =	simm.s32 $_scs_section_size  }
0x12: {  	s5 =	simm.s32 $_size__tile_overlayer_lowered;
	s6 =	simm.s32 $_tile_overlayer_lowered  }
0x13: {  	s23 =	simm.s32 $0x1BFF;
	s22 =	sshll.u32 s6, $0x1;
	s3 =	sadd.s32 s4, s20  }
0x14: {  	s7 =	simm.s32 $0x0;
	s21 =	sshll.u32 s5, $0x1;
	s5 =	sadd.s32 s22, s3  }
0x15: {  	[timem:s7], [sflag:s23] =	dma.local [hbm:s5], s21  }
0x16: {  	_ =	swait.ge [sflag:s23], s21  }
0x17: {  	s4 =	ssub.s32 $0x0, s21;
	[sflag:s23] =	ssyncset.done $0x0  }
0x18: {  	[sflag:s23] =	ssyncadd.s32 s4;
	_ =	sdelay $0x1  }
0x19: {  	s24 =	simm.s32 $0x1B8B  }
0x1a: {  	_ =	swait.ge [sflag:s24], $0x1  }
0x1b: {  	[sflag:s24] =	ssyncset.done $0x0  }
0x1c: {  	s26 =	simm.s32 $0x1B8E;
	s25 =	sld [smem:$0x3FFE];
	[sflag:s24] =	ssyncadd.s32 $0xFFFFFFFF  }
0x1d: {  	s27 =	simm.s32 $execute0_lowered;
	[smem:$0x3FD2] =	sst s26  }
0x1e: {  	s5 =	sshll.u32 s27, $0x1;
	_ =	strace $0x80000049;
	[dreg:$0x1] =	wrdreg $0xFFFFFFFF  }
0x1f: {  	s28 =	simm.s32 $_size_execute0_lowered;
	s3 =	sadd.s32 s3, s5;
	[dreg:$0x0] =	wrdreg $0x0  }
0x20: {  	s5 =	sshll.u32 s28, $0x1;
	[dreg:$0x2] =	wrdreg s3  }
0x21: {  	[dreg:$0x3] =	wrdreg s5  }
0x22: {  	[dreg:$0x4] =	wrdreg $0xC0  }
0x23: {  	_ =	task [dreg:s7], $0x5FFFF  }
0x24: {  	[dreg:$0x1] =	wrdreg $0xFFFFFFFF  }
0x25: {  	[dreg:$0x0] =	wrdreg $0x60  }
0x26: {  	[dreg:$0x2] =	wrdreg s25  }
0x27: {  	[dreg:$0x3] =	wrdreg s2  }
0x28: {  	[dreg:$0x4] =	wrdreg $0x9  }
0x29: {  	_ =	task.clear_ibuf [dreg:s7], $0x5FFFF;
	_ =	strace $0x90000049  }
0x2a: {  	s29 =	simm.s32 $0x9;
	_ =	strace $0x8000004B  }
0x2b: {  	_ =	swait.ge [sflag:s29], $0x1  }
0x2c: {  	[sflag:s29] =	ssyncadd.s32 $0xFFFFFFFF  }
0x2d: {  	_ =	strace $0x9000004B  }
0x2e: {  	_ =	sfence  }
0x2f: {  	s30 =	sld [smem:$0x0];
	_ =	sdelay $0x2  }
0x30: {  	s31 =	sshll.u32 s1, $0xD;
	s1 =	sshrl.u32 s1, $0x2  }
0x31: {  	s3 =	sand.u32 $0x4000, s31;
	s1 =	sadd.s32 s1, s30  }
0x32: {  	s0 =	sor.u32 s3, s0;
	s1 =	sshll.u32 s1, $0x11  }
0x33: {  	s0 =	sor.u32 s1, s0  }
0x34: {  	s0 =	sadd.s32 $0x8F2B, s0  }
0x35: {  	[sflag:s0] =	ssyncadd.remote.s32 $0x1  }
0x36: {  	_ =	sfence.sel $0xFFFF  }
0x37: {  	[dreg:$0x0] =	wrdreg $0xFFFFFFFF;
	(pc) =	sbr.abs _section_cstart, $3  }
0x38: {  	[dreg:$0x1] =	wrdreg $0xFFFFFFFF  }
0x39: {  	_ =	task.clear_ibuf [dreg:s7], $0x2FFFF;
	_ =	strace $0x9FFFFFFF  }
0x3a: {  	(tm) =	ssettm $0x7FFFFFFF  }
0x3b: {  	_ =	shalt  }
tec
execute0_lowered:
.L_overlay_start_1:
0x0: {  	(tag) =	ssettag $0x1  }
0x1: {  	s0 =	srdreg.scid;
	s6 =	rddreg [dreg:$0x0]  }
0x2: {  	s3 =	rddreg [dreg:$0x1];
	s1 =	sshll.u32 s0, $0x4  }
0x3: {  	s5 =	simm.s32 $0x1;
	s0 =	stileid.u32;
	s1 =	sand.u32 $0x10, s1  }
0x4: {  	s31 =	simm.s32 $0x2;
	s16 =	simm.s32 $0x0;
	s1 =	sor.u32 s0, s1  }
0x5: {  	s8 =	simm.s32 $0x8000;
	s18 =	simm.s32 $0x0;
	s2 =	sshll.u32 s1, $0x7  }
0x6: {  	s17 =	simm.s32 $0x0;
	s9 =	simm.s32 $0x0;
	s4 =	ssub.s32 $0x1000, s2  }
0x7: {  	s10 =	simm.s32 $0x0;
	s11 =	simm.s32 $0x0;
	s30 =	sand.u32 $0xF80, s4  }
0x8: {  	s12 =	simm.s32 $0x0;
	s13 =	simm.s32 $0x0;
	p0 =	sne.s32 s30, $0x0  }
.Ltmp0:
0x9: {  	s7 =	sshrl.u32 s4, $0xC;
	s5 =	simm.s32 @!p0 $0x0;
	(pc) =	sbr.rel .LBB1_1-.Ltmp0, $4  }
0xa: {  	s15 =	simm.s32 $0x0;
	s1 =	rddreg [dreg:$0x2];
	s5 =	sadd.s32 s5, s7  }
0xb: {  	_ =	strace $0x8000004A;
	s4 =	simm.s32 $0x1;
	s5 =	smul.u32 $0xC8, s5  }
0xc: {  	s6 =	sadd.s32 $0x800, s6;
	s14 =	smov.u32 s2;
	[sflag:s4] =	ssyncpa.u1 $0x0  }
0xd: {  	[sflag:s31] =	ssyncpa.u1 $0x0;
	p0 =	por $0x0, $0x0;
	s7 =	sor.u32 $0x1, s5  }
.LBB1_4:
0xe: {  	s23 =	sshra.s32 s23, $0x2;
	s30 =	sshll.u32 s9, $0xC  }
0xf: {  	p1 =	sgt.s32 s10, $0x31;
	s24 =	smov.u32 s10;
	s25 =	sshra.s32 s10, $0x1F  }
0x10: {  	s26 =	sshll.u32 s11, $0x3;
	s28 =	smov.u32 s11;
	s29 =	sshra.s32 s11, $0x1F  }
0x11: {  	s22 =	sadd.s32 s23, s22;
	s24 =	simm.s32 @!p1 $0x31;
	s25 =	sand.u32 s25, s10  }
0x12: {  	s23 =	sand.u32 $0xFFFF8000, s30;
	s27 =	sand.u32 $0xFFFFFC00, s26;
	p1 =	sgt.s32 s9, $0x110  }
0x13: {  	s31 =	sand.u32 s29, s11;
	s29 =	sshll.u32 s9, $0x7;
	s30 =	sshra.s32 s9, $0x1F  }
0x14: {  	[tilespmem:s21+$0x2040 ss:$0x81] =	vst.msk $0xffff, v4;
	s24 =	ssub.s32 s24, s25;
	s23 =	sadd.s32 s27, s23;
	s27 =	smov.u32 s9  }
0x15: {  	[tilespmem:s21+$0x2850 ss:$0x81] =	vst.msk $0xffff, v3;
	s29 =	sand.u32 $0x380, s29;
	s25 =	sadd.s32 $0xFFFFFFCF, s24;
	s27 =	simm.s32 @!p1 $0x110  }
0x16: {  	v5 =	vld [tilespmem:s20+$0xFFFFFFD0];
	[tilespmem:s21+$0x3060 ss:$0x81] =	vst.msk $0xffff, v2;
	p1 =	sgt.s32 s11, $0xF80;
	s23 =	sshrl.u32 s23, $0xC;
	s24 =	ssub.s32 $0x32, s24  }
0x17: {  	v58 =	vld [tilespmem:s20+$0xFFFFFFE0];
	[tilespmem:s21+$0x0 ss:$0x81] =	vst.msk $0xffff, v1;
	s28 =	simm.s32 @!p1 $0xF80;
	p1 =	sgt.s32 s25, $0x0;
	s21 =	smulhi.u32 $0xA3D70B, s23  }
0x18: {  	v59 =	vld [tilespmem:s20+$0xFFFFFFF0];
	s25 =	ssub.s32 s28, s31;
	s28 =	sand.u32 s30, s9;
	s24 =	simm.s32 @p1 $0x0  }
0x19: {  	v60 =	vld [tilespmem:s20+$0x0];
	s27 =	ssub.s32 s27, s28;
	s31 =	sadd.s32 $0xFFFFF080, s25;
	s25 =	ssub.s32 $0x1000, s25  }
0x1a: {  	v61 =	vld [tilespmem:s20+$0x10];
	[tilespmem:s22+$0x3870 ss:$0x81] =	vst.msk $0xffff, v0;
	s21 =	smul.u32 $0x190, s21;
	s28 =	sand.u32 $0x7, s11;
	p1 =	sgt.s32 s31, $0x7F  }
0x1b: {  	v62 =	vld [tilespmem:s20+$0x20];
	[tilespmem:s22+$0x810 ss:$0x81] =	vst.msk $0xffff, v5;
	s30 =	sadd.s32 $0xFFFFFEF0, s27;
	s31 =	sand.u32 $0x78, s11;
	s25 =	simm.s32 @p1 $0x0  }
0x1c: {  	v63 =	vld [tilespmem:s20+$0xFFFFFFC0];
	[tilespmem:s22+$0x1020 ss:$0x81] =	vst.msk $0xffff, v58;
	p1 =	sgt.s32 s30, $0x7F;
	s30 =	sand.u32 $0xC00, s26;
	s24 =	smul.u32 s25, s24  }
0x1d: {  	[tilespmem:s22+$0x1830 ss:$0x81] =	vst.msk $0xffff, v59;
	s26 =	ssub.s32 $0x190, s27;
	s20 =	sor.u32 s31, s30;
	s31 =	smul.u32 $0x32000, s10  }
0x1e: {  	[tilespmem:s22+$0x2040 ss:$0x81] =	vst.msk $0xffff, v60;
	s21 =	ssub.s32 s23, s21;
	s26 =	simm.s32 @p1 $0x0;
	s20 =	sor.u32 s29, s20  }
0x1f: {  	[tilespmem:s22+$0x2850 ss:$0x81] =	vst.msk $0xffff, v61;
	s26 =	smul.u32 s26, s24;
	s20 =	sshrl.u32 s20, $0x3;
	s27 =	sadd.s32 s3, s31  }
0x20: {  	[tilespmem:s22+$0x3060 ss:$0x81] =	vst.msk $0xffff, v62;
	s21 =	sshll.u32 s21, $0x9;
	s29 =	sshll.u32 s28, $0x12;
	s20 =	sadd.s32 s20, s27  }
0x21: {  	[tilespmem:s22+$0x0 ss:$0x81] =	vst.msk $0xffff, v63;
	s31 =	sor.u32 $0x400, s29;
	s30 =	sand.u32 $0x3FFFFFFF, s26;
	s20 =	sadd.s32 s21, s20  }
0x22: {  	[hbm4b:s20+s31] =	stream.strided.scatter [tilespmem:s19], [sflag:$0x2], s30, s8, s31, $0x20;
	[tilespmem:$0x10100] =	vst v63  }
.LBB1_5:
0x23: {  	p1 =	slt.u32 s15, $0x2  }
0x24: {  	p2 =	sgt.s32 @!p1 s18, $0x31  }
0x25: {  	s19 =	smov.u32 s18;
	s20 =	sshra.s32 @!p1 s18, $0x1F;
	p2 =	por !p2, p1  }
0x26: {  	s18 =	sand.u32 @!p1 s20, s18;
	s19 =	simm.s32 @p2 $0x31  }
0x27: {  	p3 =	sgt.s32 @!p1 s16, $0x110;
	s18 =	ssub.s32 @!p1 s19, s18  }
0x28: {  	p4 =	sgt.s32 @!p1 s17, $0xF80;
	s21 =	sshra.s32 @!p1 s17, $0x1F;
	s19 =	sadd.s32 @!p1 $0xFFFFFFCF, s18  }
0x29: {  	s20 =	smov.u32 s16;
	p2 =	sgt.s32 @!p1 s19, $0x0;
	s19 =	sshra.s32 @!p1 s16, $0x1F  }
0x2a: {  	p4 =	por !p4, p1;
	s16 =	sand.u32 @!p1 s19, s16;
	s19 =	smov.u32 s17  }
0x2b: {  	p3 =	por !p3, p1;
	s17 =	sand.u32 @!p1 s21, s17;
	s19 =	simm.s32 @p4 $0xF80  }
0x2c: {  	s20 =	simm.s32 @p3 $0x110;
	s18 =	ssub.s32 @!p1 $0x32, s18;
	s17 =	ssub.s32 @!p1 s19, s17  }
0x2d: {  	p2 =	por !p2, p1;
	s16 =	ssub.s32 @!p1 s20, s16;
	s20 =	sadd.s32 @!p1 $0xFFFFF080, s17  }
0x2e: {  	s18 =	simm.s32 @!p2 $0x0;
	p3 =	sgt.s32 @!p1 s20, $0x7F  }
0x2f: {  	s19 =	sadd.s32 @!p1 $0xFFFFFEF0, s16;
	s17 =	ssub.s32 @!p1 $0x1000, s17;
	p3 =	por !p3, p1  }
0x30: {  	p2 =	sgt.s32 @!p1 s19, $0x7F;
	s19 =	sadd.s32 $0x80, s12;
	s17 =	simm.s32 @!p3 $0x0  }
0x31: {  	p3 =	sgt.s32 s19, $0x18B;
	s17 =	smul.u32 @!p1 s17, s18;
	s18 =	simm.s32 $0x1  }
0x32: {  	s16 =	ssub.s32 @!p1 $0x190, s16;
	p2 =	por !p2, p1;
	s18 =	simm.s32 @!p3 $0x0  }
0x33: {  	s21 =	smov.u32 s14;
	s16 =	simm.s32 @!p2 $0x0;
	s20 =	sadd.s32 s18, s13  }
0x34: {  	s16 =	smul.u32 @!p1 s16, s17;
	s17 =	sadd.s32 $0x1000, s14;
	p2 =	sgt.s32 s20, $0x31  }
0x35: {  	p0 =	por !p0, !p0;
	s22 =	simm.s32 @!p1 $0x2;
	s21 =	smov.u32 @p2 s17  }
0x36: {  	s19 =	simm.s32 @p3 $0x0;
	s20 =	simm.s32 @p2 $0x0;
	p2 =	sgt.s32 s21, $0xFFF  }
0x37: {  	s18 =	smov.u32 s10;
	s21 =	smov.u32 @p2 s2;
	p2 =	sne.s32 s15, s7  }
.Ltmp1:
0x38: {  	s10 =	smov.u32 s13;
	s16 =	sand.u32 @!p1 $0x3FFFFFFF, s16;
	(pc) =	sbr.rel @!p2 .LBB1_6-.Ltmp1, $4  }
0x39: {  	s17 =	smov.u32 s11;
	s11 =	smov.u32 s14;
	_ =	swait.ge @!p1 [sflag:s22], s16  }
0x3a: {  	s23 =	ssub.s32 @!p1 $0x0, s16;
	s16 =	smov.u32 s9;
	s9 =	smov.u32 s12  }
0x3b: {  	s12 =	smov.u32 s19;
	s13 =	smov.u32 s20;
	[sflag:s22] =	ssyncset.done @!p1 $0x0  }
0x3c: {  	s15 =	sadd.s32 $0x1, s15;
	[sflag:s22] =	ssyncadd.s32 @!p1 s23;
	s14 =	smov.u32 s21  }
.LBB1_1:
0x3d: {  	p1 =	sge.u32 s15, s5  }
0x3e: {  	s19 =	sshll.u32 @!p1 s13, $0x9;
	s20 =	sshll.u32 @!p1 s12, $0x3  }
0x3f: {  	s21 =	sshll.u32 @!p1 s13, $0x7;
	s19 =	sand.u32 @!p1 $0xFFFFF000, s19;
	s20 =	sand.u32 @!p1 $0xFFFFFC00, s20  }
0x40: {  	s19 =	sadd.s32 @!p1 s19, s20;
	s20 =	sand.u32 @!p1 $0x200, s21  }
0x41: {  	s19 =	sor.u32 @!p1 s20, s19  }
0x42: {  	s19 =	sshrl.u32 @!p1 s19, $0x9  }
0x43: {  	s31 =	sadd.s32 $0xFFFFFFFF, s15;
	s20 =	smulhi.u32 @!p1 $0x4924925, s19  }
0x44: {  	s22 =	sxor.u32 @!p1 $0xFFFFFFFF, s15;
	s23 =	sand.u32 @!p1 $0x78, s12;
	s24 =	smul.u32 @!p1 $0xE00, s14  }
0x45: {  	s22 =	sshll.u32 @!p1 s22, $0xE;
	s21 =	sand.u32 @!p1 $0x180, s21;
	s20 =	smul.u32 @!p1 $0x38, s20  }
0x46: {  	s22 =	sand.u32 @!p1 $0x4000, s22;
	s21 =	sor.u32 @!p1 s23, s21;
	s23 =	sand.u32 @!p1 $0x7, s12  }
0x47: {  	s19 =	ssub.s32 @!p1 s19, s20;
	s20 =	sshrl.u32 @!p1 s21, $0x3;
	s21 =	sadd.s32 @!p1 s6, s24  }
0x48: {  	s19 =	sshll.u32 @!p1 s19, $0x6;
	s20 =	sadd.s32 @!p1 s20, s21;
	s21 =	sshll.u32 @!p1 s23, $0x12  }
0x49: {  	s19 =	sadd.s32 @!p1 s19, s20;
	s20 =	sor.u32 @!p1 $0x80, s21;
	s21 =	simm.s32 @!p1 $0x7000  }
0x4a: {  	[tilespmem:s22], [sflag:$0x1] =	stream.strided.gather @!p1 [hbm4b:s19+s20], $0x4000, s21, s20, $0x38;
	[tilespmem:$0x10100] =	vst v63  }
0x4b: {  	p1 =	sge.u32 s31, s5  }
.Ltmp2:
0x4c: {  	_ = 	snop;
	(pc) =	sbr.rel @p1 .LBB1_5-.Ltmp2, $1  }
0x4d: {  	_ =	sdelay $0x3  }
0x4e: {  	s19 =	simm.s32 $0x1  }
0x4f: {  	_ =	swait.ge [sflag:s4], $0x4000;
	s19 =	simm.s32 @!p0 $0x0  }
0x50: {  	[sflag:s4] =	ssyncset.done $0x0;
	s20 =	sshll.u32 s19, $0xE  }
0x51: {  	[sflag:s4] =	ssyncadd.s32 $0xFFFFC000;
	s20 =	sor.u32 $0x40, s20  }
0x52: {  	s19 =	smul.u32 $0x10200, s19;
	v0 =	vld [tilespmem:s20+$0x30]  }
0x53: {  	v1 =	vld [tilespmem:s20+$0xFFFFFFD0]  }
0x54: {  	s19 =	sshrl.u32 s19, $0x2;
	v5 =	vld [tilespmem:s20+$0xFFFFFFE0]  }
0x55: {  	v6 =	vld [tilespmem:s20+$0xFFFFFFF0];
	s22 =	sor.u32 $0x8000, s19  }
0x56: {  	s31 =	sand.u32 $0x1, s15;
	v4 =	vld [tilespmem:s20+$0x0];
	s21 =	sadd.s32 $0x0, s22  }
0x57: {  	v3 =	vld [tilespmem:s20+$0x10];
	s19 =	smul.u32 $0x10200, s31;
	[tilespmem:s21+$0x3870 ss:$0x81] =	vst.msk $0xffff, v0  }
0x58: {  	v2 =	vld [tilespmem:s20+$0x20];
	[tilespmem:s21+$0x810 ss:$0x81] =	vst.msk $0xffff, v1  }
0x59: {  	s19 =	sshrl.u32 s19, $0x2;
	v1 =	vld [tilespmem:s20+$0xFFFFFFC0];
	[tilespmem:s21+$0x1020 ss:$0x81] =	vst.msk $0xffff, v5;
	s20 =	sadd.s32 $0x80, s20  }
0x5a: {  	s23 =	simm.s32 $0x4;
	s24 =	simm.s32 $0x8;
	s19 =	sor.u32 $0x8000, s19;
	[tilespmem:s21+$0x1830 ss:$0x81] =	vst.msk $0xffff, v6;
	v0 =	vld [tilespmem:s20+$0x30]  }
.LBB1_3:
0x5b: {  	p1 =	sne.s32 s24, $0x1FC;
	v5 =	vld [tilespmem:s20+$0xFFFFFFD0];
	[tilespmem:s21+$0x2040 ss:$0x81] =	vst.msk $0xffff, v4  }
0x5c: {  	v6 =	vld [tilespmem:s20+$0xFFFFFFE0];
	[tilespmem:s21+$0x2850 ss:$0x81] =	vst.msk $0xffff, v3  }
0x5d: {  	s25 =	sshra.s32 s23, $0x2;
	s23 =	smov.u32 s24;
	v7 =	vld [tilespmem:s20+$0xFFFFFFF0];
	[tilespmem:s21+$0x3060 ss:$0x81] =	vst.msk $0xffff, v2  }
.Ltmp3:
0x5e: {  	v4 =	vld [tilespmem:s20+$0x0];
	[tilespmem:s21+$0x0 ss:$0x81] =	vst.msk $0xffff, v1;
	s21 =	sadd.s32 s25, s22;
	(pc) =	sbr.rel @p1 .LBB1_3-.Ltmp3, $4  }
0x5f: {  	v3 =	vld [tilespmem:s20+$0x10];
	[tilespmem:s21+$0x3870 ss:$0x81] =	vst.msk $0xffff, v0  }
0x60: {  	[tilespmem:s21+$0x810 ss:$0x81] =	vst.msk $0xffff, v5;
	v2 =	vld [tilespmem:s20+$0x20]  }
0x61: {  	v1 =	vld [tilespmem:s20+$0xFFFFFFC0];
	[tilespmem:s21+$0x1020 ss:$0x81] =	vst.msk $0xffff, v6;
	s20 =	sadd.s32 $0x80, s20  }
0x62: {  	s24 =	sadd.s32 $0x4, s24;
	v0 =	vld [tilespmem:s20+$0x30];
	[tilespmem:s21+$0x1830 ss:$0x81] =	vst.msk $0xffff, v7  }
.Ltmp4:
0x63: {  	_ = 	snop;
	(pc) =	sbr.rel .LBB1_4-.Ltmp4, $1  }
0x64: {  	_ =	sdelay $0x3  }
.LBB1_6:
0x65: {  	_ =	sfence.sel $0x180000  }
0x66: {  	s2 =	simm.s32 $0x1;
	[bflag:$0x0] =	sbarrier.arrive $0xFFFF  }
0x67: {  	s31 =	simm.s32 $0x2;
	[sflag:s2] =	ssyncpa.u1 $0x1  }
0x68: {  	[sflag:s31] =	ssyncpa.u1 $0x1  }
0x69: {  	p0 =	sne.s32 s0, $0x0;
	_ =	strace $0x9000004A  }
0x6a: {  	s0 =	sadd.s32 @!p0 $0x100000, s1;
	[bflag:$0x2] =	sbarrier.arrive $0xFFFF  }
0x6b: {  	[sflag:s0] =	ssyncadd.tile.s32 @!p0 $0x1;
	_ =	shalt  }
.Lfunc_end1:
_tile_overlayer_lowered:
.L_overlay_start_2:
0x6c: {  	(tag) =	ssettag $0x2  }
0x6d: {  	s0 =	rddreg [dreg:$0x0];
	s2 =	stileid.u32  }
0x6e: {  	s1 =	rddreg [dreg:$0x1];
	p0 =	sne.s32 s2, $0x0  }
0x6f: {  	s3 =	rddreg [dreg:$0x2];
	[bflag:$0x3] =	sbarrier.arrive $0xFFFF;
	s2 =	simm.s32 @!p0 $0x1C01  }
0x70: {  	[timem:s3], [sflag:s2] =	dma.local @!p0 [hbm:s0], s1  }
0x71: {  	s0 =	simm.s32 @!p0 $0x1  }
0x72: {  	_ =	swait.ge @!p0 [sflag:s0], s1  }
0x73: {  	s1 =	ssub.s32 @!p0 $0x0, s1;
	[sflag:s0] =	ssyncset.done @!p0 $0x0  }
0x74: {  	[sflag:s0] =	ssyncadd.s32 @!p0 s1  }
0x75: {  	[bflag:$0x3] =	sbarrier.arrive $0xFFFF  }
0x76: {  	_ =	shalt  }

</sc_bundles>
